<compile_context>
chip_gen: v7x
topology: tpu7x:2x2x1
jax: 0.10.2.dev20260603
libtpu: 0.0.44.dev20260713+nightly
codegen_flags: <defaults>
</compile_context>

<pallas_src>
import functools

import jax
import jax.numpy as jnp
from jax import lax
from jax.experimental import pallas as pl
from jax.experimental.pallas import tpu as pltpu
from jax.experimental.pallas import tpu_sc as plsc

E = 8
K = 2
DIM = 1024
DFF = 4096
EPS = 1e-6

TB = 512
FB = 512


def _routing_body(cap, xf_ref, rmsw_ref, rw_ref, h_ref, meta_ref, cnt_ref):
    i = pl.program_id(0)

    @pl.when(i == 0)
    def _():
        cnt_ref[...] = jnp.zeros_like(cnt_ref)

    x = xf_ref[...]
    ms = jnp.mean(x * x, axis=-1, keepdims=True)
    h = x * lax.rsqrt(ms + EPS) * rmsw_ref[0:1, :]
    h_ref[...] = h

    logits = jnp.dot(h, rw_ref[...], preferred_element_type=jnp.float32)
    z = logits - jnp.max(logits, axis=-1, keepdims=True)
    ez = jnp.exp(z)
    sm = ez / jnp.sum(ez, axis=-1, keepdims=True)

    lanes = lax.broadcasted_iota(jnp.int32, sm.shape, 1)
    m0 = jnp.max(sm, axis=-1, keepdims=True)
    i0 = jnp.min(jnp.where(sm == m0, lanes, E), axis=-1, keepdims=True)
    oneh0 = (lanes == i0).astype(jnp.float32)
    smm = jnp.where(lanes == i0, -1.0, sm)
    m1 = jnp.max(smm, axis=-1, keepdims=True)
    i1 = jnp.min(jnp.where(smm == m1, lanes, E), axis=-1, keepdims=True)
    oneh1 = (lanes == i1).astype(jnp.float32)

    comb = oneh0 + oneh1
    rows = lax.broadcasted_iota(jnp.int32, (TB, TB), 0)
    cols = lax.broadcasted_iota(jnp.int32, (TB, TB), 1)
    tri = (cols < rows).astype(jnp.float32)
    excl = jnp.dot(tri, comb, preferred_element_type=jnp.float32)

    base = cnt_ref[...]
    p0 = jnp.sum((excl + base) * oneh0, axis=-1, keepdims=True)
    p1 = jnp.sum((excl + base + oneh0) * oneh1, axis=-1, keepdims=True)
    cnt_ref[...] = base + jnp.sum(comb, axis=0, keepdims=True)

    capf = jnp.float32(cap)
    k0 = (p0 < capf).astype(jnp.float32)
    k1 = (p1 < capf).astype(jnp.float32)
    p0c = jnp.minimum(p0, capf - 1.0)
    p1c = jnp.minimum(p1, capf - 1.0)

    cols8 = lax.broadcasted_iota(jnp.int32, (TB, E), 1)
    meta = (i0.astype(jnp.float32) * (cols8 == 0)
            + i1.astype(jnp.float32) * (cols8 == 1)
            + p0c * (cols8 == 2)
            + p1c * (cols8 == 3)
            + m0 * (cols8 == 4)
            + m1 * (cols8 == 5)
            + k0 * (cols8 == 6)
            + k1 * (cols8 == 7))
    meta_ref[...] = meta


def _routing(xf, rms_w8, router_w, cap):
    t = xf.shape[0]
    grid = t // TB
    return pl.pallas_call(
        functools.partial(_routing_body, cap),
        grid=(grid,),
        in_specs=[
            pl.BlockSpec((TB, DIM), lambda i: (i, 0)),
            pl.BlockSpec((8, DIM), lambda i: (0, 0)),
            pl.BlockSpec((DIM, E), lambda i: (0, 0)),
        ],
        out_specs=[
            pl.BlockSpec((TB, DIM), lambda i: (i, 0)),
            pl.BlockSpec((TB, E), lambda i: (i, 0)),
        ],
        out_shape=[
            jax.ShapeDtypeStruct((t, DIM), jnp.float32),
            jax.ShapeDtypeStruct((t, E), jnp.float32),
        ],
        scratch_shapes=[pltpu.VMEM((1, E), jnp.float32)],
    )(xf, rms_w8, router_w)


def _make_sc_gather(v, d, b):
    info = plsc.get_sparse_core_info()
    nw = info.num_cores * info.num_subcores
    b_per_w = b // nw
    ch = min(32, b_per_w)
    n_ch = b_per_w // ch
    mesh = plsc.VectorSubcoreMesh(core_axis_name="c", subcore_axis_name="s")

    @functools.partial(
        pl.kernel, mesh=mesh,
        out_type=jax.ShapeDtypeStruct((b, d), jnp.float32),
        scratch_types=[
            pltpu.VMEM((ch,), jnp.int32),
            pltpu.VMEM((ch,), jnp.int32),
            pltpu.VMEM((ch, d), jnp.float32),
            pltpu.VMEM((ch, d), jnp.float32),
            pltpu.SemaphoreType.DMA,
            pltpu.SemaphoreType.DMA,
        ],
    )
    def k(table_hbm, idx_hbm, out_hbm, idx0, idx1, r0, r1, s0, s1):
        wid = lax.axis_index("s") * info.num_cores + lax.axis_index("c")
        base = wid * b_per_w
        idxs, rows, sems = [idx0, idx1], [r0, r1], [s0, s1]
        copies = [None, None]
        pltpu.sync_copy(idx_hbm.at[pl.ds(base, ch)], idx0)
        copies[0] = pltpu.async_copy(table_hbm.at[idx0], r0, s0)
        for c in range(n_ch):
            cur, nxt = c % 2, (c + 1) % 2
            if c + 1 < n_ch:
                off = base + (c + 1) * ch
                pltpu.sync_copy(idx_hbm.at[pl.ds(off, ch)], idxs[nxt])
                copies[nxt] = pltpu.async_copy(
                    table_hbm.at[idxs[nxt]], rows[nxt], sems[nxt])
            copies[cur].wait()
            pltpu.sync_copy(rows[cur], out_hbm.at[pl.ds(base + c * ch, ch)])

    return k


def _mlp_body(buf_ref, w1_ref, w2_ref, out_ref):
    f = pl.program_id(1)

    @pl.when(f == 0)
    def _():
        out_ref[...] = jnp.zeros_like(out_ref)

    rb = 256
    w1b = w1_ref[0]
    w2b = w2_ref[0]
    for c in range(buf_ref.shape[0] // rb):
        rows = pl.ds(c * rb, rb)
        hh = jnp.dot(buf_ref[rows, :], w1b, preferred_element_type=jnp.float32)
        hh = jax.nn.gelu(hh, approximate=True)
        out_ref[rows, :] += jnp.dot(hh, w2b, preferred_element_type=jnp.float32)


def _mlp(buf, w1, w2, cap):
    return pl.pallas_call(
        _mlp_body,
        grid=(E, DFF // FB),
        in_specs=[
            pl.BlockSpec((cap, DIM), lambda e, f: (e, 0)),
            pl.BlockSpec((1, DIM, FB), lambda e, f: (e, 0, f)),
            pl.BlockSpec((1, FB, DIM), lambda e, f: (e, f, 0)),
        ],
        out_specs=pl.BlockSpec((cap, DIM), lambda e, f: (e, 0)),
        out_shape=jax.ShapeDtypeStruct((E * cap, DIM), jnp.float32),
    )(buf, w1, w2)


def _combine_body(g0_ref, g1_ref, meta_ref, y_ref):
    meta = meta_ref[...]
    a0 = meta[:, 4:5] * meta[:, 6:7]
    a1 = meta[:, 5:6] * meta[:, 7:8]
    y_ref[...] = g0_ref[...] * a0 + g1_ref[...] * a1


def _combine(g, meta, t):
    nb = t // TB
    return pl.pallas_call(
        _combine_body,
        grid=(nb,),
        in_specs=[
            pl.BlockSpec((TB, DIM), lambda i: (i, 0)),
            pl.BlockSpec((TB, DIM), lambda i, _nb=nb: (i + _nb, 0)),
            pl.BlockSpec((TB, E), lambda i: (i, 0)),
        ],
        out_specs=pl.BlockSpec((TB, DIM), lambda i: (i, 0)),
        out_shape=jax.ShapeDtypeStruct((t, DIM), jnp.float32),
    )(g, g, meta)


def kernel(x, rms_w, router_w, w1, w2):
    b, s, _ = x.shape
    t = b * s
    cap = (t * K) // E

    xf = jnp.transpose(x, (1, 0, 2)).reshape(t, DIM)
    rms_w8 = jnp.broadcast_to(rms_w[None, :], (8, DIM))

    h, meta = _routing(xf, rms_w8, router_w, cap)

    e0 = meta[:, 0].astype(jnp.int32)
    e1 = meta[:, 1].astype(jnp.int32)
    p0 = meta[:, 2].astype(jnp.int32)
    p1 = meta[:, 3].astype(jnp.int32)
    k0 = meta[:, 6] > 0.5
    k1 = meta[:, 7] > 0.5
    slot0 = e0 * cap + p0
    slot1 = e1 * cap + p1
    tok = jnp.arange(t, dtype=jnp.int32)
    dump = E * cap
    src = jnp.zeros((E * cap + 8,), jnp.int32)
    src = src.at[jnp.where(k0, slot0, dump)].set(tok)
    src = src.at[jnp.where(k1, slot1, dump)].set(tok)
    src_idx = src[:E * cap]
    comb_idx = jnp.concatenate([jnp.where(k0, slot0, 0),
                                jnp.where(k1, slot1, 0)])

    buf = _make_sc_gather(t, DIM, E * cap)(h, src_idx)
    ob = _mlp(buf, w1, w2, cap)
    g = _make_sc_gather(E * cap, DIM, t * K)(ob, comb_idx)
    y = _combine(g, meta, t)

    return jnp.transpose(y.reshape(s, b, DIM), (1, 0, 2))

# --- scband reference (transcript-rebuilt; emitter-appended) ---
"""Pipeline reference for scband-megablock-mo-e-343597384324 (READ-ONLY COPY).

The authoritative reference and input builder live on the scoring server;
editing this copy changes nothing except your own understanding.
"""

import jax, jax.numpy as jnp
import numpy as np

E = 8
K = 2
DIM = 1024
DFF = 4096
B = 2
S = 2048
CF = 1.0
EPS = 1e-6


def _xavier(key, shape, fan_in, fan_out):
    limit = float(np.sqrt(6.0 / (fan_in + fan_out)))
    return jax.random.uniform(key, shape, jnp.float32, -limit, limit)


def setup_inputs(seed: int = 0) -> dict:
    key = jax.random.key(seed)
    k1, k2, k3, k4 = jax.random.split(key, 4)
    x = jax.random.normal(k1, (B, S, DIM), jnp.float32)
    rms_w = jnp.ones((DIM,), jnp.float32)
    router_w = _xavier(k2, (DIM, E), DIM, E)
    w1 = _xavier(k3, (E, DIM, DFF), DIM, DFF)
    w2 = _xavier(k4, (E, DFF, DIM), DFF, DIM)
    return {"x": x, "rms_w": rms_w, "router_w": router_w, "w1": w1, "w2": w2}


def _moe_forward(x, rms_w, router_w, w1, w2):
    # RMSNorm
    h = x * jax.lax.rsqrt(jnp.mean(x * x, axis=-1, keepdims=True) + EPS) * rms_w
    # transpose(0,1) as in the torch module: (B,S,D) -> (S,B,D)
    xt = jnp.transpose(h, (1, 0, 2))
    T = xt.shape[0] * xt.shape[1]
    xf = xt.reshape(T, DIM)
    # Router: softmax then top-k (megablocks LearnedRouter, no renormalization)
    logits = xf @ router_w
    scores = jax.nn.softmax(logits, axis=-1)
    ew, ei = jax.lax.top_k(scores, K)  # [T,K]
    flat_e = ei.reshape(-1)            # [T*K]
    flat_w = ew.reshape(-1)            # [T*K]
    tok = jnp.arange(T * K) // K
    cap = int(T * K * CF) // E
    # Per-expert slot positions (token order), drop tokens over capacity
    oneh = jax.nn.one_hot(flat_e, E, dtype=jnp.float32)
    pos = ((jnp.cumsum(oneh, axis=0) * oneh).sum(-1)).astype(jnp.int32) - 1
    keep = (pos < cap).astype(xf.dtype)
    posc = jnp.clip(pos, 0, cap - 1)
    # Dispatch: [E, cap, DIM]
    buf = jnp.zeros((E, cap, DIM), xf.dtype).at[flat_e, posc].add(xf[tok] * keep[:, None])
    # Expert MLP (no bias, gelu-tanh as in megablocks default)
    hh = jax.nn.gelu(jnp.einsum('ecd,edf->ecf', buf, w1), approximate=True)
    ob = jnp.einsum('ecf,efd->ecd', hh, w2)
    # Combine: gather back, scale by routing weights
    ys = ob[flat_e, posc] * keep[:, None] * flat_w[:, None]
    y = ys.reshape(T, K, DIM).sum(axis=1)
    y = y.reshape(xt.shape)
    # transpose back (S,B,D) -> (B,S,D)
    return jnp.transpose(y, (1, 0, 2))


def reference(x, rms_w, router_w, w1, w2):
    return _moe_forward(x, rms_w, router_w, w1, w2)

if __name__ == "__main__":
    import jax
    _d = setup_inputs()
    print(jax.jit(kernel)(*tuple(_d.values())))

</pallas_src>

<mosaic_0001>
#map = affine_map<(d0, d1) -> (0, 0)>
#map1 = affine_map<(d0, d1) -> (0)>
module attributes {stable_mosaic.version = 14 : i64} {
  func.func @k(%arg0: i32, %arg1: i32, %arg2: memref<4096x1024xf32, #tpu.memory_space<hbm>>, %arg3: memref<8192xi32, #tpu.memory_space<hbm>>, %arg4: memref<8192x1024xf32, #tpu.memory_space<hbm>>, %arg5: memref<32xi32, #tpu.memory_space<vmem>>, %arg6: memref<32xi32, #tpu.memory_space<vmem>>, %arg7: memref<32x1024xf32, #tpu.memory_space<vmem>>, %arg8: memref<32x1024xf32, #tpu.memory_space<vmem>>, %arg9: memref<!tpu.dma_semaphore, #tpu.memory_space<semaphore_mem>>, %arg10: memref<!tpu.dma_semaphore, #tpu.memory_space<semaphore_mem>>) attributes {dimension_semantics = [#tpu.dimension_semantics<core_parallel>, #tpu.dimension_semantics<subcore_parallel>], iteration_bounds = array<i64: 2, 16>, scalar_prefetch = 0 : i64, scratch_operands = 6 : i64, tpu.core_type = #tpu.core_type<sc_vector_subcore>, window_params = [{transform_indices = #map}, {transform_indices = #map1}, {transform_indices = #map}]} {
    %mul3A = arith.constant 2 : i32
    %mul3A_0 = arith.muli %arg1, %mul3A : i32
    %add3A = arith.addi %mul3A_0, %arg0 : i32
    %mul3A_1 = arith.constant 256 : i32
    %mul3A_2 = arith.muli %add3A, %mul3A_1 : i32
    "tpu.region"() ({
      %run_scoped3A = tpu.sem_alloc : memref<!tpu.dma_semaphore, #tpu.memory_space<semaphore_mem>>
      %dma_start3A_79 = tpu.memref_slice %arg3[%mul3A_2] : memref<8192xi32, #tpu.memory_space<hbm>> -> memref<32xi32, #tpu.memory_space<hbm>>
      %dma_start3A_80 = tpu.memref_slice %arg3[%mul3A_2] : memref<8192xi32, #tpu.memory_space<hbm>> -> memref<32xi32, #tpu.memory_space<hbm>>
      tpu.enqueue_dma source(%dma_start3A_80 : memref<32xi32, #tpu.memory_space<hbm>>) target(%arg5 : memref<32xi32, #tpu.memory_space<vmem>>) target_semaphore(%run_scoped3A : memref<!tpu.dma_semaphore, #tpu.memory_space<semaphore_mem>>)
      %dma_wait3A_81 = tpu.memref_slice %arg3[%mul3A_2] : memref<8192xi32, #tpu.memory_space<hbm>> -> memref<32xi32, #tpu.memory_space<hbm>>
      %dma_wait3A_82 = tpu.memref_slice %arg3[%mul3A_2] : memref<8192xi32, #tpu.memory_space<hbm>> -> memref<32xi32, #tpu.memory_space<hbm>>
      tpu.wait_dma2 semaphore(%run_scoped3A : memref<!tpu.dma_semaphore, #tpu.memory_space<semaphore_mem>>) src(%dma_wait3A_82 : memref<32xi32, #tpu.memory_space<hbm>>) dst(%arg5 : memref<32xi32, #tpu.memory_space<vmem>>)
      tpu.yield
    }) : () -> ()
    %dma_start3A = arith.constant 0 : i32
    %dma_start3A_3 = arith.constant 0 : i32
    %dma_start3A_4 = tpu.memref_slice %arg2[%dma_start3A, %dma_start3A_3] : memref<4096x1024xf32, #tpu.memory_space<hbm>> -> memref<4096x1024xf32, #tpu.memory_space<hbm>>
    tpu.enqueue_indirect_dma source(%dma_start3A_4 : memref<4096x1024xf32, #tpu.memory_space<hbm>>) target(%arg7 : memref<32x1024xf32, #tpu.memory_space<vmem>>) offsets(%arg5 : memref<32xi32, #tpu.memory_space<vmem>>) semaphore(%arg9 : memref<!tpu.dma_semaphore, #tpu.memory_space<semaphore_mem>>)
    %add3A_5 = arith.constant 32 : i32
    %add3A_6 = arith.addi %mul3A_2, %add3A_5 : i32
    "tpu.region"() ({
      %run_scoped3A = tpu.sem_alloc : memref<!tpu.dma_semaphore, #tpu.memory_space<semaphore_mem>>
      %dma_start3A_79 = tpu.memref_slice %arg3[%add3A_6] : memref<8192xi32, #tpu.memory_space<hbm>> -> memref<32xi32, #tpu.memory_space<hbm>>
      %dma_start3A_80 = tpu.memref_slice %arg3[%add3A_6] : memref<8192xi32, #tpu.memory_space<hbm>> -> memref<32xi32, #tpu.memory_space<hbm>>
      tpu.enqueue_dma source(%dma_start3A_80 : memref<32xi32, #tpu.memory_space<hbm>>) target(%arg6 : memref<32xi32, #tpu.memory_space<vmem>>) target_semaphore(%run_scoped3A : memref<!tpu.dma_semaphore, #tpu.memory_space<semaphore_mem>>)
      %dma_wait3A_81 = tpu.memref_slice %arg3[%add3A_6] : memref<8192xi32, #tpu.memory_space<hbm>> -> memref<32xi32, #tpu.memory_space<hbm>>
      %dma_wait3A_82 = tpu.memref_slice %arg3[%add3A_6] : memref<8192xi32, #tpu.memory_space<hbm>> -> memref<32xi32, #tpu.memory_space<hbm>>
      tpu.wait_dma2 semaphore(%run_scoped3A : memref<!tpu.dma_semaphore, #tpu.memory_space<semaphore_mem>>) src(%dma_wait3A_82 : memref<32xi32, #tpu.memory_space<hbm>>) dst(%arg6 : memref<32xi32, #tpu.memory_space<vmem>>)
      tpu.yield
    }) : () -> ()
    %dma_start3A_7 = arith.constant 0 : i32
    %dma_start3A_8 = arith.constant 0 : i32
    %dma_start3A_9 = tpu.memref_slice %arg2[%dma_start3A_7, %dma_start3A_8] : memref<4096x1024xf32, #tpu.memory_space<hbm>> -> memref<4096x1024xf32, #tpu.memory_space<hbm>>
    tpu.enqueue_indirect_dma source(%dma_start3A_9 : memref<4096x1024xf32, #tpu.memory_space<hbm>>) target(%arg8 : memref<32x1024xf32, #tpu.memory_space<vmem>>) offsets(%arg6 : memref<32xi32, #tpu.memory_space<vmem>>) semaphore(%arg10 : memref<!tpu.dma_semaphore, #tpu.memory_space<semaphore_mem>>)
    %dma_wait3A = arith.constant 0 : i32
    %dma_wait3A_10 = arith.constant 0 : i32
    %dma_wait3A_11 = tpu.memref_slice %arg2[%dma_wait3A, %dma_wait3A_10] : memref<4096x1024xf32, #tpu.memory_space<hbm>> -> memref<4096x1024xf32, #tpu.memory_space<hbm>>
    tpu.wait_indirect_dma semaphore(%arg9 : memref<!tpu.dma_semaphore, #tpu.memory_space<semaphore_mem>>) src(%dma_wait3A_11 : memref<4096x1024xf32, #tpu.memory_space<hbm>>) dst(%arg7 : memref<32x1024xf32, #tpu.memory_space<vmem>>)
    %add3A_12 = arith.constant 0 : i32
    %add3A_13 = arith.addi %mul3A_2, %add3A_12 : i32
    "tpu.region"() ({
      %run_scoped3A = tpu.sem_alloc : memref<!tpu.dma_semaphore, #tpu.memory_space<semaphore_mem>>
      %dma_start3A_79 = arith.constant 0 : i32
      %dma_start3A_80 = tpu.memref_slice %arg4[%add3A_13, %dma_start3A_79] : memref<8192x1024xf32, #tpu.memory_space<hbm>> -> memref<32x1024xf32, #tpu.memory_space<hbm>>
      %dma_start3A_81 = arith.constant 0 : i32
      %dma_start3A_82 = tpu.memref_slice %arg4[%add3A_13, %dma_start3A_81] : memref<8192x1024xf32, #tpu.memory_space<hbm>> -> memref<32x1024xf32, #tpu.memory_space<hbm>>
      tpu.enqueue_dma source(%arg7 : memref<32x1024xf32, #tpu.memory_space<vmem>>) target(%dma_start3A_82 : memref<32x1024xf32, #tpu.memory_space<hbm>>) target_semaphore(%run_scoped3A : memref<!tpu.dma_semaphore, #tpu.memory_space<semaphore_mem>>)
      %dma_wait3A_83 = arith.constant 0 : i32
      %dma_wait3A_84 = tpu.memref_slice %arg4[%add3A_13, %dma_wait3A_83] : memref<8192x1024xf32, #tpu.memory_space<hbm>> -> memref<32x1024xf32, #tpu.memory_space<hbm>>
      %dma_wait3A_85 = arith.constant 0 : i32
      %dma_wait3A_86 = tpu.memref_slice %arg4[%add3A_13, %dma_wait3A_85] : memref<8192x1024xf32, #tpu.memory_space<hbm>> -> memref<32x1024xf32, #tpu.memory_space<hbm>>
      tpu.wait_dma2 semaphore(%run_scoped3A : memref<!tpu.dma_semaphore, #tpu.memory_space<semaphore_mem>>) src(%arg7 : memref<32x1024xf32, #tpu.memory_space<vmem>>) dst(%dma_wait3A_86 : memref<32x1024xf32, #tpu.memory_space<hbm>>)
      tpu.yield
    }) : () -> ()
    %add3A_14 = arith.constant 64 : i32
    %add3A_15 = arith.addi %mul3A_2, %add3A_14 : i32
    "tpu.region"() ({
      %run_scoped3A = tpu.sem_alloc : memref<!tpu.dma_semaphore, #tpu.memory_space<semaphore_mem>>
      %dma_start3A_79 = tpu.memref_slice %arg3[%add3A_15] : memref<8192xi32, #tpu.memory_space<hbm>> -> memref<32xi32, #tpu.memory_space<hbm>>
      %dma_start3A_80 = tpu.memref_slice %arg3[%add3A_15] : memref<8192xi32, #tpu.memory_space<hbm>> -> memref<32xi32, #tpu.memory_space<hbm>>
      tpu.enqueue_dma source(%dma_start3A_80 : memref<32xi32, #tpu.memory_space<hbm>>) target(%arg5 : memref<32xi32, #tpu.memory_space<vmem>>) target_semaphore(%run_scoped3A : memref<!tpu.dma_semaphore, #tpu.memory_space<semaphore_mem>>)
      %dma_wait3A_81 = tpu.memref_slice %arg3[%add3A_15] : memref<8192xi32, #tpu.memory_space<hbm>> -> memref<32xi32, #tpu.memory_space<hbm>>
      %dma_wait3A_82 = tpu.memref_slice %arg3[%add3A_15] : memref<8192xi32, #tpu.memory_space<hbm>> -> memref<32xi32, #tpu.memory_space<hbm>>
      tpu.wait_dma2 semaphore(%run_scoped3A : memref<!tpu.dma_semaphore, #tpu.memory_space<semaphore_mem>>) src(%dma_wait3A_82 : memref<32xi32, #tpu.memory_space<hbm>>) dst(%arg5 : memref<32xi32, #tpu.memory_space<vmem>>)
      tpu.yield
    }) : () -> ()
    %dma_start3A_16 = arith.constant 0 : i32
    %dma_start3A_17 = arith.constant 0 : i32
    %dma_start3A_18 = tpu.memref_slice %arg2[%dma_start3A_16, %dma_start3A_17] : memref<4096x1024xf32, #tpu.memory_space<hbm>> -> memref<4096x1024xf32, #tpu.memory_space<hbm>>
    tpu.enqueue_indirect_dma source(%dma_start3A_18 : memref<4096x1024xf32, #tpu.memory_space<hbm>>) target(%arg7 : memref<32x1024xf32, #tpu.memory_space<vmem>>) offsets(%arg5 : memref<32xi32, #tpu.memory_space<vmem>>) semaphore(%arg9 : memref<!tpu.dma_semaphore, #tpu.memory_space<semaphore_mem>>)
    %dma_wait3A_19 = arith.constant 0 : i32
    %dma_wait3A_20 = arith.constant 0 : i32
    %dma_wait3A_21 = tpu.memref_slice %arg2[%dma_wait3A_19, %dma_wait3A_20] : memref<4096x1024xf32, #tpu.memory_space<hbm>> -> memref<4096x1024xf32, #tpu.memory_space<hbm>>
    tpu.wait_indirect_dma semaphore(%arg10 : memref<!tpu.dma_semaphore, #tpu.memory_space<semaphore_mem>>) src(%dma_wait3A_21 : memref<4096x1024xf32, #tpu.memory_space<hbm>>) dst(%arg8 : memref<32x1024xf32, #tpu.memory_space<vmem>>)
    %add3A_22 = arith.constant 32 : i32
    %add3A_23 = arith.addi %mul3A_2, %add3A_22 : i32
    "tpu.region"() ({
      %run_scoped3A = tpu.sem_alloc : memref<!tpu.dma_semaphore, #tpu.memory_space<semaphore_mem>>
      %dma_start3A_79 = arith.constant 0 : i32
      %dma_start3A_80 = tpu.memref_slice %arg4[%add3A_23, %dma_start3A_79] : memref<8192x1024xf32, #tpu.memory_space<hbm>> -> memref<32x1024xf32, #tpu.memory_space<hbm>>
      %dma_start3A_81 = arith.constant 0 : i32
      %dma_start3A_82 = tpu.memref_slice %arg4[%add3A_23, %dma_start3A_81] : memref<8192x1024xf32, #tpu.memory_space<hbm>> -> memref<32x1024xf32, #tpu.memory_space<hbm>>
      tpu.enqueue_dma source(%arg8 : memref<32x1024xf32, #tpu.memory_space<vmem>>) target(%dma_start3A_82 : memref<32x1024xf32, #tpu.memory_space<hbm>>) target_semaphore(%run_scoped3A : memref<!tpu.dma_semaphore, #tpu.memory_space<semaphore_mem>>)
      %dma_wait3A_83 = arith.constant 0 : i32
      %dma_wait3A_84 = tpu.memref_slice %arg4[%add3A_23, %dma_wait3A_83] : memref<8192x1024xf32, #tpu.memory_space<hbm>> -> memref<32x1024xf32, #tpu.memory_space<hbm>>
      %dma_wait3A_85 = arith.constant 0 : i32
      %dma_wait3A_86 = tpu.memref_slice %arg4[%add3A_23, %dma_wait3A_85] : memref<8192x1024xf32, #tpu.memory_space<hbm>> -> memref<32x1024xf32, #tpu.memory_space<hbm>>
      tpu.wait_dma2 semaphore(%run_scoped3A : memref<!tpu.dma_semaphore, #tpu.memory_space<semaphore_mem>>) src(%arg8 : memref<32x1024xf32, #tpu.memory_space<vmem>>) dst(%dma_wait3A_86 : memref<32x1024xf32, #tpu.memory_space<hbm>>)
      tpu.yield
    }) : () -> ()
    %add3A_24 = arith.constant 96 : i32
    %add3A_25 = arith.addi %mul3A_2, %add3A_24 : i32
    "tpu.region"() ({
      %run_scoped3A = tpu.sem_alloc : memref<!tpu.dma_semaphore, #tpu.memory_space<semaphore_mem>>
      %dma_start3A_79 = tpu.memref_slice %arg3[%add3A_25] : memref<8192xi32, #tpu.memory_space<hbm>> -> memref<32xi32, #tpu.memory_space<hbm>>
      %dma_start3A_80 = tpu.memref_slice %arg3[%add3A_25] : memref<8192xi32, #tpu.memory_space<hbm>> -> memref<32xi32, #tpu.memory_space<hbm>>
      tpu.enqueue_dma source(%dma_start3A_80 : memref<32xi32, #tpu.memory_space<hbm>>) target(%arg6 : memref<32xi32, #tpu.memory_space<vmem>>) target_semaphore(%run_scoped3A : memref<!tpu.dma_semaphore, #tpu.memory_space<semaphore_mem>>)
      %dma_wait3A_81 = tpu.memref_slice %arg3[%add3A_25] : memref<8192xi32, #tpu.memory_space<hbm>> -> memref<32xi32, #tpu.memory_space<hbm>>
      %dma_wait3A_82 = tpu.memref_slice %arg3[%add3A_25] : memref<8192xi32, #tpu.memory_space<hbm>> -> memref<32xi32, #tpu.memory_space<hbm>>
      tpu.wait_dma2 semaphore(%run_scoped3A : memref<!tpu.dma_semaphore, #tpu.memory_space<semaphore_mem>>) src(%dma_wait3A_82 : memref<32xi32, #tpu.memory_space<hbm>>) dst(%arg6 : memref<32xi32, #tpu.memory_space<vmem>>)
      tpu.yield
    }) : () -> ()
    %dma_start3A_26 = arith.constant 0 : i32
    %dma_start3A_27 = arith.constant 0 : i32
    %dma_start3A_28 = tpu.memref_slice %arg2[%dma_start3A_26, %dma_start3A_27] : memref<4096x1024xf32, #tpu.memory_space<hbm>> -> memref<4096x1024xf32, #tpu.memory_space<hbm>>
    tpu.enqueue_indirect_dma source(%dma_start3A_28 : memref<4096x1024xf32, #tpu.memory_space<hbm>>) target(%arg8 : memref<32x1024xf32, #tpu.memory_space<vmem>>) offsets(%arg6 : memref<32xi32, #tpu.memory_space<vmem>>) semaphore(%arg10 : memref<!tpu.dma_semaphore, #tpu.memory_space<semaphore_mem>>)
    %dma_wait3A_29 = arith.constant 0 : i32
    %dma_wait3A_30 = arith.constant 0 : i32
    %dma_wait3A_31 = tpu.memref_slice %arg2[%dma_wait3A_29, %dma_wait3A_30] : memref<4096x1024xf32, #tpu.memory_space<hbm>> -> memref<4096x1024xf32, #tpu.memory_space<hbm>>
    tpu.wait_indirect_dma semaphore(%arg9 : memref<!tpu.dma_semaphore, #tpu.memory_space<semaphore_mem>>) src(%dma_wait3A_31 : memref<4096x1024xf32, #tpu.memory_space<hbm>>) dst(%arg7 : memref<32x1024xf32, #tpu.memory_space<vmem>>)
    %add3A_32 = arith.constant 64 : i32
    %add3A_33 = arith.addi %mul3A_2, %add3A_32 : i32
    "tpu.region"() ({
      %run_scoped3A = tpu.sem_alloc : memref<!tpu.dma_semaphore, #tpu.memory_space<semaphore_mem>>
      %dma_start3A_79 = arith.constant 0 : i32
      %dma_start3A_80 = tpu.memref_slice %arg4[%add3A_33, %dma_start3A_79] : memref<8192x1024xf32, #tpu.memory_space<hbm>> -> memref<32x1024xf32, #tpu.memory_space<hbm>>
      %dma_start3A_81 = arith.constant 0 : i32
      %dma_start3A_82 = tpu.memref_slice %arg4[%add3A_33, %dma_start3A_81] : memref<8192x1024xf32, #tpu.memory_space<hbm>> -> memref<32x1024xf32, #tpu.memory_space<hbm>>
      tpu.enqueue_dma source(%arg7 : memref<32x1024xf32, #tpu.memory_space<vmem>>) target(%dma_start3A_82 : memref<32x1024xf32, #tpu.memory_space<hbm>>) target_semaphore(%run_scoped3A : memref<!tpu.dma_semaphore, #tpu.memory_space<semaphore_mem>>)
      %dma_wait3A_83 = arith.constant 0 : i32
      %dma_wait3A_84 = tpu.memref_slice %arg4[%add3A_33, %dma_wait3A_83] : memref<8192x1024xf32, #tpu.memory_space<hbm>> -> memref<32x1024xf32, #tpu.memory_space<hbm>>
      %dma_wait3A_85 = arith.constant 0 : i32
      %dma_wait3A_86 = tpu.memref_slice %arg4[%add3A_33, %dma_wait3A_85] : memref<8192x1024xf32, #tpu.memory_space<hbm>> -> memref<32x1024xf32, #tpu.memory_space<hbm>>
      tpu.wait_dma2 semaphore(%run_scoped3A : memref<!tpu.dma_semaphore, #tpu.memory_space<semaphore_mem>>) src(%arg7 : memref<32x1024xf32, #tpu.memory_space<vmem>>) dst(%dma_wait3A_86 : memref<32x1024xf32, #tpu.memory_space<hbm>>)
      tpu.yield
    }) : () -> ()
    %add3A_34 = arith.constant 128 : i32
    %add3A_35 = arith.addi %mul3A_2, %add3A_34 : i32
    "tpu.region"() ({
      %run_scoped3A = tpu.sem_alloc : memref<!tpu.dma_semaphore, #tpu.memory_space<semaphore_mem>>
      %dma_start3A_79 = tpu.memref_slice %arg3[%add3A_35] : memref<8192xi32, #tpu.memory_space<hbm>> -> memref<32xi32, #tpu.memory_space<hbm>>
      %dma_start3A_80 = tpu.memref_slice %arg3[%add3A_35] : memref<8192xi32, #tpu.memory_space<hbm>> -> memref<32xi32, #tpu.memory_space<hbm>>
      tpu.enqueue_dma source(%dma_start3A_80 : memref<32xi32, #tpu.memory_space<hbm>>) target(%arg5 : memref<32xi32, #tpu.memory_space<vmem>>) target_semaphore(%run_scoped3A : memref<!tpu.dma_semaphore, #tpu.memory_space<semaphore_mem>>)
      %dma_wait3A_81 = tpu.memref_slice %arg3[%add3A_35] : memref<8192xi32, #tpu.memory_space<hbm>> -> memref<32xi32, #tpu.memory_space<hbm>>
      %dma_wait3A_82 = tpu.memref_slice %arg3[%add3A_35] : memref<8192xi32, #tpu.memory_space<hbm>> -> memref<32xi32, #tpu.memory_space<hbm>>
      tpu.wait_dma2 semaphore(%run_scoped3A : memref<!tpu.dma_semaphore, #tpu.memory_space<semaphore_mem>>) src(%dma_wait3A_82 : memref<32xi32, #tpu.memory_space<hbm>>) dst(%arg5 : memref<32xi32, #tpu.memory_space<vmem>>)
      tpu.yield
    }) : () -> ()
    %dma_start3A_36 = arith.constant 0 : i32
    %dma_start3A_37 = arith.constant 0 : i32
    %dma_start3A_38 = tpu.memref_slice %arg2[%dma_start3A_36, %dma_start3A_37] : memref<4096x1024xf32, #tpu.memory_space<hbm>> -> memref<4096x1024xf32, #tpu.memory_space<hbm>>
    tpu.enqueue_indirect_dma source(%dma_start3A_38 : memref<4096x1024xf32, #tpu.memory_space<hbm>>) target(%arg7 : memref<32x1024xf32, #tpu.memory_space<vmem>>) offsets(%arg5 : memref<32xi32, #tpu.memory_space<vmem>>) semaphore(%arg9 : memref<!tpu.dma_semaphore, #tpu.memory_space<semaphore_mem>>)
    %dma_wait3A_39 = arith.constant 0 : i32
    %dma_wait3A_40 = arith.constant 0 : i32
    %dma_wait3A_41 = tpu.memref_slice %arg2[%dma_wait3A_39, %dma_wait3A_40] : memref<4096x1024xf32, #tpu.memory_space<hbm>> -> memref<4096x1024xf32, #tpu.memory_space<hbm>>
    tpu.wait_indirect_dma semaphore(%arg10 : memref<!tpu.dma_semaphore, #tpu.memory_space<semaphore_mem>>) src(%dma_wait3A_41 : memref<4096x1024xf32, #tpu.memory_space<hbm>>) dst(%arg8 : memref<32x1024xf32, #tpu.memory_space<vmem>>)
    %add3A_42 = arith.constant 96 : i32
    %add3A_43 = arith.addi %mul3A_2, %add3A_42 : i32
    "tpu.region"() ({
      %run_scoped3A = tpu.sem_alloc : memref<!tpu.dma_semaphore, #tpu.memory_space<semaphore_mem>>
      %dma_start3A_79 = arith.constant 0 : i32
      %dma_start3A_80 = tpu.memref_slice %arg4[%add3A_43, %dma_start3A_79] : memref<8192x1024xf32, #tpu.memory_space<hbm>> -> memref<32x1024xf32, #tpu.memory_space<hbm>>
      %dma_start3A_81 = arith.constant 0 : i32
      %dma_start3A_82 = tpu.memref_slice %arg4[%add3A_43, %dma_start3A_81] : memref<8192x1024xf32, #tpu.memory_space<hbm>> -> memref<32x1024xf32, #tpu.memory_space<hbm>>
      tpu.enqueue_dma source(%arg8 : memref<32x1024xf32, #tpu.memory_space<vmem>>) target(%dma_start3A_82 : memref<32x1024xf32, #tpu.memory_space<hbm>>) target_semaphore(%run_scoped3A : memref<!tpu.dma_semaphore, #tpu.memory_space<semaphore_mem>>)
      %dma_wait3A_83 = arith.constant 0 : i32
      %dma_wait3A_84 = tpu.memref_slice %arg4[%add3A_43, %dma_wait3A_83] : memref<8192x1024xf32, #tpu.memory_space<hbm>> -> memref<32x1024xf32, #tpu.memory_space<hbm>>
      %dma_wait3A_85 = arith.constant 0 : i32
      %dma_wait3A_86 = tpu.memref_slice %arg4[%add3A_43, %dma_wait3A_85] : memref<8192x1024xf32, #tpu.memory_space<hbm>> -> memref<32x1024xf32, #tpu.memory_space<hbm>>
      tpu.wait_dma2 semaphore(%run_scoped3A : memref<!tpu.dma_semaphore, #tpu.memory_space<semaphore_mem>>) src(%arg8 : memref<32x1024xf32, #tpu.memory_space<vmem>>) dst(%dma_wait3A_86 : memref<32x1024xf32, #tpu.memory_space<hbm>>)
      tpu.yield
    }) : () -> ()
    %add3A_44 = arith.constant 160 : i32
    %add3A_45 = arith.addi %mul3A_2, %add3A_44 : i32
    "tpu.region"() ({
      %run_scoped3A = tpu.sem_alloc : memref<!tpu.dma_semaphore, #tpu.memory_space<semaphore_mem>>
      %dma_start3A_79 = tpu.memref_slice %arg3[%add3A_45] : memref<8192xi32, #tpu.memory_space<hbm>> -> memref<32xi32, #tpu.memory_space<hbm>>
      %dma_start3A_80 = tpu.memref_slice %arg3[%add3A_45] : memref<8192xi32, #tpu.memory_space<hbm>> -> memref<32xi32, #tpu.memory_space<hbm>>
      tpu.enqueue_dma source(%dma_start3A_80 : memref<32xi32, #tpu.memory_space<hbm>>) target(%arg6 : memref<32xi32, #tpu.memory_space<vmem>>) target_semaphore(%run_scoped3A : memref<!tpu.dma_semaphore, #tpu.memory_space<semaphore_mem>>)
      %dma_wait3A_81 = tpu.memref_slice %arg3[%add3A_45] : memref<8192xi32, #tpu.memory_space<hbm>> -> memref<32xi32, #tpu.memory_space<hbm>>
      %dma_wait3A_82 = tpu.memref_slice %arg3[%add3A_45] : memref<8192xi32, #tpu.memory_space<hbm>> -> memref<32xi32, #tpu.memory_space<hbm>>
      tpu.wait_dma2 semaphore(%run_scoped3A : memref<!tpu.dma_semaphore, #tpu.memory_space<semaphore_mem>>) src(%dma_wait3A_82 : memref<32xi32, #tpu.memory_space<hbm>>) dst(%arg6 : memref<32xi32, #tpu.memory_space<vmem>>)
      tpu.yield
    }) : () -> ()
    %dma_start3A_46 = arith.constant 0 : i32
    %dma_start3A_47 = arith.constant 0 : i32
    %dma_start3A_48 = tpu.memref_slice %arg2[%dma_start3A_46, %dma_start3A_47] : memref<4096x1024xf32, #tpu.memory_space<hbm>> -> memref<4096x1024xf32, #tpu.memory_space<hbm>>
    tpu.enqueue_indirect_dma source(%dma_start3A_48 : memref<4096x1024xf32, #tpu.memory_space<hbm>>) target(%arg8 : memref<32x1024xf32, #tpu.memory_space<vmem>>) offsets(%arg6 : memref<32xi32, #tpu.memory_space<vmem>>) semaphore(%arg10 : memref<!tpu.dma_semaphore, #tpu.memory_space<semaphore_mem>>)
    %dma_wait3A_49 = arith.constant 0 : i32
    %dma_wait3A_50 = arith.constant 0 : i32
    %dma_wait3A_51 = tpu.memref_slice %arg2[%dma_wait3A_49, %dma_wait3A_50] : memref<4096x1024xf32, #tpu.memory_space<hbm>> -> memref<4096x1024xf32, #tpu.memory_space<hbm>>
    tpu.wait_indirect_dma semaphore(%arg9 : memref<!tpu.dma_semaphore, #tpu.memory_space<semaphore_mem>>) src(%dma_wait3A_51 : memref<4096x1024xf32, #tpu.memory_space<hbm>>) dst(%arg7 : memref<32x1024xf32, #tpu.memory_space<vmem>>)
    %add3A_52 = arith.constant 128 : i32
    %add3A_53 = arith.addi %mul3A_2, %add3A_52 : i32
    "tpu.region"() ({
      %run_scoped3A = tpu.sem_alloc : memref<!tpu.dma_semaphore, #tpu.memory_space<semaphore_mem>>
      %dma_start3A_79 = arith.constant 0 : i32
      %dma_start3A_80 = tpu.memref_slice %arg4[%add3A_53, %dma_start3A_79] : memref<8192x1024xf32, #tpu.memory_space<hbm>> -> memref<32x1024xf32, #tpu.memory_space<hbm>>
      %dma_start3A_81 = arith.constant 0 : i32
      %dma_start3A_82 = tpu.memref_slice %arg4[%add3A_53, %dma_start3A_81] : memref<8192x1024xf32, #tpu.memory_space<hbm>> -> memref<32x1024xf32, #tpu.memory_space<hbm>>
      tpu.enqueue_dma source(%arg7 : memref<32x1024xf32, #tpu.memory_space<vmem>>) target(%dma_start3A_82 : memref<32x1024xf32, #tpu.memory_space<hbm>>) target_semaphore(%run_scoped3A : memref<!tpu.dma_semaphore, #tpu.memory_space<semaphore_mem>>)
      %dma_wait3A_83 = arith.constant 0 : i32
      %dma_wait3A_84 = tpu.memref_slice %arg4[%add3A_53, %dma_wait3A_83] : memref<8192x1024xf32, #tpu.memory_space<hbm>> -> memref<32x1024xf32, #tpu.memory_space<hbm>>
      %dma_wait3A_85 = arith.constant 0 : i32
      %dma_wait3A_86 = tpu.memref_slice %arg4[%add3A_53, %dma_wait3A_85] : memref<8192x1024xf32, #tpu.memory_space<hbm>> -> memref<32x1024xf32, #tpu.memory_space<hbm>>
      tpu.wait_dma2 semaphore(%run_scoped3A : memref<!tpu.dma_semaphore, #tpu.memory_space<semaphore_mem>>) src(%arg7 : memref<32x1024xf32, #tpu.memory_space<vmem>>) dst(%dma_wait3A_86 : memref<32x1024xf32, #tpu.memory_space<hbm>>)
      tpu.yield
    }) : () -> ()
    %add3A_54 = arith.constant 192 : i32
    %add3A_55 = arith.addi %mul3A_2, %add3A_54 : i32
    "tpu.region"() ({
      %run_scoped3A = tpu.sem_alloc : memref<!tpu.dma_semaphore, #tpu.memory_space<semaphore_mem>>
      %dma_start3A_79 = tpu.memref_slice %arg3[%add3A_55] : memref<8192xi32, #tpu.memory_space<hbm>> -> memref<32xi32, #tpu.memory_space<hbm>>
      %dma_start3A_80 = tpu.memref_slice %arg3[%add3A_55] : memref<8192xi32, #tpu.memory_space<hbm>> -> memref<32xi32, #tpu.memory_space<hbm>>
      tpu.enqueue_dma source(%dma_start3A_80 : memref<32xi32, #tpu.memory_space<hbm>>) target(%arg5 : memref<32xi32, #tpu.memory_space<vmem>>) target_semaphore(%run_scoped3A : memref<!tpu.dma_semaphore, #tpu.memory_space<semaphore_mem>>)
      %dma_wait3A_81 = tpu.memref_slice %arg3[%add3A_55] : memref<8192xi32, #tpu.memory_space<hbm>> -> memref<32xi32, #tpu.memory_space<hbm>>
      %dma_wait3A_82 = tpu.memref_slice %arg3[%add3A_55] : memref<8192xi32, #tpu.memory_space<hbm>> -> memref<32xi32, #tpu.memory_space<hbm>>
      tpu.wait_dma2 semaphore(%run_scoped3A : memref<!tpu.dma_semaphore, #tpu.memory_space<semaphore_mem>>) src(%dma_wait3A_82 : memref<32xi32, #tpu.memory_space<hbm>>) dst(%arg5 : memref<32xi32, #tpu.memory_space<vmem>>)
      tpu.yield
    }) : () -> ()
    %dma_start3A_56 = arith.constant 0 : i32
    %dma_start3A_57 = arith.constant 0 : i32
    %dma_start3A_58 = tpu.memref_slice %arg2[%dma_start3A_56, %dma_start3A_57] : memref<4096x1024xf32, #tpu.memory_space<hbm>> -> memref<4096x1024xf32, #tpu.memory_space<hbm>>
    tpu.enqueue_indirect_dma source(%dma_start3A_58 : memref<4096x1024xf32, #tpu.memory_space<hbm>>) target(%arg7 : memref<32x1024xf32, #tpu.memory_space<vmem>>) offsets(%arg5 : memref<32xi32, #tpu.memory_space<vmem>>) semaphore(%arg9 : memref<!tpu.dma_semaphore, #tpu.memory_space<semaphore_mem>>)
    %dma_wait3A_59 = arith.constant 0 : i32
    %dma_wait3A_60 = arith.constant 0 : i32
    %dma_wait3A_61 = tpu.memref_slice %arg2[%dma_wait3A_59, %dma_wait3A_60] : memref<4096x1024xf32, #tpu.memory_space<hbm>> -> memref<4096x1024xf32, #tpu.memory_space<hbm>>
    tpu.wait_indirect_dma semaphore(%arg10 : memref<!tpu.dma_semaphore, #tpu.memory_space<semaphore_mem>>) src(%dma_wait3A_61 : memref<4096x1024xf32, #tpu.memory_space<hbm>>) dst(%arg8 : memref<32x1024xf32, #tpu.memory_space<vmem>>)
    %add3A_62 = arith.constant 160 : i32
    %add3A_63 = arith.addi %mul3A_2, %add3A_62 : i32
    "tpu.region"() ({
      %run_scoped3A = tpu.sem_alloc : memref<!tpu.dma_semaphore, #tpu.memory_space<semaphore_mem>>
      %dma_start3A_79 = arith.constant 0 : i32
      %dma_start3A_80 = tpu.memref_slice %arg4[%add3A_63, %dma_start3A_79] : memref<8192x1024xf32, #tpu.memory_space<hbm>> -> memref<32x1024xf32, #tpu.memory_space<hbm>>
      %dma_start3A_81 = arith.constant 0 : i32
      %dma_start3A_82 = tpu.memref_slice %arg4[%add3A_63, %dma_start3A_81] : memref<8192x1024xf32, #tpu.memory_space<hbm>> -> memref<32x1024xf32, #tpu.memory_space<hbm>>
      tpu.enqueue_dma source(%arg8 : memref<32x1024xf32, #tpu.memory_space<vmem>>) target(%dma_start3A_82 : memref<32x1024xf32, #tpu.memory_space<hbm>>) target_semaphore(%run_scoped3A : memref<!tpu.dma_semaphore, #tpu.memory_space<semaphore_mem>>)
      %dma_wait3A_83 = arith.constant 0 : i32
      %dma_wait3A_84 = tpu.memref_slice %arg4[%add3A_63, %dma_wait3A_83] : memref<8192x1024xf32, #tpu.memory_space<hbm>> -> memref<32x1024xf32, #tpu.memory_space<hbm>>
      %dma_wait3A_85 = arith.constant 0 : i32
      %dma_wait3A_86 = tpu.memref_slice %arg4[%add3A_63, %dma_wait3A_85] : memref<8192x1024xf32, #tpu.memory_space<hbm>> -> memref<32x1024xf32, #tpu.memory_space<hbm>>
      tpu.wait_dma2 semaphore(%run_scoped3A : memref<!tpu.dma_semaphore, #tpu.memory_space<semaphore_mem>>) src(%arg8 : memref<32x1024xf32, #tpu.memory_space<vmem>>) dst(%dma_wait3A_86 : memref<32x1024xf32, #tpu.memory_space<hbm>>)
      tpu.yield
    }) : () -> ()
    %add3A_64 = arith.constant 224 : i32
    %add3A_65 = arith.addi %mul3A_2, %add3A_64 : i32
    "tpu.region"() ({
      %run_scoped3A = tpu.sem_alloc : memref<!tpu.dma_semaphore, #tpu.memory_space<semaphore_mem>>
      %dma_start3A_79 = tpu.memref_slice %arg3[%add3A_65] : memref<8192xi32, #tpu.memory_space<hbm>> -> memref<32xi32, #tpu.memory_space<hbm>>
      %dma_start3A_80 = tpu.memref_slice %arg3[%add3A_65] : memref<8192xi32, #tpu.memory_space<hbm>> -> memref<32xi32, #tpu.memory_space<hbm>>
      tpu.enqueue_dma source(%dma_start3A_80 : memref<32xi32, #tpu.memory_space<hbm>>) target(%arg6 : memref<32xi32, #tpu.memory_space<vmem>>) target_semaphore(%run_scoped3A : memref<!tpu.dma_semaphore, #tpu.memory_space<semaphore_mem>>)
      %dma_wait3A_81 = tpu.memref_slice %arg3[%add3A_65] : memref<8192xi32, #tpu.memory_space<hbm>> -> memref<32xi32, #tpu.memory_space<hbm>>
      %dma_wait3A_82 = tpu.memref_slice %arg3[%add3A_65] : memref<8192xi32, #tpu.memory_space<hbm>> -> memref<32xi32, #tpu.memory_space<hbm>>
      tpu.wait_dma2 semaphore(%run_scoped3A : memref<!tpu.dma_semaphore, #tpu.memory_space<semaphore_mem>>) src(%dma_wait3A_82 : memref<32xi32, #tpu.memory_space<hbm>>) dst(%arg6 : memref<32xi32, #tpu.memory_space<vmem>>)
      tpu.yield
    }) : () -> ()
    %dma_start3A_66 = arith.constant 0 : i32
    %dma_start3A_67 = arith.constant 0 : i32
    %dma_start3A_68 = tpu.memref_slice %arg2[%dma_start3A_66, %dma_start3A_67] : memref<4096x1024xf32, #tpu.memory_space<hbm>> -> memref<4096x1024xf32, #tpu.memory_space<hbm>>
    tpu.enqueue_indirect_dma source(%dma_start3A_68 : memref<4096x1024xf32, #tpu.memory_space<hbm>>) target(%arg8 : memref<32x1024xf32, #tpu.memory_space<vmem>>) offsets(%arg6 : memref<32xi32, #tpu.memory_space<vmem>>) semaphore(%arg10 : memref<!tpu.dma_semaphore, #tpu.memory_space<semaphore_mem>>)
    %dma_wait3A_69 = arith.constant 0 : i32
    %dma_wait3A_70 = arith.constant 0 : i32
    %dma_wait3A_71 = tpu.memref_slice %arg2[%dma_wait3A_69, %dma_wait3A_70] : memref<4096x1024xf32, #tpu.memory_space<hbm>> -> memref<4096x1024xf32, #tpu.memory_space<hbm>>
    tpu.wait_indirect_dma semaphore(%arg9 : memref<!tpu.dma_semaphore, #tpu.memory_space<semaphore_mem>>) src(%dma_wait3A_71 : memref<4096x1024xf32, #tpu.memory_space<hbm>>) dst(%arg7 : memref<32x1024xf32, #tpu.memory_space<vmem>>)
    %add3A_72 = arith.constant 192 : i32
    %add3A_73 = arith.addi %mul3A_2, %add3A_72 : i32
    "tpu.region"() ({
      %run_scoped3A = tpu.sem_alloc : memref<!tpu.dma_semaphore, #tpu.memory_space<semaphore_mem>>
      %dma_start3A_79 = arith.constant 0 : i32
      %dma_start3A_80 = tpu.memref_slice %arg4[%add3A_73, %dma_start3A_79] : memref<8192x1024xf32, #tpu.memory_space<hbm>> -> memref<32x1024xf32, #tpu.memory_space<hbm>>
      %dma_start3A_81 = arith.constant 0 : i32
      %dma_start3A_82 = tpu.memref_slice %arg4[%add3A_73, %dma_start3A_81] : memref<8192x1024xf32, #tpu.memory_space<hbm>> -> memref<32x1024xf32, #tpu.memory_space<hbm>>
      tpu.enqueue_dma source(%arg7 : memref<32x1024xf32, #tpu.memory_space<vmem>>) target(%dma_start3A_82 : memref<32x1024xf32, #tpu.memory_space<hbm>>) target_semaphore(%run_scoped3A : memref<!tpu.dma_semaphore, #tpu.memory_space<semaphore_mem>>)
      %dma_wait3A_83 = arith.constant 0 : i32
      %dma_wait3A_84 = tpu.memref_slice %arg4[%add3A_73, %dma_wait3A_83] : memref<8192x1024xf32, #tpu.memory_space<hbm>> -> memref<32x1024xf32, #tpu.memory_space<hbm>>
      %dma_wait3A_85 = arith.constant 0 : i32
      %dma_wait3A_86 = tpu.memref_slice %arg4[%add3A_73, %dma_wait3A_85] : memref<8192x1024xf32, #tpu.memory_space<hbm>> -> memref<32x1024xf32, #tpu.memory_space<hbm>>
      tpu.wait_dma2 semaphore(%run_scoped3A : memref<!tpu.dma_semaphore, #tpu.memory_space<semaphore_mem>>) src(%arg7 : memref<32x1024xf32, #tpu.memory_space<vmem>>) dst(%dma_wait3A_86 : memref<32x1024xf32, #tpu.memory_space<hbm>>)
      tpu.yield
    }) : () -> ()
    %dma_wait3A_74 = arith.constant 0 : i32
    %dma_wait3A_75 = arith.constant 0 : i32
    %dma_wait3A_76 = tpu.memref_slice %arg2[%dma_wait3A_74, %dma_wait3A_75] : memref<4096x1024xf32, #tpu.memory_space<hbm>> -> memref<4096x1024xf32, #tpu.memory_space<hbm>>
    tpu.wait_indirect_dma semaphore(%arg10 : memref<!tpu.dma_semaphore, #tpu.memory_space<semaphore_mem>>) src(%dma_wait3A_76 : memref<4096x1024xf32, #tpu.memory_space<hbm>>) dst(%arg8 : memref<32x1024xf32, #tpu.memory_space<vmem>>)
    %add3A_77 = arith.constant 224 : i32
    %add3A_78 = arith.addi %mul3A_2, %add3A_77 : i32
    "tpu.region"() ({
      %run_scoped3A = tpu.sem_alloc : memref<!tpu.dma_semaphore, #tpu.memory_space<semaphore_mem>>
      %dma_start3A_79 = arith.constant 0 : i32
      %dma_start3A_80 = tpu.memref_slice %arg4[%add3A_78, %dma_start3A_79] : memref<8192x1024xf32, #tpu.memory_space<hbm>> -> memref<32x1024xf32, #tpu.memory_space<hbm>>
      %dma_start3A_81 = arith.constant 0 : i32
      %dma_start3A_82 = tpu.memref_slice %arg4[%add3A_78, %dma_start3A_81] : memref<8192x1024xf32, #tpu.memory_space<hbm>> -> memref<32x1024xf32, #tpu.memory_space<hbm>>
      tpu.enqueue_dma source(%arg8 : memref<32x1024xf32, #tpu.memory_space<vmem>>) target(%dma_start3A_82 : memref<32x1024xf32, #tpu.memory_space<hbm>>) target_semaphore(%run_scoped3A : memref<!tpu.dma_semaphore, #tpu.memory_space<semaphore_mem>>)
      %dma_wait3A_83 = arith.constant 0 : i32
      %dma_wait3A_84 = tpu.memref_slice %arg4[%add3A_78, %dma_wait3A_83] : memref<8192x1024xf32, #tpu.memory_space<hbm>> -> memref<32x1024xf32, #tpu.memory_space<hbm>>
      %dma_wait3A_85 = arith.constant 0 : i32
      %dma_wait3A_86 = tpu.memref_slice %arg4[%add3A_78, %dma_wait3A_85] : memref<8192x1024xf32, #tpu.memory_space<hbm>> -> memref<32x1024xf32, #tpu.memory_space<hbm>>
      tpu.wait_dma2 semaphore(%run_scoped3A : memref<!tpu.dma_semaphore, #tpu.memory_space<semaphore_mem>>) src(%arg8 : memref<32x1024xf32, #tpu.memory_space<vmem>>) dst(%dma_wait3A_86 : memref<32x1024xf32, #tpu.memory_space<hbm>>)
      tpu.yield
    }) : () -> ()
    return
  }
}

#map = affine_map<(d0, d1) -> (0, 0)>
#map1 = affine_map<(d0, d1) -> (0)>
module attributes {stable_mosaic.version = 14 : i64} {
  func.func @k(%arg0: i32, %arg1: i32, %arg2: memref<8192x1024xf32, #tpu.memory_space<hbm>>, %arg3: memref<8192xi32, #tpu.memory_space<hbm>>, %arg4: memref<8192x1024xf32, #tpu.memory_space<hbm>>, %arg5: memref<32xi32, #tpu.memory_space<vmem>>, %arg6: memref<32xi32, #tpu.memory_space<vmem>>, %arg7: memref<32x1024xf32, #tpu.memory_space<vmem>>, %arg8: memref<32x1024xf32, #tpu.memory_space<vmem>>, %arg9: memref<!tpu.dma_semaphore, #tpu.memory_space<semaphore_mem>>, %arg10: memref<!tpu.dma_semaphore, #tpu.memory_space<semaphore_mem>>) attributes {dimension_semantics = [#tpu.dimension_semantics<core_parallel>, #tpu.dimension_semantics<subcore_parallel>], iteration_bounds = array<i64: 2, 16>, scalar_prefetch = 0 : i64, scratch_operands = 6 : i64, tpu.core_type = #tpu.core_type<sc_vector_subcore>, window_params = [{transform_indices = #map}, {transform_indices = #map1}, {transform_indices = #map}]} {
    %mul3A = arith.constant 2 : i32
    %mul3A_0 = arith.muli %arg1, %mul3A : i32
    %add3A = arith.addi %mul3A_0, %arg0 : i32
    %mul3A_1 = arith.constant 256 : i32
    %mul3A_2 = arith.muli %add3A, %mul3A_1 : i32
    "tpu.region"() ({
      %run_scoped3A = tpu.sem_alloc : memref<!tpu.dma_semaphore, #tpu.memory_space<semaphore_mem>>
      %dma_start3A_79 = tpu.memref_slice %arg3[%mul3A_2] : memref<8192xi32, #tpu.memory_space<hbm>> -> memref<32xi32, #tpu.memory_space<hbm>>
      %dma_start3A_80 = tpu.memref_slice %arg3[%mul3A_2] : memref<8192xi32, #tpu.memory_space<hbm>> -> memref<32xi32, #tpu.memory_space<hbm>>
      tpu.enqueue_dma source(%dma_start3A_80 : memref<32xi32, #tpu.memory_space<hbm>>) target(%arg5 : memref<32xi32, #tpu.memory_space<vmem>>) target_semaphore(%run_scoped3A : memref<!tpu.dma_semaphore, #tpu.memory_space<semaphore_mem>>)
      %dma_wait3A_81 = tpu.memref_slice %arg3[%mul3A_2] : memref<8192xi32, #tpu.memory_space<hbm>> -> memref<32xi32, #tpu.memory_space<hbm>>
      %dma_wait3A_82 = tpu.memref_slice %arg3[%mul3A_2] : memref<8192xi32, #tpu.memory_space<hbm>> -> memref<32xi32, #tpu.memory_space<hbm>>
      tpu.wait_dma2 semaphore(%run_scoped3A : memref<!tpu.dma_semaphore, #tpu.memory_space<semaphore_mem>>) src(%dma_wait3A_82 : memref<32xi32, #tpu.memory_space<hbm>>) dst(%arg5 : memref<32xi32, #tpu.memory_space<vmem>>)
      tpu.yield
    }) : () -> ()
    %dma_start3A = arith.constant 0 : i32
    %dma_start3A_3 = arith.constant 0 : i32
    %dma_start3A_4 = tpu.memref_slice %arg2[%dma_start3A, %dma_start3A_3] : memref<8192x1024xf32, #tpu.memory_space<hbm>> -> memref<8192x1024xf32, #tpu.memory_space<hbm>>
    tpu.enqueue_indirect_dma source(%dma_start3A_4 : memref<8192x1024xf32, #tpu.memory_space<hbm>>) target(%arg7 : memref<32x1024xf32, #tpu.memory_space<vmem>>) offsets(%arg5 : memref<32xi32, #tpu.memory_space<vmem>>) semaphore(%arg9 : memref<!tpu.dma_semaphore, #tpu.memory_space<semaphore_mem>>)
    %add3A_5 = arith.constant 32 : i32
    %add3A_6 = arith.addi %mul3A_2, %add3A_5 : i32
    "tpu.region"() ({
      %run_scoped3A = tpu.sem_alloc : memref<!tpu.dma_semaphore, #tpu.memory_space<semaphore_mem>>
      %dma_start3A_79 = tpu.memref_slice %arg3[%add3A_6] : memref<8192xi32, #tpu.memory_space<hbm>> -> memref<32xi32, #tpu.memory_space<hbm>>
      %dma_start3A_80 = tpu.memref_slice %arg3[%add3A_6] : memref<8192xi32, #tpu.memory_space<hbm>> -> memref<32xi32, #tpu.memory_space<hbm>>
      tpu.enqueue_dma source(%dma_start3A_80 : memref<32xi32, #tpu.memory_space<hbm>>) target(%arg6 : memref<32xi32, #tpu.memory_space<vmem>>) target_semaphore(%run_scoped3A : memref<!tpu.dma_semaphore, #tpu.memory_space<semaphore_mem>>)
      %dma_wait3A_81 = tpu.memref_slice %arg3[%add3A_6] : memref<8192xi32, #tpu.memory_space<hbm>> -> memref<32xi32, #tpu.memory_space<hbm>>
      %dma_wait3A_82 = tpu.memref_slice %arg3[%add3A_6] : memref<8192xi32, #tpu.memory_space<hbm>> -> memref<32xi32, #tpu.memory_space<hbm>>
      tpu.wait_dma2 semaphore(%run_scoped3A : memref<!tpu.dma_semaphore, #tpu.memory_space<semaphore_mem>>) src(%dma_wait3A_82 : memref<32xi32, #tpu.memory_space<hbm>>) dst(%arg6 : memref<32xi32, #tpu.memory_space<vmem>>)
      tpu.yield
    }) : () -> ()
    %dma_start3A_7 = arith.constant 0 : i32
    %dma_start3A_8 = arith.constant 0 : i32
    %dma_start3A_9 = tpu.memref_slice %arg2[%dma_start3A_7, %dma_start3A_8] : memref<8192x1024xf32, #tpu.memory_space<hbm>> -> memref<8192x1024xf32, #tpu.memory_space<hbm>>
    tpu.enqueue_indirect_dma source(%dma_start3A_9 : memref<8192x1024xf32, #tpu.memory_space<hbm>>) target(%arg8 : memref<32x1024xf32, #tpu.memory_space<vmem>>) offsets(%arg6 : memref<32xi32, #tpu.memory_space<vmem>>) semaphore(%arg10 : memref<!tpu.dma_semaphore, #tpu.memory_space<semaphore_mem>>)
    %dma_wait3A = arith.constant 0 : i32
    %dma_wait3A_10 = arith.constant 0 : i32
    %dma_wait3A_11 = tpu.memref_slice %arg2[%dma_wait3A, %dma_wait3A_10] : memref<8192x1024xf32, #tpu.memory_space<hbm>> -> memref<8192x1024xf32, #tpu.memory_space<hbm>>
    tpu.wait_indirect_dma semaphore(%arg9 : memref<!tpu.dma_semaphore, #tpu.memory_space<semaphore_mem>>) src(%dma_wait3A_11 : memref<8192x1024xf32, #tpu.memory_space<hbm>>) dst(%arg7 : memref<32x1024xf32, #tpu.memory_space<vmem>>)
    %add3A_12 = arith.constant 0 : i32
    %add3A_13 = arith.addi %mul3A_2, %add3A_12 : i32
    "tpu.region"() ({
      %run_scoped3A = tpu.sem_alloc : memref<!tpu.dma_semaphore, #tpu.memory_space<semaphore_mem>>
      %dma_start3A_79 = arith.constant 0 : i32
      %dma_start3A_80 = tpu.memref_slice %arg4[%add3A_13, %dma_start3A_79] : memref<8192x1024xf32, #tpu.memory_space<hbm>> -> memref<32x1024xf32, #tpu.memory_space<hbm>>
      %dma_start3A_81 = arith.constant 0 : i32
      %dma_start3A_82 = tpu.memref_slice %arg4[%add3A_13, %dma_start3A_81] : memref<8192x1024xf32, #tpu.memory_space<hbm>> -> memref<32x1024xf32, #tpu.memory_space<hbm>>
      tpu.enqueue_dma source(%arg7 : memref<32x1024xf32, #tpu.memory_space<vmem>>) target(%dma_start3A_82 : memref<32x1024xf32, #tpu.memory_space<hbm>>) target_semaphore(%run_scoped3A : memref<!tpu.dma_semaphore, #tpu.memory_space<semaphore_mem>>)
      %dma_wait3A_83 = arith.constant 0 : i32
      %dma_wait3A_84 = tpu.memref_slice %arg4[%add3A_13, %dma_wait3A_83] : memref<8192x1024xf32, #tpu.memory_space<hbm>> -> memref<32x1024xf32, #tpu.memory_space<hbm>>
      %dma_wait3A_85 = arith.constant 0 : i32
      %dma_wait3A_86 = tpu.memref_slice %arg4[%add3A_13, %dma_wait3A_85] : memref<8192x1024xf32, #tpu.memory_space<hbm>> -> memref<32x1024xf32, #tpu.memory_space<hbm>>
      tpu.wait_dma2 semaphore(%run_scoped3A : memref<!tpu.dma_semaphore, #tpu.memory_space<semaphore_mem>>) src(%arg7 : memref<32x1024xf32, #tpu.memory_space<vmem>>) dst(%dma_wait3A_86 : memref<32x1024xf32, #tpu.memory_space<hbm>>)
      tpu.yield
    }) : () -> ()
    %add3A_14 = arith.constant 64 : i32
    %add3A_15 = arith.addi %mul3A_2, %add3A_14 : i32
    "tpu.region"() ({
      %run_scoped3A = tpu.sem_alloc : memref<!tpu.dma_semaphore, #tpu.memory_space<semaphore_mem>>
      %dma_start3A_79 = tpu.memref_slice %arg3[%add3A_15] : memref<8192xi32, #tpu.memory_space<hbm>> -> memref<32xi32, #tpu.memory_space<hbm>>
      %dma_start3A_80 = tpu.memref_slice %arg3[%add3A_15] : memref<8192xi32, #tpu.memory_space<hbm>> -> memref<32xi32, #tpu.memory_space<hbm>>
      tpu.enqueue_dma source(%dma_start3A_80 : memref<32xi32, #tpu.memory_space<hbm>>) target(%arg5 : memref<32xi32, #tpu.memory_space<vmem>>) target_semaphore(%run_scoped3A : memref<!tpu.dma_semaphore, #tpu.memory_space<semaphore_mem>>)
      %dma_wait3A_81 = tpu.memref_slice %arg3[%add3A_15] : memref<8192xi32, #tpu.memory_space<hbm>> -> memref<32xi32, #tpu.memory_space<hbm>>
      %dma_wait3A_82 = tpu.memref_slice %arg3[%add3A_15] : memref<8192xi32, #tpu.memory_space<hbm>> -> memref<32xi32, #tpu.memory_space<hbm>>
      tpu.wait_dma2 semaphore(%run_scoped3A : memref<!tpu.dma_semaphore, #tpu.memory_space<semaphore_mem>>) src(%dma_wait3A_82 : memref<32xi32, #tpu.memory_space<hbm>>) dst(%arg5 : memref<32xi32, #tpu.memory_space<vmem>>)
      tpu.yield
    }) : () -> ()
    %dma_start3A_16 = arith.constant 0 : i32
    %dma_start3A_17 = arith.constant 0 : i32
    %dma_start3A_18 = tpu.memref_slice %arg2[%dma_start3A_16, %dma_start3A_17] : memref<8192x1024xf32, #tpu.memory_space<hbm>> -> memref<8192x1024xf32, #tpu.memory_space<hbm>>
    tpu.enqueue_indirect_dma source(%dma_start3A_18 : memref<8192x1024xf32, #tpu.memory_space<hbm>>) target(%arg7 : memref<32x1024xf32, #tpu.memory_space<vmem>>) offsets(%arg5 : memref<32xi32, #tpu.memory_space<vmem>>) semaphore(%arg9 : memref<!tpu.dma_semaphore, #tpu.memory_space<semaphore_mem>>)
    %dma_wait3A_19 = arith.constant 0 : i32
    %dma_wait3A_20 = arith.constant 0 : i32
    %dma_wait3A_21 = tpu.memref_slice %arg2[%dma_wait3A_19, %dma_wait3A_20] : memref<8192x1024xf32, #tpu.memory_space<hbm>> -> memref<8192x1024xf32, #tpu.memory_space<hbm>>
    tpu.wait_indirect_dma semaphore(%arg10 : memref<!tpu.dma_semaphore, #tpu.memory_space<semaphore_mem>>) src(%dma_wait3A_21 : memref<8192x1024xf32, #tpu.memory_space<hbm>>) dst(%arg8 : memref<32x1024xf32, #tpu.memory_space<vmem>>)
    %add3A_22 = arith.constant 32 : i32
    %add3A_23 = arith.addi %mul3A_2, %add3A_22 : i32
    "tpu.region"() ({
      %run_scoped3A = tpu.sem_alloc : memref<!tpu.dma_semaphore, #tpu.memory_space<semaphore_mem>>
      %dma_start3A_79 = arith.constant 0 : i32
      %dma_start3A_80 = tpu.memref_slice %arg4[%add3A_23, %dma_start3A_79] : memref<8192x1024xf32, #tpu.memory_space<hbm>> -> memref<32x1024xf32, #tpu.memory_space<hbm>>
      %dma_start3A_81 = arith.constant 0 : i32
      %dma_start3A_82 = tpu.memref_slice %arg4[%add3A_23, %dma_start3A_81] : memref<8192x1024xf32, #tpu.memory_space<hbm>> -> memref<32x1024xf32, #tpu.memory_space<hbm>>
      tpu.enqueue_dma source(%arg8 : memref<32x1024xf32, #tpu.memory_space<vmem>>) target(%dma_start3A_82 : memref<32x1024xf32, #tpu.memory_space<hbm>>) target_semaphore(%run_scoped3A : memref<!tpu.dma_semaphore, #tpu.memory_space<semaphore_mem>>)
      %dma_wait3A_83 = arith.constant 0 : i32
      %dma_wait3A_84 = tpu.memref_slice %arg4[%add3A_23, %dma_wait3A_83] : memref<8192x1024xf32, #tpu.memory_space<hbm>> -> memref<32x1024xf32, #tpu.memory_space<hbm>>
      %dma_wait3A_85 = arith.constant 0 : i32
      %dma_wait3A_86 = tpu.memref_slice %arg4[%add3A_23, %dma_wait3A_85] : memref<8192x1024xf32, #tpu.memory_space<hbm>> -> memref<32x1024xf32, #tpu.memory_space<hbm>>
      tpu.wait_dma2 semaphore(%run_scoped3A : memref<!tpu.dma_semaphore, #tpu.memory_space<semaphore_mem>>) src(%arg8 : memref<32x1024xf32, #tpu.memory_space<vmem>>) dst(%dma_wait3A_86 : memref<32x1024xf32, #tpu.memory_space<hbm>>)
      tpu.yield
    }) : () -> ()
    %add3A_24 = arith.constant 96 : i32
    %add3A_25 = arith.addi %mul3A_2, %add3A_24 : i32
    "tpu.region"() ({
      %run_scoped3A = tpu.sem_alloc : memref<!tpu.dma_semaphore, #tpu.memory_space<semaphore_mem>>
      %dma_start3A_79 = tpu.memref_slice %arg3[%add3A_25] : memref<8192xi32, #tpu.memory_space<hbm>> -> memref<32xi32, #tpu.memory_space<hbm>>
      %dma_start3A_80 = tpu.memref_slice %arg3[%add3A_25] : memref<8192xi32, #tpu.memory_space<hbm>> -> memref<32xi32, #tpu.memory_space<hbm>>
      tpu.enqueue_dma source(%dma_start3A_80 : memref<32xi32, #tpu.memory_space<hbm>>) target(%arg6 : memref<32xi32, #tpu.memory_space<vmem>>) target_semaphore(%run_scoped3A : memref<!tpu.dma_semaphore, #tpu.memory_space<semaphore_mem>>)
      %dma_wait3A_81 = tpu.memref_slice %arg3[%add3A_25] : memref<8192xi32, #tpu.memory_space<hbm>> -> memref<32xi32, #tpu.memory_space<hbm>>
      %dma_wait3A_82 = tpu.memref_slice %arg3[%add3A_25] : memref<8192xi32, #tpu.memory_space<hbm>> -> memref<32xi32, #tpu.memory_space<hbm>>
      tpu.wait_dma2 semaphore(%run_scoped3A : memref<!tpu.dma_semaphore, #tpu.memory_space<semaphore_mem>>) src(%dma_wait3A_82 : memref<32xi32, #tpu.memory_space<hbm>>) dst(%arg6 : memref<32xi32, #tpu.memory_space<vmem>>)
      tpu.yield
    }) : () -> ()
    %dma_start3A_26 = arith.constant 0 : i32
    %dma_start3A_27 = arith.constant 0 : i32
    %dma_start3A_28 = tpu.memref_slice %arg2[%dma_start3A_26, %dma_start3A_27] : memref<8192x1024xf32, #tpu.memory_space<hbm>> -> memref<8192x1024xf32, #tpu.memory_space<hbm>>
    tpu.enqueue_indirect_dma source(%dma_start3A_28 : memref<8192x1024xf32, #tpu.memory_space<hbm>>) target(%arg8 : memref<32x1024xf32, #tpu.memory_space<vmem>>) offsets(%arg6 : memref<32xi32, #tpu.memory_space<vmem>>) semaphore(%arg10 : memref<!tpu.dma_semaphore, #tpu.memory_space<semaphore_mem>>)
    %dma_wait3A_29 = arith.constant 0 : i32
    %dma_wait3A_30 = arith.constant 0 : i32
    %dma_wait3A_31 = tpu.memref_slice %arg2[%dma_wait3A_29, %dma_wait3A_30] : memref<8192x1024xf32, #tpu.memory_space<hbm>> -> memref<8192x1024xf32, #tpu.memory_space<hbm>>
    tpu.wait_indirect_dma semaphore(%arg9 : memref<!tpu.dma_semaphore, #tpu.memory_space<semaphore_mem>>) src(%dma_wait3A_31 : memref<8192x1024xf32, #tpu.memory_space<hbm>>) dst(%arg7 : memref<32x1024xf32, #tpu.memory_space<vmem>>)
    %add3A_32 = arith.constant 64 : i32
    %add3A_33 = arith.addi %mul3A_2, %add3A_32 : i32
    "tpu.region"() ({
      %run_scoped3A = tpu.sem_alloc : memref<!tpu.dma_semaphore, #tpu.memory_space<semaphore_mem>>
      %dma_start3A_79 = arith.constant 0 : i32
      %dma_start3A_80 = tpu.memref_slice %arg4[%add3A_33, %dma_start3A_79] : memref<8192x1024xf32, #tpu.memory_space<hbm>> -> memref<32x1024xf32, #tpu.memory_space<hbm>>
      %dma_start3A_81 = arith.constant 0 : i32
      %dma_start3A_82 = tpu.memref_slice %arg4[%add3A_33, %dma_start3A_81] : memref<8192x1024xf32, #tpu.memory_space<hbm>> -> memref<32x1024xf32, #tpu.memory_space<hbm>>
      tpu.enqueue_dma source(%arg7 : memref<32x1024xf32, #tpu.memory_space<vmem>>) target(%dma_start3A_82 : memref<32x1024xf32, #tpu.memory_space<hbm>>) target_semaphore(%run_scoped3A : memref<!tpu.dma_semaphore, #tpu.memory_space<semaphore_mem>>)
      %dma_wait3A_83 = arith.constant 0 : i32
      %dma_wait3A_84 = tpu.memref_slice %arg4[%add3A_33, %dma_wait3A_83] : memref<8192x1024xf32, #tpu.memory_space<hbm>> -> memref<32x1024xf32, #tpu.memory_space<hbm>>
      %dma_wait3A_85 = arith.constant 0 : i32
      %dma_wait3A_86 = tpu.memref_slice %arg4[%add3A_33, %dma_wait3A_85] : memref<8192x1024xf32, #tpu.memory_space<hbm>> -> memref<32x1024xf32, #tpu.memory_space<hbm>>
      tpu.wait_dma2 semaphore(%run_scoped3A : memref<!tpu.dma_semaphore, #tpu.memory_space<semaphore_mem>>) src(%arg7 : memref<32x1024xf32, #tpu.memory_space<vmem>>) dst(%dma_wait3A_86 : memref<32x1024xf32, #tpu.memory_space<hbm>>)
      tpu.yield
    }) : () -> ()
    %add3A_34 = arith.constant 128 : i32
    %add3A_35 = arith.addi %mul3A_2, %add3A_34 : i32
    "tpu.region"() ({
      %run_scoped3A = tpu.sem_alloc : memref<!tpu.dma_semaphore, #tpu.memory_space<semaphore_mem>>
      %dma_start3A_79 = tpu.memref_slice %arg3[%add3A_35] : memref<8192xi32, #tpu.memory_space<hbm>> -> memref<32xi32, #tpu.memory_space<hbm>>
      %dma_start3A_80 = tpu.memref_slice %arg3[%add3A_35] : memref<8192xi32, #tpu.memory_space<hbm>> -> memref<32xi32, #tpu.memory_space<hbm>>
      tpu.enqueue_dma source(%dma_start3A_80 : memref<32xi32, #tpu.memory_space<hbm>>) target(%arg5 : memref<32xi32, #tpu.memory_space<vmem>>) target_semaphore(%run_scoped3A : memref<!tpu.dma_semaphore, #tpu.memory_space<semaphore_mem>>)
      %dma_wait3A_81 = tpu.memref_slice %arg3[%add3A_35] : memref<8192xi32, #tpu.memory_space<hbm>> -> memref<32xi32, #tpu.memory_space<hbm>>
      %dma_wait3A_82 = tpu.memref_slice %arg3[%add3A_35] : memref<8192xi32, #tpu.memory_space<hbm>> -> memref<32xi32, #tpu.memory_space<hbm>>
      tpu.wait_dma2 semaphore(%run_scoped3A : memref<!tpu.dma_semaphore, #tpu.memory_space<semaphore_mem>>) src(%dma_wait3A_82 : memref<32xi32, #tpu.memory_space<hbm>>) dst(%arg5 : memref<32xi32, #tpu.memory_space<vmem>>)
      tpu.yield
    }) : () -> ()
    %dma_start3A_36 = arith.constant 0 : i32
    %dma_start3A_37 = arith.constant 0 : i32
    %dma_start3A_38 = tpu.memref_slice %arg2[%dma_start3A_36, %dma_start3A_37] : memref<8192x1024xf32, #tpu.memory_space<hbm>> -> memref<8192x1024xf32, #tpu.memory_space<hbm>>
    tpu.enqueue_indirect_dma source(%dma_start3A_38 : memref<8192x1024xf32, #tpu.memory_space<hbm>>) target(%arg7 : memref<32x1024xf32, #tpu.memory_space<vmem>>) offsets(%arg5 : memref<32xi32, #tpu.memory_space<vmem>>) semaphore(%arg9 : memref<!tpu.dma_semaphore, #tpu.memory_space<semaphore_mem>>)
    %dma_wait3A_39 = arith.constant 0 : i32
    %dma_wait3A_40 = arith.constant 0 : i32
    %dma_wait3A_41 = tpu.memref_slice %arg2[%dma_wait3A_39, %dma_wait3A_40] : memref<8192x1024xf32, #tpu.memory_space<hbm>> -> memref<8192x1024xf32, #tpu.memory_space<hbm>>
    tpu.wait_indirect_dma semaphore(%arg10 : memref<!tpu.dma_semaphore, #tpu.memory_space<semaphore_mem>>) src(%dma_wait3A_41 : memref<8192x1024xf32, #tpu.memory_space<hbm>>) dst(%arg8 : memref<32x1024xf32, #tpu.memory_space<vmem>>)
    %add3A_42 = arith.constant 96 : i32
    %add3A_43 = arith.addi %mul3A_2, %add3A_42 : i32
    "tpu.region"() ({
      %run_scoped3A = tpu.sem_alloc : memref<!tpu.dma_semaphore, #tpu.memory_space<semaphore_mem>>
      %dma_start3A_79 = arith.constant 0 : i32
      %dma_start3A_80 = tpu.memref_slice %arg4[%add3A_43, %dma_start3A_79] : memref<8192x1024xf32, #tpu.memory_space<hbm>> -> memref<32x1024xf32, #tpu.memory_space<hbm>>
      %dma_start3A_81 = arith.constant 0 : i32
      %dma_start3A_82 = tpu.memref_slice %arg4[%add3A_43, %dma_start3A_81] : memref<8192x1024xf32, #tpu.memory_space<hbm>> -> memref<32x1024xf32, #tpu.memory_space<hbm>>
      tpu.enqueue_dma source(%arg8 : memref<32x1024xf32, #tpu.memory_space<vmem>>) target(%dma_start3A_82 : memref<32x1024xf32, #tpu.memory_space<hbm>>) target_semaphore(%run_scoped3A : memref<!tpu.dma_semaphore, #tpu.memory_space<semaphore_mem>>)
      %dma_wait3A_83 = arith.constant 0 : i32
      %dma_wait3A_84 = tpu.memref_slice %arg4[%add3A_43, %dma_wait3A_83] : memref<8192x1024xf32, #tpu.memory_space<hbm>> -> memref<32x1024xf32, #tpu.memory_space<hbm>>
      %dma_wait3A_85 = arith.constant 0 : i32
      %dma_wait3A_86 = tpu.memref_slice %arg4[%add3A_43, %dma_wait3A_85] : memref<8192x1024xf32, #tpu.memory_space<hbm>> -> memref<32x1024xf32, #tpu.memory_space<hbm>>
      tpu.wait_dma2 semaphore(%run_scoped3A : memref<!tpu.dma_semaphore, #tpu.memory_space<semaphore_mem>>) src(%arg8 : memref<32x1024xf32, #tpu.memory_space<vmem>>) dst(%dma_wait3A_86 : memref<32x1024xf32, #tpu.memory_space<hbm>>)
      tpu.yield
    }) : () -> ()
    %add3A_44 = arith.constant 160 : i32
    %add3A_45 = arith.addi %mul3A_2, %add3A_44 : i32
    "tpu.region"() ({
      %run_scoped3A = tpu.sem_alloc : memref<!tpu.dma_semaphore, #tpu.memory_space<semaphore_mem>>
      %dma_start3A_79 = tpu.memref_slice %arg3[%add3A_45] : memref<8192xi32, #tpu.memory_space<hbm>> -> memref<32xi32, #tpu.memory_space<hbm>>
      %dma_start3A_80 = tpu.memref_slice %arg3[%add3A_45] : memref<8192xi32, #tpu.memory_space<hbm>> -> memref<32xi32, #tpu.memory_space<hbm>>
      tpu.enqueue_dma source(%dma_start3A_80 : memref<32xi32, #tpu.memory_space<hbm>>) target(%arg6 : memref<32xi32, #tpu.memory_space<vmem>>) target_semaphore(%run_scoped3A : memref<!tpu.dma_semaphore, #tpu.memory_space<semaphore_mem>>)
      %dma_wait3A_81 = tpu.memref_slice %arg3[%add3A_45] : memref<8192xi32, #tpu.memory_space<hbm>> -> memref<32xi32, #tpu.memory_space<hbm>>
      %dma_wait3A_82 = tpu.memref_slice %arg3[%add3A_45] : memref<8192xi32, #tpu.memory_space<hbm>> -> memref<32xi32, #tpu.memory_space<hbm>>
      tpu.wait_dma2 semaphore(%run_scoped3A : memref<!tpu.dma_semaphore, #tpu.memory_space<semaphore_mem>>) src(%dma_wait3A_82 : memref<32xi32, #tpu.memory_space<hbm>>) dst(%arg6 : memref<32xi32, #tpu.memory_space<vmem>>)
      tpu.yield
    }) : () -> ()
    %dma_start3A_46 = arith.constant 0 : i32
    %dma_start3A_47 = arith.constant 0 : i32
    %dma_start3A_48 = tpu.memref_slice %arg2[%dma_start3A_46, %dma_start3A_47] : memref<8192x1024xf32, #tpu.memory_space<hbm>> -> memref<8192x1024xf32, #tpu.memory_space<hbm>>
    tpu.enqueue_indirect_dma source(%dma_start3A_48 : memref<8192x1024xf32, #tpu.memory_space<hbm>>) target(%arg8 : memref<32x1024xf32, #tpu.memory_space<vmem>>) offsets(%arg6 : memref<32xi32, #tpu.memory_space<vmem>>) semaphore(%arg10 : memref<!tpu.dma_semaphore, #tpu.memory_space<semaphore_mem>>)
    %dma_wait3A_49 = arith.constant 0 : i32
    %dma_wait3A_50 = arith.constant 0 : i32
    %dma_wait3A_51 = tpu.memref_slice %arg2[%dma_wait3A_49, %dma_wait3A_50] : memref<8192x1024xf32, #tpu.memory_space<hbm>> -> memref<8192x1024xf32, #tpu.memory_space<hbm>>
    tpu.wait_indirect_dma semaphore(%arg9 : memref<!tpu.dma_semaphore, #tpu.memory_space<semaphore_mem>>) src(%dma_wait3A_51 : memref<8192x1024xf32, #tpu.memory_space<hbm>>) dst(%arg7 : memref<32x1024xf32, #tpu.memory_space<vmem>>)
    %add3A_52 = arith.constant 128 : i32
    %add3A_53 = arith.addi %mul3A_2, %add3A_52 : i32
    "tpu.region"() ({
      %run_scoped3A = tpu.sem_alloc : memref<!tpu.dma_semaphore, #tpu.memory_space<semaphore_mem>>
      %dma_start3A_79 = arith.constant 0 : i32
      %dma_start3A_80 = tpu.memref_slice %arg4[%add3A_53, %dma_start3A_79] : memref<8192x1024xf32, #tpu.memory_space<hbm>> -> memref<32x1024xf32, #tpu.memory_space<hbm>>
      %dma_start3A_81 = arith.constant 0 : i32
      %dma_start3A_82 = tpu.memref_slice %arg4[%add3A_53, %dma_start3A_81] : memref<8192x1024xf32, #tpu.memory_space<hbm>> -> memref<32x1024xf32, #tpu.memory_space<hbm>>
      tpu.enqueue_dma source(%arg7 : memref<32x1024xf32, #tpu.memory_space<vmem>>) target(%dma_start3A_82 : memref<32x1024xf32, #tpu.memory_space<hbm>>) target_semaphore(%run_scoped3A : memref<!tpu.dma_semaphore, #tpu.memory_space<semaphore_mem>>)
      %dma_wait3A_83 = arith.constant 0 : i32
      %dma_wait3A_84 = tpu.memref_slice %arg4[%add3A_53, %dma_wait3A_83] : memref<8192x1024xf32, #tpu.memory_space<hbm>> -> memref<32x1024xf32, #tpu.memory_space<hbm>>
      %dma_wait3A_85 = arith.constant 0 : i32
      %dma_wait3A_86 = tpu.memref_slice %arg4[%add3A_53, %dma_wait3A_85] : memref<8192x1024xf32, #tpu.memory_space<hbm>> -> memref<32x1024xf32, #tpu.memory_space<hbm>>
      tpu.wait_dma2 semaphore(%run_scoped3A : memref<!tpu.dma_semaphore, #tpu.memory_space<semaphore_mem>>) src(%arg7 : memref<32x1024xf32, #tpu.memory_space<vmem>>) dst(%dma_wait3A_86 : memref<32x1024xf32, #tpu.memory_space<hbm>>)
      tpu.yield
    }) : () -> ()
    %add3A_54 = arith.constant 192 : i32
    %add3A_55 = arith.addi %mul3A_2, %add3A_54 : i32
    "tpu.region"() ({
      %run_scoped3A = tpu.sem_alloc : memref<!tpu.dma_semaphore, #tpu.memory_space<semaphore_mem>>
      %dma_start3A_79 = tpu.memref_slice %arg3[%add3A_55] : memref<8192xi32, #tpu.memory_space<hbm>> -> memref<32xi32, #tpu.memory_space<hbm>>
      %dma_start3A_80 = tpu.memref_slice %arg3[%add3A_55] : memref<8192xi32, #tpu.memory_space<hbm>> -> memref<32xi32, #tpu.memory_space<hbm>>
      tpu.enqueue_dma source(%dma_start3A_80 : memref<32xi32, #tpu.memory_space<hbm>>) target(%arg5 : memref<32xi32, #tpu.memory_space<vmem>>) target_semaphore(%run_scoped3A : memref<!tpu.dma_semaphore, #tpu.memory_space<semaphore_mem>>)
      %dma_wait3A_81 = tpu.memref_slice %arg3[%add3A_55] : memref<8192xi32, #tpu.memory_space<hbm>> -> memref<32xi32, #tpu.memory_space<hbm>>
      %dma_wait3A_82 = tpu.memref_slice %arg3[%add3A_55] : memref<8192xi32, #tpu.memory_space<hbm>> -> memref<32xi32, #tpu.memory_space<hbm>>
      tpu.wait_dma2 semaphore(%run_scoped3A : memref<!tpu.dma_semaphore, #tpu.memory_space<semaphore_mem>>) src(%dma_wait3A_82 : memref<32xi32, #tpu.memory_space<hbm>>) dst(%arg5 : memref<32xi32, #tpu.memory_space<vmem>>)
      tpu.yield
    }) : () -> ()
    %dma_start3A_56 = arith.constant 0 : i32
    %dma_start3A_57 = arith.constant 0 : i32
    %dma_start3A_58 = tpu.memref_slice %arg2[%dma_start3A_56, %dma_start3A_57] : memref<8192x1024xf32, #tpu.memory_space<hbm>> -> memref<8192x1024xf32, #tpu.memory_space<hbm>>
    tpu.enqueue_indirect_dma source(%dma_start3A_58 : memref<8192x1024xf32, #tpu.memory_space<hbm>>) target(%arg7 : memref<32x1024xf32, #tpu.memory_space<vmem>>) offsets(%arg5 : memref<32xi32, #tpu.memory_space<vmem>>) semaphore(%arg9 : memref<!tpu.dma_semaphore, #tpu.memory_space<semaphore_mem>>)
    %dma_wait3A_59 = arith.constant 0 : i32
    %dma_wait3A_60 = arith.constant 0 : i32
    %dma_wait3A_61 = tpu.memref_slice %arg2[%dma_wait3A_59, %dma_wait3A_60] : memref<8192x1024xf32, #tpu.memory_space<hbm>> -> memref<8192x1024xf32, #tpu.memory_space<hbm>>
    tpu.wait_indirect_dma semaphore(%arg10 : memref<!tpu.dma_semaphore, #tpu.memory_space<semaphore_mem>>) src(%dma_wait3A_61 : memref<8192x1024xf32, #tpu.memory_space<hbm>>) dst(%arg8 : memref<32x1024xf32, #tpu.memory_space<vmem>>)
    %add3A_62 = arith.constant 160 : i32
    %add3A_63 = arith.addi %mul3A_2, %add3A_62 : i32
    "tpu.region"() ({
      %run_scoped3A = tpu.sem_alloc : memref<!tpu.dma_semaphore, #tpu.memory_space<semaphore_mem>>
      %dma_start3A_79 = arith.constant 0 : i32
      %dma_start3A_80 = tpu.memref_slice %arg4[%add3A_63, %dma_start3A_79] : memref<8192x1024xf32, #tpu.memory_space<hbm>> -> memref<32x1024xf32, #tpu.memory_space<hbm>>
      %dma_start3A_81 = arith.constant 0 : i32
      %dma_start3A_82 = tpu.memref_slice %arg4[%add3A_63, %dma_start3A_81] : memref<8192x1024xf32, #tpu.memory_space<hbm>> -> memref<32x1024xf32, #tpu.memory_space<hbm>>
      tpu.enqueue_dma source(%arg8 : memref<32x1024xf32, #tpu.memory_space<vmem>>) target(%dma_start3A_82 : memref<32x1024xf32, #tpu.memory_space<hbm>>) target_semaphore(%run_scoped3A : memref<!tpu.dma_semaphore, #tpu.memory_space<semaphore_mem>>)
      %dma_wait3A_83 = arith.constant 0 : i32
      %dma_wait3A_84 = tpu.memref_slice %arg4[%add3A_63, %dma_wait3A_83] : memref<8192x1024xf32, #tpu.memory_space<hbm>> -> memref<32x1024xf32, #tpu.memory_space<hbm>>
      %dma_wait3A_85 = arith.constant 0 : i32
      %dma_wait3A_86 = tpu.memref_slice %arg4[%add3A_63, %dma_wait3A_85] : memref<8192x1024xf32, #tpu.memory_space<hbm>> -> memref<32x1024xf32, #tpu.memory_space<hbm>>
      tpu.wait_dma2 semaphore(%run_scoped3A : memref<!tpu.dma_semaphore, #tpu.memory_space<semaphore_mem>>) src(%arg8 : memref<32x1024xf32, #tpu.memory_space<vmem>>) dst(%dma_wait3A_86 : memref<32x1024xf32, #tpu.memory_space<hbm>>)
      tpu.yield
    }) : () -> ()
    %add3A_64 = arith.constant 224 : i32
    %add3A_65 = arith.addi %mul3A_2, %add3A_64 : i32
    "tpu.region"() ({
      %run_scoped3A = tpu.sem_alloc : memref<!tpu.dma_semaphore, #tpu.memory_space<semaphore_mem>>
      %dma_start3A_79 = tpu.memref_slice %arg3[%add3A_65] : memref<8192xi32, #tpu.memory_space<hbm>> -> memref<32xi32, #tpu.memory_space<hbm>>
      %dma_start3A_80 = tpu.memref_slice %arg3[%add3A_65] : memref<8192xi32, #tpu.memory_space<hbm>> -> memref<32xi32, #tpu.memory_space<hbm>>
      tpu.enqueue_dma source(%dma_start3A_80 : memref<32xi32, #tpu.memory_space<hbm>>) target(%arg6 : memref<32xi32, #tpu.memory_space<vmem>>) target_semaphore(%run_scoped3A : memref<!tpu.dma_semaphore, #tpu.memory_space<semaphore_mem>>)
      %dma_wait3A_81 = tpu.memref_slice %arg3[%add3A_65] : memref<8192xi32, #tpu.memory_space<hbm>> -> memref<32xi32, #tpu.memory_space<hbm>>
      %dma_wait3A_82 = tpu.memref_slice %arg3[%add3A_65] : memref<8192xi32, #tpu.memory_space<hbm>> -> memref<32xi32, #tpu.memory_space<hbm>>
      tpu.wait_dma2 semaphore(%run_scoped3A : memref<!tpu.dma_semaphore, #tpu.memory_space<semaphore_mem>>) src(%dma_wait3A_82 : memref<32xi32, #tpu.memory_space<hbm>>) dst(%arg6 : memref<32xi32, #tpu.memory_space<vmem>>)
      tpu.yield
    }) : () -> ()
    %dma_start3A_66 = arith.constant 0 : i32
    %dma_start3A_67 = arith.constant 0 : i32
    %dma_start3A_68 = tpu.memref_slice %arg2[%dma_start3A_66, %dma_start3A_67] : memref<8192x1024xf32, #tpu.memory_space<hbm>> -> memref<8192x1024xf32, #tpu.memory_space<hbm>>
    tpu.enqueue_indirect_dma source(%dma_start3A_68 : memref<8192x1024xf32, #tpu.memory_space<hbm>>) target(%arg8 : memref<32x1024xf32, #tpu.memory_space<vmem>>) offsets(%arg6 : memref<32xi32, #tpu.memory_space<vmem>>) semaphore(%arg10 : memref<!tpu.dma_semaphore, #tpu.memory_space<semaphore_mem>>)
    %dma_wait3A_69 = arith.constant 0 : i32
    %dma_wait3A_70 = arith.constant 0 : i32
    %dma_wait3A_71 = tpu.memref_slice %arg2[%dma_wait3A_69, %dma_wait3A_70] : memref<8192x1024xf32, #tpu.memory_space<hbm>> -> memref<8192x1024xf32, #tpu.memory_space<hbm>>
    tpu.wait_indirect_dma semaphore(%arg9 : memref<!tpu.dma_semaphore, #tpu.memory_space<semaphore_mem>>) src(%dma_wait3A_71 : memref<8192x1024xf32, #tpu.memory_space<hbm>>) dst(%arg7 : memref<32x1024xf32, #tpu.memory_space<vmem>>)
    %add3A_72 = arith.constant 192 : i32
    %add3A_73 = arith.addi %mul3A_2, %add3A_72 : i32
    "tpu.region"() ({
      %run_scoped3A = tpu.sem_alloc : memref<!tpu.dma_semaphore, #tpu.memory_space<semaphore_mem>>
      %dma_start3A_79 = arith.constant 0 : i32
      %dma_start3A_80 = tpu.memref_slice %arg4[%add3A_73, %dma_start3A_79] : memref<8192x1024xf32, #tpu.memory_space<hbm>> -> memref<32x1024xf32, #tpu.memory_space<hbm>>
      %dma_start3A_81 = arith.constant 0 : i32
      %dma_start3A_82 = tpu.memref_slice %arg4[%add3A_73, %dma_start3A_81] : memref<8192x1024xf32, #tpu.memory_space<hbm>> -> memref<32x1024xf32, #tpu.memory_space<hbm>>
      tpu.enqueue_dma source(%arg7 : memref<32x1024xf32, #tpu.memory_space<vmem>>) target(%dma_start3A_82 : memref<32x1024xf32, #tpu.memory_space<hbm>>) target_semaphore(%run_scoped3A : memref<!tpu.dma_semaphore, #tpu.memory_space<semaphore_mem>>)
      %dma_wait3A_83 = arith.constant 0 : i32
      %dma_wait3A_84 = tpu.memref_slice %arg4[%add3A_73, %dma_wait3A_83] : memref<8192x1024xf32, #tpu.memory_space<hbm>> -> memref<32x1024xf32, #tpu.memory_space<hbm>>
      %dma_wait3A_85 = arith.constant 0 : i32
      %dma_wait3A_86 = tpu.memref_slice %arg4[%add3A_73, %dma_wait3A_85] : memref<8192x1024xf32, #tpu.memory_space<hbm>> -> memref<32x1024xf32, #tpu.memory_space<hbm>>
      tpu.wait_dma2 semaphore(%run_scoped3A : memref<!tpu.dma_semaphore, #tpu.memory_space<semaphore_mem>>) src(%arg7 : memref<32x1024xf32, #tpu.memory_space<vmem>>) dst(%dma_wait3A_86 : memref<32x1024xf32, #tpu.memory_space<hbm>>)
      tpu.yield
    }) : () -> ()
    %dma_wait3A_74 = arith.constant 0 : i32
    %dma_wait3A_75 = arith.constant 0 : i32
    %dma_wait3A_76 = tpu.memref_slice %arg2[%dma_wait3A_74, %dma_wait3A_75] : memref<8192x1024xf32, #tpu.memory_space<hbm>> -> memref<8192x1024xf32, #tpu.memory_space<hbm>>
    tpu.wait_indirect_dma semaphore(%arg10 : memref<!tpu.dma_semaphore, #tpu.memory_space<semaphore_mem>>) src(%dma_wait3A_76 : memref<8192x1024xf32, #tpu.memory_space<hbm>>) dst(%arg8 : memref<32x1024xf32, #tpu.memory_space<vmem>>)
    %add3A_77 = arith.constant 224 : i32
    %add3A_78 = arith.addi %mul3A_2, %add3A_77 : i32
    "tpu.region"() ({
      %run_scoped3A = tpu.sem_alloc : memref<!tpu.dma_semaphore, #tpu.memory_space<semaphore_mem>>
      %dma_start3A_79 = arith.constant 0 : i32
      %dma_start3A_80 = tpu.memref_slice %arg4[%add3A_78, %dma_start3A_79] : memref<8192x1024xf32, #tpu.memory_space<hbm>> -> memref<32x1024xf32, #tpu.memory_space<hbm>>
      %dma_start3A_81 = arith.constant 0 : i32
      %dma_start3A_82 = tpu.memref_slice %arg4[%add3A_78, %dma_start3A_81] : memref<8192x1024xf32, #tpu.memory_space<hbm>> -> memref<32x1024xf32, #tpu.memory_space<hbm>>
      tpu.enqueue_dma source(%arg8 : memref<32x1024xf32, #tpu.memory_space<vmem>>) target(%dma_start3A_82 : memref<32x1024xf32, #tpu.memory_space<hbm>>) target_semaphore(%run_scoped3A : memref<!tpu.dma_semaphore, #tpu.memory_space<semaphore_mem>>)
      %dma_wait3A_83 = arith.constant 0 : i32
      %dma_wait3A_84 = tpu.memref_slice %arg4[%add3A_78, %dma_wait3A_83] : memref<8192x1024xf32, #tpu.memory_space<hbm>> -> memref<32x1024xf32, #tpu.memory_space<hbm>>
      %dma_wait3A_85 = arith.constant 0 : i32
      %dma_wait3A_86 = tpu.memref_slice %arg4[%add3A_78, %dma_wait3A_85] : memref<8192x1024xf32, #tpu.memory_space<hbm>> -> memref<32x1024xf32, #tpu.memory_space<hbm>>
      tpu.wait_dma2 semaphore(%run_scoped3A : memref<!tpu.dma_semaphore, #tpu.memory_space<semaphore_mem>>) src(%arg8 : memref<32x1024xf32, #tpu.memory_space<vmem>>) dst(%dma_wait3A_86 : memref<32x1024xf32, #tpu.memory_space<hbm>>)
      tpu.yield
    }) : () -> ()
    return
  }
}

module attributes {stable_mosaic.version = 14 : i64} {
  func.func @_routing_body(%arg0: i32, %arg1: memref<512x1024xf32, #tpu.memory_space<vmem>>, %arg2: memref<8x1024xf32, #tpu.memory_space<vmem>>, %arg3: memref<1024x8xf32, #tpu.memory_space<vmem>>, %arg4: memref<512x1024xf32, #tpu.memory_space<vmem>>, %arg5: memref<512x8xf32, #tpu.memory_space<vmem>>, %arg6: memref<1x8xf32, #tpu.memory_space<vmem>>) attributes {dimension_semantics = [#tpu.dimension_semantics<arbitrary>], iteration_bounds = array<i64: 8>, scalar_prefetch = 0 : i64, scratch_operands = 1 : i64, tpu.core_type = #tpu.core_type<tc>, window_params = [{transform_indices = @transform_0, window_bounds = array<i64: 512, 1024>}, {pipeline_mode = #tpu.pipeline_mode<synchronous>, transform_indices = @transform_1, window_bounds = array<i64: 8, 1024>}, {pipeline_mode = #tpu.pipeline_mode<synchronous>, transform_indices = @transform_2, window_bounds = array<i64: 1024, 8>}, {transform_indices = @transform_3, window_bounds = array<i64: 512, 1024>}, {transform_indices = @transform_4, window_bounds = array<i64: 512, 8>}]} {
    %eq3A = arith.constant 0 : i32
    %eq3A_0 = arith.cmpi eq, %arg0, %eq3A : i32
    %convert_element_type3A = arith.extui %eq3A_0 : i1 to i32
    %cond3A = arith.constant 0 : i32
    %cond3A_1 = arith.cmpi ne, %convert_element_type3A, %cond3A : i32
    scf.if %cond3A_1 {
      %broadcast_in_dim3A_180 = arith.constant 0.000000e+00 : f32
      %broadcast_in_dim3A_181 = vector.broadcast %broadcast_in_dim3A_180 : f32 to vector<1x8xf32>
      %swap3A_182 = arith.constant 0 : index
      %swap3A_183 = arith.constant 0 : index
      %swap3A_184 = vector.load %arg6[%swap3A_182, %swap3A_183] : memref<1x8xf32, #tpu.memory_space<vmem>>, vector<1x8xf32>
      tpu.vector_store %arg6[%swap3A_182, %swap3A_183], %broadcast_in_dim3A_181 {strides = array<i32>} : memref<1x8xf32, #tpu.memory_space<vmem>>, vector<1x8xf32>,
    } else {
    }
    %get3A = arith.constant 0 : index
    %get3A_2 = arith.constant 0 : index
    %get3A_3 = vector.load %arg1[%get3A, %get3A_2] : memref<512x1024xf32, #tpu.memory_space<vmem>>, vector<512x1024xf32>
    %mul3A = arith.mulf %get3A_3, %get3A_3 : vector<512x1024xf32>
    %reduce_sum3A = arith.constant dense<0.000000e+00> : vector<512xf32>
    %reduce_sum3A_4 = vector.multi_reduction <add>, %mul3A, %reduce_sum3A [1] : vector<512x1024xf32> to vector<512xf32>
    %broadcast_in_dim3A = vector.shape_cast %reduce_sum3A_4 : vector<512xf32> to vector<512x1xf32>
    %div3A = arith.constant 1.024000e+03 : f32
    %div3A_5 = vector.broadcast %div3A : f32 to vector<512x1xf32>
    %div3A_6 = arith.divf %broadcast_in_dim3A, %div3A_5 : vector<512x1xf32>
    %add3A = arith.constant 9.99999997E-7 : f32
    %add3A_7 = vector.broadcast %add3A : f32 to vector<512x1xf32>
    %add3A_8 = arith.addf %div3A_6, %add3A_7 : vector<512x1xf32>
    %rsqrt3A = math.rsqrt %add3A_8 : vector<512x1xf32>
    %mul3A_9 = vector.broadcast %rsqrt3A : vector<512x1xf32> to vector<512x1024xf32>
    %mul3A_10 = arith.mulf %get3A_3, %mul3A_9 : vector<512x1024xf32>
    %get3A_11 = arith.constant 0 : index
    %get3A_12 = arith.constant 0 : index
    %get3A_13 = vector.load %arg2[%get3A_11, %get3A_12] : memref<8x1024xf32, #tpu.memory_space<vmem>>, vector<1x1024xf32>
    %mul3A_14 = vector.broadcast %get3A_13 : vector<1x1024xf32> to vector<512x1024xf32>
    %mul3A_15 = arith.mulf %mul3A_10, %mul3A_14 : vector<512x1024xf32>
    %swap3A = arith.constant 0 : index
    %swap3A_16 = arith.constant 0 : index
    %swap3A_17 = vector.load %arg4[%swap3A, %swap3A_16] : memref<512x1024xf32, #tpu.memory_space<vmem>>, vector<512x1024xf32>
    tpu.vector_store %arg4[%swap3A, %swap3A_16], %mul3A_15 {strides = array<i32>} : memref<512x1024xf32, #tpu.memory_space<vmem>>, vector<512x1024xf32>,
    %get3A_18 = arith.constant 0 : index
    %get3A_19 = arith.constant 0 : index
    %get3A_20 = vector.load %arg3[%get3A_18, %get3A_19] : memref<1024x8xf32, #tpu.memory_space<vmem>>, vector<1024x8xf32>
    %dot_general3A = arith.constant dense<0.000000e+00> : vector<512x8xf32>
    %dot_general3A_21 = tpu.matmul %mul3A_15, %get3A_20, %dot_general3A {dimension_numbers = #tpu.dot_dimension_numbers<[1], [0], [0], [1], [0, 0, 1, 1], [], []>, transpose_lhs_hint = false} : vector<512x1024xf32>, vector<1024x8xf32>, vector<512x8xf32> -> vector<512x8xf32>
    %reduce_max3A = arith.constant dense<0xFF800000> : vector<512xf32>
    %reduce_max3A_22 = vector.multi_reduction <maximumf>, %dot_general3A_21, %reduce_max3A [1] : vector<512x8xf32> to vector<512xf32>
    %broadcast_in_dim3A_23 = vector.shape_cast %reduce_max3A_22 : vector<512xf32> to vector<512x1xf32>
    %sub3A = vector.broadcast %broadcast_in_dim3A_23 : vector<512x1xf32> to vector<512x8xf32>
    %sub3A_24 = arith.subf %dot_general3A_21, %sub3A : vector<512x8xf32>
    %exp3A = math.exp %sub3A_24 : vector<512x8xf32>
    %reduce_sum3A_25 = arith.constant dense<0.000000e+00> : vector<512xf32>
    %reduce_sum3A_26 = vector.multi_reduction <add>, %exp3A, %reduce_sum3A_25 [1] : vector<512x8xf32> to vector<512xf32>
    %broadcast_in_dim3A_27 = vector.shape_cast %reduce_sum3A_26 : vector<512xf32> to vector<512x1xf32>
    %div3A_28 = vector.broadcast %broadcast_in_dim3A_27 : vector<512x1xf32> to vector<512x8xf32>
    %div3A_29 = arith.divf %exp3A, %div3A_28 : vector<512x8xf32>
    %iota3A = tpu.iota {dimensions = array<i32: 1>} : vector<512x8xi32>
    %reduce_max3A_30 = arith.constant dense<0xFF800000> : vector<512xf32>
    %reduce_max3A_31 = vector.multi_reduction <maximumf>, %div3A_29, %reduce_max3A_30 [1] : vector<512x8xf32> to vector<512xf32>
    %broadcast_in_dim3A_32 = vector.shape_cast %reduce_max3A_31 : vector<512xf32> to vector<512x1xf32>
    %eq3A_33 = vector.broadcast %broadcast_in_dim3A_32 : vector<512x1xf32> to vector<512x8xf32>
    %eq3A_34 = arith.cmpf oeq, %div3A_29, %eq3A_33 : vector<512x8xf32>
    %jit3A = arith.constant 8 : i32
    %broadcast_in_dim3A_35 = vector.broadcast %jit3A : i32 to vector<512x8xi32>
    %select_n3A = arith.select %eq3A_34, %iota3A, %broadcast_in_dim3A_35 : vector<512x8xi1>, vector<512x8xi32>
    %reduce_min3A = arith.constant dense<2147483647> : vector<512xi32>
    %reduce_min3A_36 = vector.multi_reduction <minsi>, %select_n3A, %reduce_min3A [1] : vector<512x8xi32> to vector<512xi32>
    %broadcast_in_dim3A_37 = vector.shape_cast %reduce_min3A_36 : vector<512xi32> to vector<512x1xi32>
    %eq3A_38 = vector.broadcast %broadcast_in_dim3A_37 : vector<512x1xi32> to vector<512x8xi32>
    %eq3A_39 = arith.cmpi eq, %iota3A, %eq3A_38 : vector<512x8xi32>
    %convert_element_type3A_40 = arith.extui %eq3A_39 : vector<512x8xi1> to vector<512x8xi32>
    %convert_element_type3A_41 = arith.sitofp %convert_element_type3A_40 : vector<512x8xi32> to vector<512x8xf32>
    %eq3A_42 = vector.broadcast %broadcast_in_dim3A_37 : vector<512x1xi32> to vector<512x8xi32>
    %eq3A_43 = arith.cmpi eq, %iota3A, %eq3A_42 : vector<512x8xi32>
    %jit3A_44 = arith.constant -1.000000e+00 : f32
    %broadcast_in_dim3A_45 = vector.broadcast %jit3A_44 : f32 to vector<512x8xf32>
    %select_n3A_46 = arith.select %eq3A_43, %broadcast_in_dim3A_45, %div3A_29 : vector<512x8xi1>, vector<512x8xf32>
    %reduce_max3A_47 = arith.constant dense<0xFF800000> : vector<512xf32>
    %reduce_max3A_48 = vector.multi_reduction <maximumf>, %select_n3A_46, %reduce_max3A_47 [1] : vector<512x8xf32> to vector<512xf32>
    %broadcast_in_dim3A_49 = vector.shape_cast %reduce_max3A_48 : vector<512xf32> to vector<512x1xf32>
    %eq3A_50 = vector.broadcast %broadcast_in_dim3A_49 : vector<512x1xf32> to vector<512x8xf32>
    %eq3A_51 = arith.cmpf oeq, %select_n3A_46, %eq3A_50 : vector<512x8xf32>
    %jit3A_52 = arith.constant 8 : i32
    %broadcast_in_dim3A_53 = vector.broadcast %jit3A_52 : i32 to vector<512x8xi32>
    %select_n3A_54 = arith.select %eq3A_51, %iota3A, %broadcast_in_dim3A_53 : vector<512x8xi1>, vector<512x8xi32>
    %reduce_min3A_55 = arith.constant dense<2147483647> : vector<512xi32>
    %reduce_min3A_56 = vector.multi_reduction <minsi>, %select_n3A_54, %reduce_min3A_55 [1] : vector<512x8xi32> to vector<512xi32>
    %broadcast_in_dim3A_57 = vector.shape_cast %reduce_min3A_56 : vector<512xi32> to vector<512x1xi32>
    %eq3A_58 = vector.broadcast %broadcast_in_dim3A_57 : vector<512x1xi32> to vector<512x8xi32>
    %eq3A_59 = arith.cmpi eq, %iota3A, %eq3A_58 : vector<512x8xi32>
    %convert_element_type3A_60 = arith.extui %eq3A_59 : vector<512x8xi1> to vector<512x8xi32>
    %convert_element_type3A_61 = arith.sitofp %convert_element_type3A_60 : vector<512x8xi32> to vector<512x8xf32>
    %add3A_62 = arith.addf %convert_element_type3A_41, %convert_element_type3A_61 : vector<512x8xf32>
    %iota3A_63 = tpu.iota {dimensions = array<i32: 0>} : vector<512x512xi32>
    %iota3A_64 = tpu.iota {dimensions = array<i32: 1>} : vector<512x512xi32>
    %lt3A = arith.cmpi slt, %iota3A_64, %iota3A_63 : vector<512x512xi32>
    %convert_element_type3A_65 = arith.extui %lt3A : vector<512x512xi1> to vector<512x512xi32>
    %convert_element_type3A_66 = arith.sitofp %convert_element_type3A_65 : vector<512x512xi32> to vector<512x512xf32>
    %dot_general3A_67 = arith.constant dense<0.000000e+00> : vector<512x8xf32>
    %dot_general3A_68 = tpu.matmul %convert_element_type3A_66, %add3A_62, %dot_general3A_67 {dimension_numbers = #tpu.dot_dimension_numbers<[1], [0], [0], [1], [0, 0, 1, 1], [], []>, transpose_lhs_hint = false} : vector<512x512xf32>, vector<512x8xf32>, vector<512x8xf32> -> vector<512x8xf32>
    %get3A_69 = arith.constant 0 : index
    %get3A_70 = arith.constant 0 : index
    %get3A_71 = vector.load %arg6[%get3A_69, %get3A_70] : memref<1x8xf32, #tpu.memory_space<vmem>>, vector<1x8xf32>
    %add3A_72 = vector.broadcast %get3A_71 : vector<1x8xf32> to vector<512x8xf32>
    %add3A_73 = arith.addf %dot_general3A_68, %add3A_72 : vector<512x8xf32>
    %mul3A_74 = arith.mulf %add3A_73, %convert_element_type3A_41 : vector<512x8xf32>
    %reduce_sum3A_75 = arith.constant dense<0.000000e+00> : vector<512xf32>
    %reduce_sum3A_76 = vector.multi_reduction <add>, %mul3A_74, %reduce_sum3A_75 [1] : vector<512x8xf32> to vector<512xf32>
    %broadcast_in_dim3A_77 = vector.shape_cast %reduce_sum3A_76 : vector<512xf32> to vector<512x1xf32>
    %add3A_78 = vector.broadcast %get3A_71 : vector<1x8xf32> to vector<512x8xf32>
    %add3A_79 = arith.addf %dot_general3A_68, %add3A_78 : vector<512x8xf32>
    %add3A_80 = arith.addf %add3A_79, %convert_element_type3A_41 : vector<512x8xf32>
    %mul3A_81 = arith.mulf %add3A_80, %convert_element_type3A_61 : vector<512x8xf32>
    %reduce_sum3A_82 = arith.constant dense<0.000000e+00> : vector<512xf32>
    %reduce_sum3A_83 = vector.multi_reduction <add>, %mul3A_81, %reduce_sum3A_82 [1] : vector<512x8xf32> to vector<512xf32>
    %broadcast_in_dim3A_84 = vector.shape_cast %reduce_sum3A_83 : vector<512xf32> to vector<512x1xf32>
    %reduce_sum3A_85 = arith.constant dense<0.000000e+00> : vector<8xf32>
    %reduce_sum3A_86 = vector.multi_reduction <add>, %add3A_62, %reduce_sum3A_85 [0] : vector<512x8xf32> to vector<8xf32>
    %broadcast_in_dim3A_87 = vector.shape_cast %reduce_sum3A_86 : vector<8xf32> to vector<1x8xf32>
    %add3A_88 = arith.addf %get3A_71, %broadcast_in_dim3A_87 : vector<1x8xf32>
    %swap3A_89 = arith.constant 0 : index
    %swap3A_90 = arith.constant 0 : index
    %swap3A_91 = vector.load %arg6[%swap3A_89, %swap3A_90] : memref<1x8xf32, #tpu.memory_space<vmem>>, vector<1x8xf32>
    tpu.vector_store %arg6[%swap3A_89, %swap3A_90], %add3A_88 {strides = array<i32>} : memref<1x8xf32, #tpu.memory_space<vmem>>, vector<1x8xf32>,
    %lt3A_92 = arith.constant 1.024000e+03 : f32
    %lt3A_93 = vector.broadcast %lt3A_92 : f32 to vector<512x1xf32>
    %lt3A_94 = arith.cmpf olt, %broadcast_in_dim3A_77, %lt3A_93 : vector<512x1xf32>
    %convert_element_type3A_95 = arith.extui %lt3A_94 : vector<512x1xi1> to vector<512x1xi32>
    %convert_element_type3A_96 = arith.sitofp %convert_element_type3A_95 : vector<512x1xi32> to vector<512x1xf32>
    %lt3A_97 = arith.constant 1.024000e+03 : f32
    %lt3A_98 = vector.broadcast %lt3A_97 : f32 to vector<512x1xf32>
    %lt3A_99 = arith.cmpf olt, %broadcast_in_dim3A_84, %lt3A_98 : vector<512x1xf32>
    %convert_element_type3A_100 = arith.extui %lt3A_99 : vector<512x1xi1> to vector<512x1xi32>
    %convert_element_type3A_101 = arith.sitofp %convert_element_type3A_100 : vector<512x1xi32> to vector<512x1xf32>
    %sub3A_102 = arith.constant 1.024000e+03 : f32
    %sub3A_103 = arith.constant 1.000000e+00 : f32
    %sub3A_104 = arith.subf %sub3A_102, %sub3A_103 : f32
    %min3A = vector.broadcast %sub3A_104 : f32 to vector<512x1xf32>
    %min3A_105 = arith.minimumf %broadcast_in_dim3A_77, %min3A : vector<512x1xf32>
    %sub3A_106 = arith.constant 1.024000e+03 : f32
    %sub3A_107 = arith.constant 1.000000e+00 : f32
    %sub3A_108 = arith.subf %sub3A_106, %sub3A_107 : f32
    %min3A_109 = vector.broadcast %sub3A_108 : f32 to vector<512x1xf32>
    %min3A_110 = arith.minimumf %broadcast_in_dim3A_84, %min3A_109 : vector<512x1xf32>
    %iota3A_111 = tpu.iota {dimensions = array<i32: 1>} : vector<512x8xi32>
    %convert_element_type3A_112 = arith.sitofp %broadcast_in_dim3A_37 : vector<512x1xi32> to vector<512x1xf32>
    %eq3A_113 = arith.constant 0 : i32
    %eq3A_114 = vector.broadcast %eq3A_113 : i32 to vector<512x8xi32>
    %eq3A_115 = arith.cmpi eq, %iota3A_111, %eq3A_114 : vector<512x8xi32>
    %convert_element_type3A_116 = arith.extui %eq3A_115 : vector<512x8xi1> to vector<512x8xi32>
    %convert_element_type3A_117 = arith.sitofp %convert_element_type3A_116 : vector<512x8xi32> to vector<512x8xf32>
    %mul3A_118 = vector.broadcast %convert_element_type3A_112 : vector<512x1xf32> to vector<512x8xf32>
    %mul3A_119 = arith.mulf %mul3A_118, %convert_element_type3A_117 : vector<512x8xf32>
    %convert_element_type3A_120 = arith.sitofp %broadcast_in_dim3A_57 : vector<512x1xi32> to vector<512x1xf32>
    %eq3A_121 = arith.constant 1 : i32
    %eq3A_122 = vector.broadcast %eq3A_121 : i32 to vector<512x8xi32>
    %eq3A_123 = arith.cmpi eq, %iota3A_111, %eq3A_122 : vector<512x8xi32>
    %convert_element_type3A_124 = arith.extui %eq3A_123 : vector<512x8xi1> to vector<512x8xi32>
    %convert_element_type3A_125 = arith.sitofp %convert_element_type3A_124 : vector<512x8xi32> to vector<512x8xf32>
    %mul3A_126 = vector.broadcast %convert_element_type3A_120 : vector<512x1xf32> to vector<512x8xf32>
    %mul3A_127 = arith.mulf %mul3A_126, %convert_element_type3A_125 : vector<512x8xf32>
    %add3A_128 = arith.addf %mul3A_119, %mul3A_127 : vector<512x8xf32>
    %eq3A_129 = arith.constant 2 : i32
    %eq3A_130 = vector.broadcast %eq3A_129 : i32 to vector<512x8xi32>
    %eq3A_131 = arith.cmpi eq, %iota3A_111, %eq3A_130 : vector<512x8xi32>
    %convert_element_type3A_132 = arith.extui %eq3A_131 : vector<512x8xi1> to vector<512x8xi32>
    %convert_element_type3A_133 = arith.sitofp %convert_element_type3A_132 : vector<512x8xi32> to vector<512x8xf32>
    %mul3A_134 = vector.broadcast %min3A_105 : vector<512x1xf32> to vector<512x8xf32>
    %mul3A_135 = arith.mulf %mul3A_134, %convert_element_type3A_133 : vector<512x8xf32>
    %add3A_136 = arith.addf %add3A_128, %mul3A_135 : vector<512x8xf32>
    %eq3A_137 = arith.constant 3 : i32
    %eq3A_138 = vector.broadcast %eq3A_137 : i32 to vector<512x8xi32>
    %eq3A_139 = arith.cmpi eq, %iota3A_111, %eq3A_138 : vector<512x8xi32>
    %convert_element_type3A_140 = arith.extui %eq3A_139 : vector<512x8xi1> to vector<512x8xi32>
    %convert_element_type3A_141 = arith.sitofp %convert_element_type3A_140 : vector<512x8xi32> to vector<512x8xf32>
    %mul3A_142 = vector.broadcast %min3A_110 : vector<512x1xf32> to vector<512x8xf32>
    %mul3A_143 = arith.mulf %mul3A_142, %convert_element_type3A_141 : vector<512x8xf32>
    %add3A_144 = arith.addf %add3A_136, %mul3A_143 : vector<512x8xf32>
    %eq3A_145 = arith.constant 4 : i32
    %eq3A_146 = vector.broadcast %eq3A_145 : i32 to vector<512x8xi32>
    %eq3A_147 = arith.cmpi eq, %iota3A_111, %eq3A_146 : vector<512x8xi32>
    %convert_element_type3A_148 = arith.extui %eq3A_147 : vector<512x8xi1> to vector<512x8xi32>
    %convert_element_type3A_149 = arith.sitofp %convert_element_type3A_148 : vector<512x8xi32> to vector<512x8xf32>
    %mul3A_150 = vector.broadcast %broadcast_in_dim3A_32 : vector<512x1xf32> to vector<512x8xf32>
    %mul3A_151 = arith.mulf %mul3A_150, %convert_element_type3A_149 : vector<512x8xf32>
    %add3A_152 = arith.addf %add3A_144, %mul3A_151 : vector<512x8xf32>
    %eq3A_153 = arith.constant 5 : i32
    %eq3A_154 = vector.broadcast %eq3A_153 : i32 to vector<512x8xi32>
    %eq3A_155 = arith.cmpi eq, %iota3A_111, %eq3A_154 : vector<512x8xi32>
    %convert_element_type3A_156 = arith.extui %eq3A_155 : vector<512x8xi1> to vector<512x8xi32>
    %convert_element_type3A_157 = arith.sitofp %convert_element_type3A_156 : vector<512x8xi32> to vector<512x8xf32>
    %mul3A_158 = vector.broadcast %broadcast_in_dim3A_49 : vector<512x1xf32> to vector<512x8xf32>
    %mul3A_159 = arith.mulf %mul3A_158, %convert_element_type3A_157 : vector<512x8xf32>
    %add3A_160 = arith.addf %add3A_152, %mul3A_159 : vector<512x8xf32>
    %eq3A_161 = arith.constant 6 : i32
    %eq3A_162 = vector.broadcast %eq3A_161 : i32 to vector<512x8xi32>
    %eq3A_163 = arith.cmpi eq, %iota3A_111, %eq3A_162 : vector<512x8xi32>
    %convert_element_type3A_164 = arith.extui %eq3A_163 : vector<512x8xi1> to vector<512x8xi32>
    %convert_element_type3A_165 = arith.sitofp %convert_element_type3A_164 : vector<512x8xi32> to vector<512x8xf32>
    %mul3A_166 = vector.broadcast %convert_element_type3A_96 : vector<512x1xf32> to vector<512x8xf32>
    %mul3A_167 = arith.mulf %mul3A_166, %convert_element_type3A_165 : vector<512x8xf32>
    %add3A_168 = arith.addf %add3A_160, %mul3A_167 : vector<512x8xf32>
    %eq3A_169 = arith.constant 7 : i32
    %eq3A_170 = vector.broadcast %eq3A_169 : i32 to vector<512x8xi32>
    %eq3A_171 = arith.cmpi eq, %iota3A_111, %eq3A_170 : vector<512x8xi32>
    %convert_element_type3A_172 = arith.extui %eq3A_171 : vector<512x8xi1> to vector<512x8xi32>
    %convert_element_type3A_173 = arith.sitofp %convert_element_type3A_172 : vector<512x8xi32> to vector<512x8xf32>
    %mul3A_174 = vector.broadcast %convert_element_type3A_101 : vector<512x1xf32> to vector<512x8xf32>
    %mul3A_175 = arith.mulf %mul3A_174, %convert_element_type3A_173 : vector<512x8xf32>
    %add3A_176 = arith.addf %add3A_168, %mul3A_175 : vector<512x8xf32>
    %swap3A_177 = arith.constant 0 : index
    %swap3A_178 = arith.constant 0 : index
    %swap3A_179 = vector.load %arg5[%swap3A_177, %swap3A_178] : memref<512x8xf32, #tpu.memory_space<vmem>>, vector<512x8xf32>
    tpu.vector_store %arg5[%swap3A_177, %swap3A_178], %add3A_176 {strides = array<i32>} : memref<512x8xf32, #tpu.memory_space<vmem>>, vector<512x8xf32>,
    return
  }
  func.func @transform_0(%arg0: i32) -> (i32, i32) {
    %c0_i32 = arith.constant 0 : i32
    %c0_i32_0 = arith.constant 0 : i32
    return %arg0, %c0_i32 : i32, i32
  }
  func.func @transform_1(%arg0: i32) -> (i32, i32) {
    %c0_i32 = arith.constant 0 : i32
    %c0_i32_0 = arith.constant 0 : i32
    %c0_i32_1 = arith.constant 0 : i32
    return %c0_i32, %c0_i32_0 : i32, i32
  }
  func.func @transform_2(%arg0: i32) -> (i32, i32) {
    %c0_i32 = arith.constant 0 : i32
    %c0_i32_0 = arith.constant 0 : i32
    %c0_i32_1 = arith.constant 0 : i32
    return %c0_i32, %c0_i32_0 : i32, i32
  }
  func.func @transform_3(%arg0: i32) -> (i32, i32) {
    %c0_i32 = arith.constant 0 : i32
    %c0_i32_0 = arith.constant 0 : i32
    return %arg0, %c0_i32 : i32, i32
  }
  func.func @transform_4(%arg0: i32) -> (i32, i32) {
    %c0_i32 = arith.constant 0 : i32
    %c0_i32_0 = arith.constant 0 : i32
    return %arg0, %c0_i32 : i32, i32
  }
}

module attributes {stable_mosaic.version = 14 : i64} {
  func.func @_mlp_body(%arg0: i32, %arg1: i32, %arg2: memref<1024x1024xf32, #tpu.memory_space<vmem>>, %arg3: memref<1x1024x512xf32, #tpu.memory_space<vmem>>, %arg4: memref<1x512x1024xf32, #tpu.memory_space<vmem>>, %arg5: memref<1024x1024xf32, #tpu.memory_space<vmem>>) attributes {dimension_semantics = [#tpu.dimension_semantics<arbitrary>, #tpu.dimension_semantics<arbitrary>], iteration_bounds = array<i64: 8, 8>, scalar_prefetch = 0 : i64, scratch_operands = 0 : i64, tpu.core_type = #tpu.core_type<tc>, window_params = [{transform_indices = @transform_0, window_bounds = array<i64: 1024, 1024>}, {transform_indices = @transform_1, window_bounds = array<i64: 1, 1024, 512>}, {transform_indices = @transform_2, window_bounds = array<i64: 1, 512, 1024>}, {transform_indices = @transform_3, window_bounds = array<i64: 1024, 1024>}]} {
    %eq3A = arith.constant 0 : i32
    %eq3A_0 = arith.cmpi eq, %arg1, %eq3A : i32
    %convert_element_type3A = arith.extui %eq3A_0 : i1 to i32
    %cond3A = arith.constant 0 : i32
    %cond3A_1 = arith.cmpi ne, %convert_element_type3A, %cond3A : i32
    scf.if %cond3A_1 {
      %broadcast_in_dim3A = arith.constant 0.000000e+00 : f32
      %broadcast_in_dim3A_129 = vector.broadcast %broadcast_in_dim3A : f32 to vector<1024x1024xf32>
      %swap3A_130 = arith.constant 0 : index
      %swap3A_131 = arith.constant 0 : index
      %swap3A_132 = vector.load %arg5[%swap3A_130, %swap3A_131] : memref<1024x1024xf32, #tpu.memory_space<vmem>>, vector<1024x1024xf32>
      tpu.vector_store %arg5[%swap3A_130, %swap3A_131], %broadcast_in_dim3A_129 {strides = array<i32>} : memref<1024x1024xf32, #tpu.memory_space<vmem>>, vector<1024x1024xf32>,
    } else {
    }
    %get3A = arith.constant 0 : index
    %get3A_2 = arith.constant 0 : index
    %get3A_3 = arith.constant 0 : index
    %get3A_4 = vector.load %arg3[%get3A, %get3A_2, %get3A_3] : memref<1x1024x512xf32, #tpu.memory_space<vmem>>, vector<1x1024x512xf32>
    %get3A_5 = vector.shape_cast %get3A_4 : vector<1x1024x512xf32> to vector<1024x512xf32>
    %get3A_6 = arith.constant 0 : index
    %get3A_7 = arith.constant 0 : index
    %get3A_8 = arith.constant 0 : index
    %get3A_9 = vector.load %arg4[%get3A_6, %get3A_7, %get3A_8] : memref<1x512x1024xf32, #tpu.memory_space<vmem>>, vector<1x512x1024xf32>
    %get3A_10 = vector.shape_cast %get3A_9 : vector<1x512x1024xf32> to vector<512x1024xf32>
    %get3A_11 = arith.constant 0 : index
    %get3A_12 = arith.constant 0 : index
    %get3A_13 = vector.load %arg2[%get3A_11, %get3A_12] : memref<1024x1024xf32, #tpu.memory_space<vmem>>, vector<256x1024xf32>
    %dot_general3A = arith.constant dense<0.000000e+00> : vector<256x512xf32>
    %dot_general3A_14 = tpu.matmul %get3A_13, %get3A_5, %dot_general3A {dimension_numbers = #tpu.dot_dimension_numbers<[1], [0], [0], [1], [0, 0, 1, 1], [], []>, transpose_lhs_hint = false} : vector<256x1024xf32>, vector<1024x512xf32>, vector<256x512xf32> -> vector<256x512xf32>
    %integer_pow3A = arith.mulf %dot_general3A_14, %dot_general3A_14 : vector<256x512xf32>
    %integer_pow3A_15 = arith.mulf %dot_general3A_14, %integer_pow3A : vector<256x512xf32>
    %mul3A = arith.constant 4.471500e-02 : f32
    %mul3A_16 = vector.broadcast %mul3A : f32 to vector<256x512xf32>
    %mul3A_17 = arith.mulf %mul3A_16, %integer_pow3A_15 : vector<256x512xf32>
    %add3A = arith.addf %dot_general3A_14, %mul3A_17 : vector<256x512xf32>
    %mul3A_18 = arith.constant 0.797884583 : f32
    %mul3A_19 = vector.broadcast %mul3A_18 : f32 to vector<256x512xf32>
    %mul3A_20 = arith.mulf %mul3A_19, %add3A : vector<256x512xf32>
    %tanh3A = math.tanh %mul3A_20 : vector<256x512xf32>
    %add3A_21 = arith.constant 1.000000e+00 : f32
    %add3A_22 = vector.broadcast %add3A_21 : f32 to vector<256x512xf32>
    %add3A_23 = arith.addf %add3A_22, %tanh3A : vector<256x512xf32>
    %mul3A_24 = arith.constant 5.000000e-01 : f32
    %mul3A_25 = vector.broadcast %mul3A_24 : f32 to vector<256x512xf32>
    %mul3A_26 = arith.mulf %mul3A_25, %add3A_23 : vector<256x512xf32>
    %mul3A_27 = arith.mulf %dot_general3A_14, %mul3A_26 : vector<256x512xf32>
    %get3A_28 = arith.constant 0 : index
    %get3A_29 = arith.constant 0 : index
    %get3A_30 = vector.load %arg5[%get3A_28, %get3A_29] : memref<1024x1024xf32, #tpu.memory_space<vmem>>, vector<256x1024xf32>
    %dot_general3A_31 = arith.constant dense<0.000000e+00> : vector<256x1024xf32>
    %dot_general3A_32 = tpu.matmul %mul3A_27, %get3A_10, %dot_general3A_31 {dimension_numbers = #tpu.dot_dimension_numbers<[1], [0], [0], [1], [0, 0, 1, 1], [], []>, transpose_lhs_hint = false} : vector<256x512xf32>, vector<512x1024xf32>, vector<256x1024xf32> -> vector<256x1024xf32>
    %add3A_33 = arith.addf %get3A_30, %dot_general3A_32 : vector<256x1024xf32>
    %swap3A = arith.constant 0 : index
    %swap3A_34 = arith.constant 0 : index
    %swap3A_35 = vector.load %arg5[%swap3A, %swap3A_34] : memref<1024x1024xf32, #tpu.memory_space<vmem>>, vector<256x1024xf32>
    tpu.vector_store %arg5[%swap3A, %swap3A_34], %add3A_33 {strides = array<i32>} : memref<1024x1024xf32, #tpu.memory_space<vmem>>, vector<256x1024xf32>,
    %get3A_36 = arith.constant 256 : index
    %get3A_37 = arith.constant 0 : index
    %get3A_38 = vector.load %arg2[%get3A_36, %get3A_37] : memref<1024x1024xf32, #tpu.memory_space<vmem>>, vector<256x1024xf32>
    %dot_general3A_39 = arith.constant dense<0.000000e+00> : vector<256x512xf32>
    %dot_general3A_40 = tpu.matmul %get3A_38, %get3A_5, %dot_general3A_39 {dimension_numbers = #tpu.dot_dimension_numbers<[1], [0], [0], [1], [0, 0, 1, 1], [], []>, transpose_lhs_hint = false} : vector<256x1024xf32>, vector<1024x512xf32>, vector<256x512xf32> -> vector<256x512xf32>
    %integer_pow3A_41 = arith.mulf %dot_general3A_40, %dot_general3A_40 : vector<256x512xf32>
    %integer_pow3A_42 = arith.mulf %dot_general3A_40, %integer_pow3A_41 : vector<256x512xf32>
    %mul3A_43 = arith.constant 4.471500e-02 : f32
    %mul3A_44 = vector.broadcast %mul3A_43 : f32 to vector<256x512xf32>
    %mul3A_45 = arith.mulf %mul3A_44, %integer_pow3A_42 : vector<256x512xf32>
    %add3A_46 = arith.addf %dot_general3A_40, %mul3A_45 : vector<256x512xf32>
    %mul3A_47 = arith.constant 0.797884583 : f32
    %mul3A_48 = vector.broadcast %mul3A_47 : f32 to vector<256x512xf32>
    %mul3A_49 = arith.mulf %mul3A_48, %add3A_46 : vector<256x512xf32>
    %tanh3A_50 = math.tanh %mul3A_49 : vector<256x512xf32>
    %add3A_51 = arith.constant 1.000000e+00 : f32
    %add3A_52 = vector.broadcast %add3A_51 : f32 to vector<256x512xf32>
    %add3A_53 = arith.addf %add3A_52, %tanh3A_50 : vector<256x512xf32>
    %mul3A_54 = arith.constant 5.000000e-01 : f32
    %mul3A_55 = vector.broadcast %mul3A_54 : f32 to vector<256x512xf32>
    %mul3A_56 = arith.mulf %mul3A_55, %add3A_53 : vector<256x512xf32>
    %mul3A_57 = arith.mulf %dot_general3A_40, %mul3A_56 : vector<256x512xf32>
    %get3A_58 = arith.constant 256 : index
    %get3A_59 = arith.constant 0 : index
    %get3A_60 = vector.load %arg5[%get3A_58, %get3A_59] : memref<1024x1024xf32, #tpu.memory_space<vmem>>, vector<256x1024xf32>
    %dot_general3A_61 = arith.constant dense<0.000000e+00> : vector<256x1024xf32>
    %dot_general3A_62 = tpu.matmul %mul3A_57, %get3A_10, %dot_general3A_61 {dimension_numbers = #tpu.dot_dimension_numbers<[1], [0], [0], [1], [0, 0, 1, 1], [], []>, transpose_lhs_hint = false} : vector<256x512xf32>, vector<512x1024xf32>, vector<256x1024xf32> -> vector<256x1024xf32>
    %add3A_63 = arith.addf %get3A_60, %dot_general3A_62 : vector<256x1024xf32>
    %swap3A_64 = arith.constant 256 : index
    %swap3A_65 = arith.constant 0 : index
    %swap3A_66 = vector.load %arg5[%swap3A_64, %swap3A_65] : memref<1024x1024xf32, #tpu.memory_space<vmem>>, vector<256x1024xf32>
    tpu.vector_store %arg5[%swap3A_64, %swap3A_65], %add3A_63 {strides = array<i32>} : memref<1024x1024xf32, #tpu.memory_space<vmem>>, vector<256x1024xf32>,
    %get3A_67 = arith.constant 512 : index
    %get3A_68 = arith.constant 0 : index
    %get3A_69 = vector.load %arg2[%get3A_67, %get3A_68] : memref<1024x1024xf32, #tpu.memory_space<vmem>>, vector<256x1024xf32>
    %dot_general3A_70 = arith.constant dense<0.000000e+00> : vector<256x512xf32>
    %dot_general3A_71 = tpu.matmul %get3A_69, %get3A_5, %dot_general3A_70 {dimension_numbers = #tpu.dot_dimension_numbers<[1], [0], [0], [1], [0, 0, 1, 1], [], []>, transpose_lhs_hint = false} : vector<256x1024xf32>, vector<1024x512xf32>, vector<256x512xf32> -> vector<256x512xf32>
    %integer_pow3A_72 = arith.mulf %dot_general3A_71, %dot_general3A_71 : vector<256x512xf32>
    %integer_pow3A_73 = arith.mulf %dot_general3A_71, %integer_pow3A_72 : vector<256x512xf32>
    %mul3A_74 = arith.constant 4.471500e-02 : f32
    %mul3A_75 = vector.broadcast %mul3A_74 : f32 to vector<256x512xf32>
    %mul3A_76 = arith.mulf %mul3A_75, %integer_pow3A_73 : vector<256x512xf32>
    %add3A_77 = arith.addf %dot_general3A_71, %mul3A_76 : vector<256x512xf32>
    %mul3A_78 = arith.constant 0.797884583 : f32
    %mul3A_79 = vector.broadcast %mul3A_78 : f32 to vector<256x512xf32>
    %mul3A_80 = arith.mulf %mul3A_79, %add3A_77 : vector<256x512xf32>
    %tanh3A_81 = math.tanh %mul3A_80 : vector<256x512xf32>
    %add3A_82 = arith.constant 1.000000e+00 : f32
    %add3A_83 = vector.broadcast %add3A_82 : f32 to vector<256x512xf32>
    %add3A_84 = arith.addf %add3A_83, %tanh3A_81 : vector<256x512xf32>
    %mul3A_85 = arith.constant 5.000000e-01 : f32
    %mul3A_86 = vector.broadcast %mul3A_85 : f32 to vector<256x512xf32>
    %mul3A_87 = arith.mulf %mul3A_86, %add3A_84 : vector<256x512xf32>
    %mul3A_88 = arith.mulf %dot_general3A_71, %mul3A_87 : vector<256x512xf32>
    %get3A_89 = arith.constant 512 : index
    %get3A_90 = arith.constant 0 : index
    %get3A_91 = vector.load %arg5[%get3A_89, %get3A_90] : memref<1024x1024xf32, #tpu.memory_space<vmem>>, vector<256x1024xf32>
    %dot_general3A_92 = arith.constant dense<0.000000e+00> : vector<256x1024xf32>
    %dot_general3A_93 = tpu.matmul %mul3A_88, %get3A_10, %dot_general3A_92 {dimension_numbers = #tpu.dot_dimension_numbers<[1], [0], [0], [1], [0, 0, 1, 1], [], []>, transpose_lhs_hint = false} : vector<256x512xf32>, vector<512x1024xf32>, vector<256x1024xf32> -> vector<256x1024xf32>
    %add3A_94 = arith.addf %get3A_91, %dot_general3A_93 : vector<256x1024xf32>
    %swap3A_95 = arith.constant 512 : index
    %swap3A_96 = arith.constant 0 : index
    %swap3A_97 = vector.load %arg5[%swap3A_95, %swap3A_96] : memref<1024x1024xf32, #tpu.memory_space<vmem>>, vector<256x1024xf32>
    tpu.vector_store %arg5[%swap3A_95, %swap3A_96], %add3A_94 {strides = array<i32>} : memref<1024x1024xf32, #tpu.memory_space<vmem>>, vector<256x1024xf32>,
    %get3A_98 = arith.constant 768 : index
    %get3A_99 = arith.constant 0 : index
    %get3A_100 = vector.load %arg2[%get3A_98, %get3A_99] : memref<1024x1024xf32, #tpu.memory_space<vmem>>, vector<256x1024xf32>
    %dot_general3A_101 = arith.constant dense<0.000000e+00> : vector<256x512xf32>
    %dot_general3A_102 = tpu.matmul %get3A_100, %get3A_5, %dot_general3A_101 {dimension_numbers = #tpu.dot_dimension_numbers<[1], [0], [0], [1], [0, 0, 1, 1], [], []>, transpose_lhs_hint = false} : vector<256x1024xf32>, vector<1024x512xf32>, vector<256x512xf32> -> vector<256x512xf32>
    %integer_pow3A_103 = arith.mulf %dot_general3A_102, %dot_general3A_102 : vector<256x512xf32>
    %integer_pow3A_104 = arith.mulf %dot_general3A_102, %integer_pow3A_103 : vector<256x512xf32>
    %mul3A_105 = arith.constant 4.471500e-02 : f32
    %mul3A_106 = vector.broadcast %mul3A_105 : f32 to vector<256x512xf32>
    %mul3A_107 = arith.mulf %mul3A_106, %integer_pow3A_104 : vector<256x512xf32>
    %add3A_108 = arith.addf %dot_general3A_102, %mul3A_107 : vector<256x512xf32>
    %mul3A_109 = arith.constant 0.797884583 : f32
    %mul3A_110 = vector.broadcast %mul3A_109 : f32 to vector<256x512xf32>
    %mul3A_111 = arith.mulf %mul3A_110, %add3A_108 : vector<256x512xf32>
    %tanh3A_112 = math.tanh %mul3A_111 : vector<256x512xf32>
    %add3A_113 = arith.constant 1.000000e+00 : f32
    %add3A_114 = vector.broadcast %add3A_113 : f32 to vector<256x512xf32>
    %add3A_115 = arith.addf %add3A_114, %tanh3A_112 : vector<256x512xf32>
    %mul3A_116 = arith.constant 5.000000e-01 : f32
    %mul3A_117 = vector.broadcast %mul3A_116 : f32 to vector<256x512xf32>
    %mul3A_118 = arith.mulf %mul3A_117, %add3A_115 : vector<256x512xf32>
    %mul3A_119 = arith.mulf %dot_general3A_102, %mul3A_118 : vector<256x512xf32>
    %get3A_120 = arith.constant 768 : index
    %get3A_121 = arith.constant 0 : index
    %get3A_122 = vector.load %arg5[%get3A_120, %get3A_121] : memref<1024x1024xf32, #tpu.memory_space<vmem>>, vector<256x1024xf32>
    %dot_general3A_123 = arith.constant dense<0.000000e+00> : vector<256x1024xf32>
    %dot_general3A_124 = tpu.matmul %mul3A_119, %get3A_10, %dot_general3A_123 {dimension_numbers = #tpu.dot_dimension_numbers<[1], [0], [0], [1], [0, 0, 1, 1], [], []>, transpose_lhs_hint = false} : vector<256x512xf32>, vector<512x1024xf32>, vector<256x1024xf32> -> vector<256x1024xf32>
    %add3A_125 = arith.addf %get3A_122, %dot_general3A_124 : vector<256x1024xf32>
    %swap3A_126 = arith.constant 768 : index
    %swap3A_127 = arith.constant 0 : index
    %swap3A_128 = vector.load %arg5[%swap3A_126, %swap3A_127] : memref<1024x1024xf32, #tpu.memory_space<vmem>>, vector<256x1024xf32>
    tpu.vector_store %arg5[%swap3A_126, %swap3A_127], %add3A_125 {strides = array<i32>} : memref<1024x1024xf32, #tpu.memory_space<vmem>>, vector<256x1024xf32>,
    return
  }
  func.func @transform_0(%arg0: i32, %arg1: i32) -> (i32, i32) {
    %c0_i32 = arith.constant 0 : i32
    %c0_i32_0 = arith.constant 0 : i32
    return %arg0, %c0_i32 : i32, i32
  }
  func.func @transform_1(%arg0: i32, %arg1: i32) -> (i32, i32, i32) {
    %c0_i32 = arith.constant 0 : i32
    %c0_i32_0 = arith.constant 0 : i32
    return %arg0, %c0_i32, %arg1 : i32, i32, i32
  }
  func.func @transform_2(%arg0: i32, %arg1: i32) -> (i32, i32, i32) {
    %c0_i32 = arith.constant 0 : i32
    %c0_i32_0 = arith.constant 0 : i32
    return %arg0, %arg1, %c0_i32 : i32, i32, i32
  }
  func.func @transform_3(%arg0: i32, %arg1: i32) -> (i32, i32) {
    %c0_i32 = arith.constant 0 : i32
    %c0_i32_0 = arith.constant 0 : i32
    return %arg0, %c0_i32 : i32, i32
  }
}

module attributes {stable_mosaic.version = 14 : i64} {
  func.func @_combine_body(%arg0: i32, %arg1: memref<512x1024xf32, #tpu.memory_space<vmem>>, %arg2: memref<512x1024xf32, #tpu.memory_space<vmem>>, %arg3: memref<512x8xf32, #tpu.memory_space<vmem>>, %arg4: memref<512x1024xf32, #tpu.memory_space<vmem>>) attributes {dimension_semantics = [#tpu.dimension_semantics<arbitrary>], iteration_bounds = array<i64: 8>, scalar_prefetch = 0 : i64, scratch_operands = 0 : i64, tpu.core_type = #tpu.core_type<tc>, window_params = [{transform_indices = @transform_0, window_bounds = array<i64: 512, 1024>}, {transform_indices = @transform_1, window_bounds = array<i64: 512, 1024>}, {transform_indices = @transform_2, window_bounds = array<i64: 512, 8>}, {transform_indices = @transform_3, window_bounds = array<i64: 512, 1024>}]} {
    %get3A = arith.constant 0 : index
    %get3A_0 = arith.constant 0 : index
    %get3A_1 = vector.load %arg3[%get3A, %get3A_0] : memref<512x8xf32, #tpu.memory_space<vmem>>, vector<512x8xf32>
    %slice3A = vector.extract_strided_slice %get3A_1 {offsets = [0, 4], sizes = [512, 1], strides = [1, 1]} : vector<512x8xf32> to vector<512x1xf32>
    %slice3A_2 = vector.extract_strided_slice %get3A_1 {offsets = [0, 6], sizes = [512, 1], strides = [1, 1]} : vector<512x8xf32> to vector<512x1xf32>
    %mul3A = arith.mulf %slice3A, %slice3A_2 : vector<512x1xf32>
    %slice3A_3 = vector.extract_strided_slice %get3A_1 {offsets = [0, 5], sizes = [512, 1], strides = [1, 1]} : vector<512x8xf32> to vector<512x1xf32>
    %slice3A_4 = vector.extract_strided_slice %get3A_1 {offsets = [0, 7], sizes = [512, 1], strides = [1, 1]} : vector<512x8xf32> to vector<512x1xf32>
    %mul3A_5 = arith.mulf %slice3A_3, %slice3A_4 : vector<512x1xf32>
    %get3A_6 = arith.constant 0 : index
    %get3A_7 = arith.constant 0 : index
    %get3A_8 = vector.load %arg1[%get3A_6, %get3A_7] : memref<512x1024xf32, #tpu.memory_space<vmem>>, vector<512x1024xf32>
    %mul3A_9 = vector.broadcast %mul3A : vector<512x1xf32> to vector<512x1024xf32>
    %mul3A_10 = arith.mulf %get3A_8, %mul3A_9 : vector<512x1024xf32>
    %get3A_11 = arith.constant 0 : index
    %get3A_12 = arith.constant 0 : index
    %get3A_13 = vector.load %arg2[%get3A_11, %get3A_12] : memref<512x1024xf32, #tpu.memory_space<vmem>>, vector<512x1024xf32>
    %mul3A_14 = vector.broadcast %mul3A_5 : vector<512x1xf32> to vector<512x1024xf32>
    %mul3A_15 = arith.mulf %get3A_13, %mul3A_14 : vector<512x1024xf32>
    %add3A = arith.addf %mul3A_10, %mul3A_15 : vector<512x1024xf32>
    %swap3A = arith.constant 0 : index
    %swap3A_16 = arith.constant 0 : index
    %swap3A_17 = vector.load %arg4[%swap3A, %swap3A_16] : memref<512x1024xf32, #tpu.memory_space<vmem>>, vector<512x1024xf32>
    tpu.vector_store %arg4[%swap3A, %swap3A_16], %add3A {strides = array<i32>} : memref<512x1024xf32, #tpu.memory_space<vmem>>, vector<512x1024xf32>,
    return
  }
  func.func @transform_0(%arg0: i32) -> (i32, i32) {
    %c0_i32 = arith.constant 0 : i32
    %c0_i32_0 = arith.constant 0 : i32
    return %arg0, %c0_i32 : i32, i32
  }
  func.func @transform_1(%arg0: i32) -> (i32, i32) {
    %add3A = arith.constant 8 : i32
    %add3A_0 = arith.addi %arg0, %add3A : i32
    %c0_i32 = arith.constant 0 : i32
    %c0_i32_1 = arith.constant 0 : i32
    return %add3A_0, %c0_i32 : i32, i32
  }
  func.func @transform_2(%arg0: i32) -> (i32, i32) {
    %c0_i32 = arith.constant 0 : i32
    %c0_i32_0 = arith.constant 0 : i32
    return %arg0, %c0_i32 : i32, i32
  }
  func.func @transform_3(%arg0: i32) -> (i32, i32) {
    %c0_i32 = arith.constant 0 : i32
    %c0_i32_0 = arith.constant 0 : i32
    return %arg0, %c0_i32 : i32, i32
  }
}

</mosaic_0001>

<sc_bundles>
// kernel: kernel.10.cloned.1.call-start
scs
__scs_entry_jumppad:
0x0: {  	(pc) =	sbr.rel $0x88, $3  }
0x1: {  	(tag) =	ssettag $0x0;
	lr =	simm.s32 $0x1  }
0x2: {  	[smem:$0x3F9C] =	sst lr;
	_ =	strace $0xD0000000  }
0x3: {  	_ = 	snop  }
0x4: {  	_ = 	snop  }
0x5: {  	_ = 	snop  }
0x6: {  	_ = 	snop  }
0x7: {  	_ = 	snop  }
__scs_overlays_trampoline_lowered:
0x8: {  	[smem:$0x3FAB] =	sst s0  }
0x9: {  	[smem:$0x3FAC] =	sst s1  }
0xa: {  	[smem:$0x3FAD] =	sst s2  }
0xb: {  	[smem:$0x3FAE] =	sst s3  }
0xc: {  	[smem:$0x3FAF] =	sst s4  }
0xd: {  	[smem:$0x3FB0] =	sst s5  }
0xe: {  	[smem:$0x3FB1] =	sst s6  }
0xf: {  	[smem:$0x3FB2] =	sst s7  }
0x10: {  	[smem:$0x3FB3] =	sst s8  }
0x11: {  	[smem:$0x3FB4] =	sst s9;
	s0 =	simm.s32 @!p0 $0x0  }
0x12: {  	s1 =	sld [smem:$0x3F9A];
	s0 =	simm.s32 @p0 $0x1  }
0x13: {  	[smem:$0x3FB5] =	sst s0;
	s0 =	simm.s32 @!p1 $0x0  }
0x14: {  	s2 =	sld [smem:$0x3F99];
	s0 =	simm.s32 @p1 $0x1  }
0x15: {  	[smem:$0x3FB6] =	sst s0;
	s0 =	simm.s32 @!p2 $0x0  }
0x16: {  	s3 =	sld [smem:$0x3FDB];
	s0 =	simm.s32 @p2 $0x1  }
0x17: {  	s4 =	simm.s32 $0x1BF5;
	[smem:$0x3FB8] =	sst s0  }
0x18: {  	s0 =	sld [smem:$0x3F9B];
	_ =	swait.ge [sflag:s4], $0x0  }
0x19: {  	s7 =	sld [smem:$0x3F9C]  }
0x1a: {  	s8 =	sadd.s32 $0xFFFFE003, lr  }
0x1b: {  	s9 =	sadd.s32 $0xFFFFFEF7, lr;
	s5 =	simm.s32 $0xFFFFFFFF;
	p2 =	slt.u32 s8, $0xFFFFF086  }
0x1c: {  	p1 =	slt.u32 s9, $0xF7A;
	s5 =	simm.s32 @!p2 $0x0  }
0x1d: {  	s5 =	simm.s32 @p1 $0x1;
	p0 =	seq.s32 s7, s2  }
0x1e: {  	s7 =	smul.u32 @!p0 $0xF7A, s2;
	p2 =	seq.s32 @!p0 s5, $0x0  }
0x1f: {  	s9 =	smul.u32 $0xF7A, s1;
	s8 =	simm.s32 @!p0 $0x1BF5;
	p2 =	por !p2, p0  }
0x20: {  	[sflag:s8] =	ssyncset.s32 @!p0 $0xFFFFF086;
	s6 =	sadd.s32 @!p0 s3, s7;
	s7 =	simm.s32 @!p0 $0x108  }
0x21: {  	s3 =	sadd.s32 s3, s9;
	s6 =	sadd.s32 @!p0 $0x88, s6;
	s7 =	simm.s32 @p2 $0x1082  }
0x22: {  	[simem:s7], [sflag:s8] =	dma.local @!p0 [hbm:s6], $0xF7A  }
0x23: {  	s9 =	sor.u32 $0xD0000000, s2;
	s6 =	simm.s32 $0x108;
	_ =	swait.ge @!p0 [sflag:s8], $0x0  }
0x24: {  	s3 =	sadd.s32 $0x88, s3;
	s6 =	simm.s32 @!p1 $0x1082;
	[sflag:s4] =	ssyncset.s32 $0xFFFFF086  }
0x25: {  	[simem:s6], [sflag:s4] =	dma.local [hbm:s3], $0xF7A  }
0x26: {  	[smem:$0x3F9C] =	sst s1;
	(tag) =	ssettag s2;
	_ =	strace s9  }
0x27: {  	s1 =	sld [smem:$0x3FAC]  }
0x28: {  	s2 =	sld [smem:$0x3FAD]  }
0x29: {  	s4 =	sld [smem:$0x3FAF]  }
0x2a: {  	p0 =	seq.s32 s5, $0x0;
	s5 =	sld [smem:$0x3FB0]  }
0x2b: {  	s6 =	sld [smem:$0x3FB1]  }
0x2c: {  	s7 =	sld [smem:$0x3FB2]  }
0x2d: {  	s3 =	simm.s32 $0x108;
	s8 =	sld [smem:$0x3FB3]  }
0x2e: {  	s3 =	simm.s32 @!p0 $0x1082;
	s9 =	sld [smem:$0x3FB4]  }
0x2f: {  	lr =	sadd.s32 s0, s3;
	s0 =	sld [smem:$0x3FAB]  }
0x30: {  	s3 =	sld [smem:$0x3FAE]  }
0x31: {  	[smem:$0x3FB7] =	sst s10  }
0x32: {  	s10 =	sld [smem:$0x3FB5];
	_ =	sdelay $0x3  }
0x33: {  	p0 =	seq.s32 s10, $0x1;
	s10 =	sld [smem:$0x3FB7];
	_ =	sdelay $0x3  }
0x34: {  	[smem:$0x3FB7] =	sst s10  }
0x35: {  	s10 =	sld [smem:$0x3FB6];
	_ =	sdelay $0x3  }
0x36: {  	p1 =	seq.s32 s10, $0x1;
	s10 =	sld [smem:$0x3FB7];
	_ =	sdelay $0x3  }
0x37: {  	[smem:$0x3FB7] =	sst s10  }
0x38: {  	s10 =	sld [smem:$0x3FB8]  }
0x39: {  	_ = 	snop;
	(pc) =	sbr.ind lr, $3  }
0x3a: {  	_ = 	snop  }
0x3b: {  	_ = 	snop  }
0x3c: {  	p2 =	seq.s32 s10, $0x1;
	s10 =	sld [smem:$0x3FB7]  }
0x3d: {  	_ =	shalt  }
0x3e: {  	_ =	shalt  }
0x3f: {  	_ =	shalt  }
0x40: {  	_ =	shalt  }
0x41: {  	_ =	shalt  }
0x42: {  	_ =	shalt  }
0x43: {  	_ =	shalt  }
0x44: {  	_ =	shalt  }
0x45: {  	_ =	shalt  }
0x46: {  	_ =	shalt  }
0x47: {  	_ =	shalt  }
0x48: {  	_ =	shalt  }
0x49: {  	_ =	shalt  }
0x4a: {  	_ =	shalt  }
0x4b: {  	_ =	shalt  }
0x4c: {  	_ =	shalt  }
0x4d: {  	_ =	shalt  }
0x4e: {  	_ =	shalt  }
0x4f: {  	_ =	shalt  }
0x50: {  	_ =	shalt  }
0x51: {  	_ =	shalt  }
0x52: {  	_ =	shalt  }
0x53: {  	_ =	shalt  }
0x54: {  	_ =	shalt  }
0x55: {  	_ =	shalt  }
0x56: {  	_ =	shalt  }
0x57: {  	_ =	shalt  }
0x58: {  	_ =	shalt  }
0x59: {  	_ =	shalt  }
0x5a: {  	_ =	shalt  }
0x5b: {  	_ =	shalt  }
0x5c: {  	_ =	shalt  }
0x5d: {  	_ =	shalt  }
0x5e: {  	_ =	shalt  }
0x5f: {  	_ =	shalt  }
0x60: {  	_ =	shalt  }
0x61: {  	_ =	shalt  }
0x62: {  	_ =	shalt  }
0x63: {  	_ =	shalt  }
0x64: {  	_ =	shalt  }
0x65: {  	_ =	shalt  }
0x66: {  	_ =	shalt  }
0x67: {  	_ =	shalt  }
0x68: {  	_ =	shalt  }
0x69: {  	_ =	shalt  }
0x6a: {  	_ =	shalt  }
0x6b: {  	_ =	shalt  }
0x6c: {  	_ =	shalt  }
0x6d: {  	_ =	shalt  }
0x6e: {  	_ =	shalt  }
0x6f: {  	_ =	shalt  }
0x70: {  	_ =	shalt  }
0x71: {  	_ =	shalt  }
0x72: {  	_ =	shalt  }
0x73: {  	_ =	shalt  }
0x74: {  	_ =	shalt  }
0x75: {  	_ =	shalt  }
0x76: {  	_ =	shalt  }
0x77: {  	_ =	shalt  }
0x78: {  	_ =	shalt  }
0x79: {  	_ =	shalt  }
0x7a: {  	_ =	shalt  }
0x7b: {  	_ =	shalt  }
0x7c: {  	_ =	shalt  }
0x7d: {  	_ =	shalt  }
0x7e: {  	_ =	shalt  }
0x7f: {  	_ =	shalt  }
0x80: {  	_ =	shalt  }
0x81: {  	_ =	shalt  }
0x82: {  	_ =	shalt  }
0x83: {  	_ =	shalt  }
0x84: {  	_ =	shalt  }
0x85: {  	_ =	shalt  }
0x86: {  	_ =	shalt  }
0x87: {  	_ =	shalt  }
.Lfunc_end0:
.L_simem_size_0:
called_computation.1_lowered:
.L_overlay_start_0:
0x88: {  	s2 =	sld [smem:$0x3FD9]  }
0x89: {  	s3 =	sld [smem:$0x3FFE];
	_ =	sdelay $0x1  }
0x8a: {  	s1 =	srdreg.scid  }
0x8b: {  	s0 =	sand.u32 $0x1, s1  }
0x8c: {  	s16 =	sshll.u32 s0, $0xA;
	s2 =	sadd.s32 s3, s2  }
0x8d: {  	s2 =	sadd.s32 s2, s16  }
0x8e: {  	[smem:$0x3FC3] =	sst s2  }
0x8f: {  	_ = 	snop  }
0x90: {  	(tm) =	ssettm $0x1  }
0x91: {  	s17 =	sld [smem:$0x3FFB];
	_ =	sdelay $0x3  }
0x92: {  	_ =	strace s17  }
0x93: {  	s2 =	sld [smem:$0x3FFC];
	_ =	sdelay $0x3  }
0x94: {  	_ =	strace s2  }
0x95: {  	s2 =	sld [smem:$0x3FFD];
	_ =	sdelay $0x3  }
0x96: {  	_ =	strace s2  }
0x97: {  	_ =	strace $0x8FFFFFFF  }
0x98: {  	s18 =	sld [smem:$0x3FDB];
	_ =	sdelay $0x1  }
0x99: {  	s19 =	simm.s32 $_scs_section_size  }
0x9a: {  	s4 =	simm.s32 $_size__tile_overlayer_lowered;
	s5 =	simm.s32 $_tile_overlayer_lowered  }
0x9b: {  	s22 =	simm.s32 $0x1BFF;
	s21 =	sshll.u32 s5, $0x1;
	s2 =	sadd.s32 s19, s18  }
0x9c: {  	s6 =	simm.s32 $0x0;
	s20 =	sshll.u32 s4, $0x1;
	s4 =	sadd.s32 s21, s2  }
0x9d: {  	[timem:s6], [sflag:s22] =	dma.local [hbm:s4], s20  }
0x9e: {  	_ =	swait.ge [sflag:s22], s20  }
0x9f: {  	s3 =	ssub.s32 $0x0, s20;
	[sflag:s22] =	ssyncset.done $0x0  }
0xa0: {  	[sflag:s22] =	ssyncadd.s32 s3;
	_ =	sdelay $0x1  }
0xa1: {  	s23 =	simm.s32 $0x1B8B  }
0xa2: {  	_ =	swait.ge [sflag:s23], $0x1  }
0xa3: {  	[sflag:s23] =	ssyncset.done $0x0  }
0xa4: {  	s25 =	simm.s32 $0x1B8E;
	s24 =	sld [smem:$0x3FFE];
	[sflag:s23] =	ssyncadd.s32 $0xFFFFFFFF  }
0xa5: {  	s26 =	simm.s32 $execute0_lowered;
	[smem:$0x3FD2] =	sst s25  }
0xa6: {  	s4 =	sshll.u32 s26, $0x1;
	_ =	strace $0x80000049;
	[dreg:$0x1] =	wrdreg $0xFFFFFFFF  }
0xa7: {  	s28 =	simm.s32 $_size_execute0_lowered;
	s2 =	sadd.s32 s2, s4;
	[dreg:$0x0] =	wrdreg $0x0  }
0xa8: {  	s4 =	sshll.u32 s28, $0x1;
	[dreg:$0x2] =	wrdreg s2  }
0xa9: {  	[dreg:$0x3] =	wrdreg s4  }
0xaa: {  	[dreg:$0x4] =	wrdreg $0xC0  }
0xab: {  	_ =	task [dreg:s6], $0x5FFFF  }
0xac: {  	[dreg:$0x1] =	wrdreg $0xFFFFFFFF  }
0xad: {  	[dreg:$0x0] =	wrdreg $0x60  }
0xae: {  	[dreg:$0x2] =	wrdreg s24  }
0xaf: {  	[dreg:$0x3] =	wrdreg $0x9  }
0xb0: {  	_ =	task.clear_ibuf [dreg:s6], $0x4FFFF;
	_ =	strace $0x90000049  }
0xb1: {  	s29 =	simm.s32 $0x9;
	_ =	strace $0x8000004B  }
0xb2: {  	_ =	swait.ge [sflag:s29], $0x1  }
0xb3: {  	[sflag:s29] =	ssyncadd.s32 $0xFFFFFFFF  }
0xb4: {  	_ =	strace $0x9000004B  }
0xb5: {  	_ =	sfence  }
0xb6: {  	s30 =	sld [smem:$0x0];
	_ =	sdelay $0x2  }
0xb7: {  	s31 =	sshll.u32 s1, $0xD;
	s1 =	sshrl.u32 s1, $0x2  }
0xb8: {  	s3 =	sand.u32 $0x4000, s31;
	s1 =	sadd.s32 s1, s30  }
0xb9: {  	s0 =	sor.u32 s3, s0;
	s1 =	sshll.u32 s1, $0x11  }
0xba: {  	s0 =	sor.u32 s1, s0  }
0xbb: {  	s0 =	sadd.s32 $0x8F2B, s0  }
0xbc: {  	[sflag:s0] =	ssyncadd.remote.s32 $0x1  }
0xbd: {  	_ =	sfence.sel $0xFFFF  }
0xbe: {  	[dreg:$0x0] =	wrdreg $0xFFFFFFFF;
	(pc) =	sbr.abs _section_cstart, $3  }
0xbf: {  	[dreg:$0x1] =	wrdreg $0xFFFFFFFF  }
0xc0: {  	_ =	task.clear_ibuf [dreg:s6], $0x2FFFF;
	_ =	strace $0x9FFFFFFF  }
0xc1: {  	(tm) =	ssettm $0x7FFFFFFF  }
tec
execute0_lowered:
.L_overlay_start_1:
0x0: {  	(tag) =	ssettag $0x1  }
0x1: {  	s0 =	rddreg [dreg:$0x0];
	s2 =	simm.s32 $0x0  }
0x2: {  	s1 =	srdreg.scid;
	s3 =	stileid.u32;
	s30 =	simm.s32 $0x100  }
0x3: {  	[smem:$0x7FF] =	sst s2;
	s1 =	sand.u32 $0x1, s1;
	s4 =	sshll.u32 s3, $0x9  }
0x4: {  	s3 =	sadd.s32 $0x110800, s0;
	s6 =	sadd.s32 $0x110400, s0;
	s5 =	sshll.u32 s1, $0x8  }
0x5: {  	s7 =	sadd.s32 $0x10000, s0;
	s1 =	ssub.s32 $0x2, s1;
	s5 =	sor.u32 s5, s4  }
0x6: {  	_ =	strace $0x8000004A;
	s10 =	sshrl.u32 s1, $0x1;
	s4 =	sshrl.u32 s5, $0x3  }
0x7: {  	s8 =	sor.u32 $0x20, s5;
	s26 =	sshll.u32 s5, $0x7;
	s29 =	sor.u32 $0x40, s5  }
0x8: {  	s11 =	sor.u32 $0x60, s5;
	s16 =	sor.u32 $0x80, s5;
	s1 =	ssub.s32 s1, s10  }
0x9: {  	s19 =	sor.u32 $0xA0, s5;
	s23 =	sor.u32 $0xC0, s5;
	s5 =	sor.u32 $0xE0, s5  }
0xa: {  	s4 =	sadd.s32 s6, s4;
	s9 =	sshrl.u32 s8, $0x3;
	s28 =	sadd.s32 s7, s26  }
0xb: {  	s31 =	sshrl.u32 s29, $0x3;
	s8 =	sshll.u32 s8, $0x7;
	s12 =	sshrl.u32 s11, $0x3  }
0xc: {  	s14 =	sshll.u32 s29, $0x7;
	s17 =	sshrl.u32 s16, $0x3;
	[dreg:$0x2] =	wrdreg s4  }
0xd: {  	s18 =	sshll.u32 s11, $0x7;
	s25 =	sadd.s32 s6, s9;
	[dreg:$0x4] =	wrdreg s28  }
0xe: {  	s21 =	sshrl.u32 s19, $0x3;
	s4 =	sadd.s32 s6, s31;
	[dreg:$0x3] =	wrdreg s25  }
0xf: {  	s24 =	sshrl.u32 s23, $0x3;
	s8 =	sadd.s32 s7, s8;
	[dreg:$0x5] =	wrdreg s4  }
0x10: {  	s10 =	sshll.u32 s19, $0x7;
	s13 =	sadd.s32 s6, s12;
	[dreg:$0x6] =	wrdreg s8  }
0x11: {  	s26 =	sshrl.u32 s5, $0x3;
	s15 =	sadd.s32 s7, s14;
	[dreg:$0x7] =	wrdreg s13  }
0x12: {  	s19 =	simm.s32 $0x1;
	s20 =	sadd.s32 s7, s18;
	[dreg:$0x8] =	wrdreg s15  }
0x13: {  	s22 =	sadd.s32 s6, s21;
	s28 =	sshll.u32 s23, $0x7;
	[dreg:$0xa] =	wrdreg s20  }
0x14: {  	s31 =	sshll.u32 s5, $0x7;
	s4 =	sadd.s32 s6, s17;
	[dreg:$0xb] =	wrdreg s22  }
0x15: {  	s5 =	sadd.s32 $0x110A00, s0;
	s25 =	sadd.s32 s7, s10;
	[dreg:$0x9] =	wrdreg s4  }
0x16: {  	s8 =	sshll.u32 s16, $0x7;
	s29 =	sadd.s32 s7, s28;
	[dreg:$0xe] =	wrdreg s25  }
0x17: {  	s20 =	simm.s32 $0x2;
	s8 =	sadd.s32 s7, s8;
	[dreg:$0x10] =	wrdreg s29  }
0x18: {  	s4 =	sadd.s32 $0x110900, s0;
	s7 =	sadd.s32 s7, s31;
	[dreg:$0xc] =	wrdreg s8  }
0x19: {  	v2 =	vlaneseq.u32;
	s8 =	sadd.s32 s6, s24;
	s6 =	sadd.s32 s6, s26;
	[dreg:$0x11] =	wrdreg s7  }
0x1a: {  	vm0 =	vmmov $0xffff;
	v1 =	vshrl.u32 v2, $0x3;
	s7 =	smax.u32 s1, $0x1;
	s26 =	simm.s32 $0x8100;
	[dreg:$0xd] =	wrdreg s8  }
0x1b: {  	v0 =	vand.u32 $0x7, v2;
	v2 =	vor.u32 $0x8, v2;
	v1 =	vmul.u32 $0x8, v1;
	[dreg:$0xf] =	wrdreg s6;
	s6 =	sadd.s32 $0x110B00, s0;
	s8 =	simm.s32 $0x3  }
.LBB2_1:
0x1c: {  	s21 =	rddreg [dreg:$0x2]  }
0x1d: {  	[tilespmem:s2], [sflag:$0x3] =	stream.linear.gather [hbm4b:s21+s2], $0x20, $0x38;
	[tilespmem:$0x10100] =	vst v63  }
0x1e: {  	_ =	swait.ge [sflag:s8], $0x20  }
0x1f: {  	[sflag:s8] =	ssyncset.done $0x0  }
0x20: {  	[sflag:s8] =	ssyncadd.s32 $0xFFFFFFE0  }
0x21: {  	v3 =	vld [tilespmem:$0x0];
	_ =	sdelay $0x4  }
0x22: {  	v4 =	vshll.u32 v3, $0x3  }
0x23: {  	v3 =	vand.u32 $0x7, v3;
	v4 =	vand.u32 $0xFFFFFFC0, v4  }
0x24: {  	v3 =	vor.u32 v3, v4  }
0x25: {  	v4 =	vperm.xlane v3, v0;
	_ =	sdelay $0x1  }
0x26: {  	v4 =	vadd.s32 v1, v4;
	_ =	sdelay $0x4  }
0x27: {  	[tilespmem:s30], [sflag:$0x1] =	stream.indirect_vreg.gather [hbm4b:s3+s2], $0x80, v4, vm0, $0xb8;
	[tilespmem:$0x10100] =	vst v63  }
0x28: {  	s0 =	simm.s32 $0x900;
	v3 =	vperm.xlane v3, v2  }
0x29: {  	[tilespmem:s0], [sflag:$0x1] =	stream.indirect_vreg.gather [hbm4b:s4+s2], $0x80, v4, vm0, $0xb8;
	[tilespmem:$0x10100] =	vst v63  }
0x2a: {  	s9 =	simm.s32 $0x1100;
	v3 =	vadd.s32 v1, v3  }
0x2b: {  	[tilespmem:s9], [sflag:$0x1] =	stream.indirect_vreg.gather [hbm4b:s5+s2], $0x80, v4, vm0, $0xb8;
	[tilespmem:$0x10100] =	vst v63  }
0x2c: {  	s11 =	simm.s32 $0x1900  }
0x2d: {  	[tilespmem:s11], [sflag:$0x1] =	stream.indirect_vreg.gather [hbm4b:s6+s2], $0x80, v4, vm0, $0xb8;
	[tilespmem:$0x10100] =	vst v63  }
0x2e: {  	s12 =	simm.s32 $0x2100  }
0x2f: {  	[tilespmem:s12], [sflag:$0x1] =	stream.indirect_vreg.gather [hbm4b:s3+s2], $0x80, v3, vm0, $0xb8;
	[tilespmem:$0x10100] =	vst v63  }
0x30: {  	s13 =	simm.s32 $0x2900  }
0x31: {  	[tilespmem:s13], [sflag:$0x1] =	stream.indirect_vreg.gather [hbm4b:s4+s2], $0x80, v3, vm0, $0xb8;
	[tilespmem:$0x10100] =	vst v63  }
0x32: {  	s14 =	simm.s32 $0x3100  }
0x33: {  	[tilespmem:s14], [sflag:$0x1] =	stream.indirect_vreg.gather [hbm4b:s5+s2], $0x80, v3, vm0, $0xb8;
	[tilespmem:$0x10100] =	vst v63  }
0x34: {  	s15 =	simm.s32 $0x3900  }
0x35: {  	[tilespmem:s15], [sflag:$0x1] =	stream.indirect_vreg.gather [hbm4b:s6+s2], $0x80, v3, vm0, $0xb8;
	[tilespmem:$0x10100] =	vst v63  }
0x36: {  	v3 =	vld [tilespmem:$0x10];
	_ =	sdelay $0x4  }
0x37: {  	v49 =	vshll.u32 v3, $0x3  }
0x38: {  	v3 =	vand.u32 $0x7, v3;
	v4 =	vand.u32 $0xFFFFFFC0, v49  }
0x39: {  	v3 =	vor.u32 v3, v4  }
0x3a: {  	v4 =	vperm.xlane v3, v0;
	_ =	sdelay $0x1  }
0x3b: {  	v4 =	vadd.s32 v1, v4;
	_ =	sdelay $0x3  }
0x3c: {  	s16 =	simm.s32 $0x4100  }
0x3d: {  	[tilespmem:s16], [sflag:$0x1] =	stream.indirect_vreg.gather [hbm4b:s3+s2], $0x80, v4, vm0, $0xb8;
	[tilespmem:$0x10100] =	vst v63  }
0x3e: {  	s17 =	simm.s32 $0x4900;
	v3 =	vperm.xlane v3, v2  }
0x3f: {  	[tilespmem:s17], [sflag:$0x1] =	stream.indirect_vreg.gather [hbm4b:s4+s2], $0x80, v4, vm0, $0xb8;
	[tilespmem:$0x10100] =	vst v63  }
0x40: {  	s18 =	simm.s32 $0x5100;
	v3 =	vadd.s32 v1, v3  }
0x41: {  	[tilespmem:s18], [sflag:$0x1] =	stream.indirect_vreg.gather [hbm4b:s5+s2], $0x80, v4, vm0, $0xb8;
	[tilespmem:$0x10100] =	vst v63  }
0x42: {  	s21 =	simm.s32 $0x5900  }
0x43: {  	[tilespmem:s21], [sflag:$0x1] =	stream.indirect_vreg.gather [hbm4b:s6+s2], $0x80, v4, vm0, $0xb8;
	[tilespmem:$0x10100] =	vst v63  }
0x44: {  	s22 =	simm.s32 $0x6100  }
0x45: {  	[tilespmem:s22], [sflag:$0x1] =	stream.indirect_vreg.gather [hbm4b:s3+s2], $0x80, v3, vm0, $0xb8;
	[tilespmem:$0x10100] =	vst v63  }
0x46: {  	s23 =	simm.s32 $0x6900  }
0x47: {  	[tilespmem:s23], [sflag:$0x1] =	stream.indirect_vreg.gather [hbm4b:s4+s2], $0x80, v3, vm0, $0xb8;
	[tilespmem:$0x10100] =	vst v63  }
0x48: {  	s24 =	simm.s32 $0x7100  }
0x49: {  	[tilespmem:s24], [sflag:$0x1] =	stream.indirect_vreg.gather [hbm4b:s5+s2], $0x80, v3, vm0, $0xb8;
	[tilespmem:$0x10100] =	vst v63  }
0x4a: {  	s28 =	simm.s32 $0x7900  }
0x4b: {  	[tilespmem:s28], [sflag:$0x1] =	stream.indirect_vreg.gather [hbm4b:s6+s2], $0x80, v3, vm0, $0xb8;
	[tilespmem:$0x10100] =	vst v63  }
0x4c: {  	s29 =	simm.s32 $0x80;
	s25 =	rddreg [dreg:$0x3]  }
0x4d: {  	[tilespmem:s29], [sflag:$0x3] =	stream.linear.gather [hbm4b:s25+s2], $0x20, $0x38;
	[tilespmem:$0x10100] =	vst v63  }
0x4e: {  	_ =	swait.ge [sflag:s8], $0x20  }
0x4f: {  	[sflag:s8] =	ssyncset.done $0x0  }
0x50: {  	[sflag:s8] =	ssyncadd.s32 $0xFFFFFFE0  }
0x51: {  	v3 =	vld [tilespmem:$0x80];
	_ =	sdelay $0x4  }
0x52: {  	v50 =	vshll.u32 v3, $0x3  }
0x53: {  	v3 =	vand.u32 $0x7, v3;
	v4 =	vand.u32 $0xFFFFFFC0, v50  }
0x54: {  	v3 =	vor.u32 v3, v4  }
0x55: {  	v4 =	vperm.xlane v3, v0;
	_ =	sdelay $0x1  }
0x56: {  	v4 =	vadd.s32 v1, v4;
	_ =	sdelay $0x4  }
0x57: {  	[tilespmem:s26], [sflag:$0x2] =	stream.indirect_vreg.gather [hbm4b:s3+s2], $0x80, v4, vm0, $0xb8;
	[tilespmem:$0x10100] =	vst v63  }
0x58: {  	s31 =	simm.s32 $0x8900;
	v3 =	vperm.xlane v3, v2  }
0x59: {  	[tilespmem:s31], [sflag:$0x2] =	stream.indirect_vreg.gather [hbm4b:s4+s2], $0x80, v4, vm0, $0xb8;
	[tilespmem:$0x10100] =	vst v63  }
0x5a: {  	s11 =	simm.s32 $0x9100;
	v3 =	vadd.s32 v1, v3  }
0x5b: {  	[tilespmem:s11], [sflag:$0x2] =	stream.indirect_vreg.gather [hbm4b:s5+s2], $0x80, v4, vm0, $0xb8;
	[tilespmem:$0x10100] =	vst v63  }
0x5c: {  	s15 =	simm.s32 $0x9900  }
0x5d: {  	[tilespmem:s15], [sflag:$0x2] =	stream.indirect_vreg.gather [hbm4b:s6+s2], $0x80, v4, vm0, $0xb8;
	[tilespmem:$0x10100] =	vst v63  }
0x5e: {  	s16 =	simm.s32 $0xA100  }
0x5f: {  	[tilespmem:s16], [sflag:$0x2] =	stream.indirect_vreg.gather [hbm4b:s3+s2], $0x80, v3, vm0, $0xb8;
	[tilespmem:$0x10100] =	vst v63  }
0x60: {  	s17 =	simm.s32 $0xA900  }
0x61: {  	[tilespmem:s17], [sflag:$0x2] =	stream.indirect_vreg.gather [hbm4b:s4+s2], $0x80, v3, vm0, $0xb8;
	[tilespmem:$0x10100] =	vst v63  }
0x62: {  	s18 =	simm.s32 $0xB100  }
0x63: {  	[tilespmem:s18], [sflag:$0x2] =	stream.indirect_vreg.gather [hbm4b:s5+s2], $0x80, v3, vm0, $0xb8;
	[tilespmem:$0x10100] =	vst v63  }
0x64: {  	s22 =	simm.s32 $0xB900  }
0x65: {  	[tilespmem:s22], [sflag:$0x2] =	stream.indirect_vreg.gather [hbm4b:s6+s2], $0x80, v3, vm0, $0xb8;
	[tilespmem:$0x10100] =	vst v63  }
0x66: {  	v3 =	vld [tilespmem:$0x90];
	_ =	sdelay $0x4  }
0x67: {  	v51 =	vshll.u32 v3, $0x3  }
0x68: {  	v3 =	vand.u32 $0x7, v3;
	v4 =	vand.u32 $0xFFFFFFC0, v51  }
0x69: {  	v3 =	vor.u32 v3, v4  }
0x6a: {  	v4 =	vperm.xlane v3, v0;
	_ =	sdelay $0x1  }
0x6b: {  	v4 =	vadd.s32 v1, v4;
	_ =	sdelay $0x3  }
0x6c: {  	s23 =	simm.s32 $0xC100  }
0x6d: {  	[tilespmem:s23], [sflag:$0x2] =	stream.indirect_vreg.gather [hbm4b:s3+s2], $0x80, v4, vm0, $0xb8;
	[tilespmem:$0x10100] =	vst v63  }
0x6e: {  	s29 =	simm.s32 $0xC900;
	v3 =	vperm.xlane v3, v2  }
0x6f: {  	[tilespmem:s29], [sflag:$0x2] =	stream.indirect_vreg.gather [hbm4b:s4+s2], $0x80, v4, vm0, $0xb8;
	[tilespmem:$0x10100] =	vst v63  }
0x70: {  	s0 =	simm.s32 $0xD100;
	v3 =	vadd.s32 v1, v3  }
0x71: {  	[tilespmem:s0], [sflag:$0x2] =	stream.indirect_vreg.gather [hbm4b:s5+s2], $0x80, v4, vm0, $0xb8;
	[tilespmem:$0x10100] =	vst v63  }
0x72: {  	s11 =	simm.s32 $0xD900  }
0x73: {  	[tilespmem:s11], [sflag:$0x2] =	stream.indirect_vreg.gather [hbm4b:s6+s2], $0x80, v4, vm0, $0xb8;
	[tilespmem:$0x10100] =	vst v63  }
0x74: {  	s15 =	simm.s32 $0xE100  }
0x75: {  	[tilespmem:s15], [sflag:$0x2] =	stream.indirect_vreg.gather [hbm4b:s3+s2], $0x80, v3, vm0, $0xb8;
	[tilespmem:$0x10100] =	vst v63  }
0x76: {  	s16 =	simm.s32 $0xE900  }
0x77: {  	[tilespmem:s16], [sflag:$0x2] =	stream.indirect_vreg.gather [hbm4b:s4+s2], $0x80, v3, vm0, $0xb8;
	[tilespmem:$0x10100] =	vst v63  }
0x78: {  	s17 =	simm.s32 $0xF100  }
0x79: {  	[tilespmem:s17], [sflag:$0x2] =	stream.indirect_vreg.gather [hbm4b:s5+s2], $0x80, v3, vm0, $0xb8;
	[tilespmem:$0x10100] =	vst v63  }
0x7a: {  	s23 =	simm.s32 $0xF900  }
0x7b: {  	[tilespmem:s23], [sflag:$0x2] =	stream.indirect_vreg.gather [hbm4b:s6+s2], $0x80, v3, vm0, $0xb8;
	[tilespmem:$0x10100] =	vst v63  }
0x7c: {  	_ =	swait.ge [sflag:s19], $0x8000  }
0x7d: {  	[sflag:s19] =	ssyncset.done $0x0  }
0x7e: {  	s29 =	rddreg [dreg:$0x4];
	[sflag:s19] =	ssyncadd.s32 $0xFFFF8000  }
0x7f: {  	[hbm4b:s29+s2] =	stream.linear.scatter [tilespmem:s30], [sflag:$0x3], $0x8000, $0x38;
	[tilespmem:$0x10100] =	vst v63  }
0x80: {  	_ =	swait.ge [sflag:s8], $0x8000  }
0x81: {  	[sflag:s8] =	ssyncset.done $0x0  }
0x82: {  	s0 =	rddreg [dreg:$0x5];
	[sflag:s8] =	ssyncadd.s32 $0xFFFF8000  }
0x83: {  	[tilespmem:s2], [sflag:$0x3] =	stream.linear.gather [hbm4b:s0+s2], $0x20, $0x38;
	[tilespmem:$0x10100] =	vst v63  }
0x84: {  	_ =	swait.ge [sflag:s8], $0x20  }
0x85: {  	[sflag:s8] =	ssyncset.done $0x0  }
0x86: {  	[sflag:s8] =	ssyncadd.s32 $0xFFFFFFE0  }
0x87: {  	v3 =	vld [tilespmem:$0x0];
	_ =	sdelay $0x4  }
0x88: {  	v52 =	vshll.u32 v3, $0x3  }
0x89: {  	v3 =	vand.u32 $0x7, v3;
	v4 =	vand.u32 $0xFFFFFFC0, v52  }
0x8a: {  	v3 =	vor.u32 v3, v4  }
0x8b: {  	v4 =	vperm.xlane v3, v0;
	_ =	sdelay $0x1  }
0x8c: {  	v4 =	vadd.s32 v1, v4;
	_ =	sdelay $0x4  }
0x8d: {  	[tilespmem:s30], [sflag:$0x1] =	stream.indirect_vreg.gather [hbm4b:s3+s2], $0x80, v4, vm0, $0xb8;
	[tilespmem:$0x10100] =	vst v63  }
0x8e: {  	s10 =	simm.s32 $0x900;
	v3 =	vperm.xlane v3, v2  }
0x8f: {  	[tilespmem:s10], [sflag:$0x1] =	stream.indirect_vreg.gather [hbm4b:s4+s2], $0x80, v4, vm0, $0xb8;
	[tilespmem:$0x10100] =	vst v63  }
0x90: {  	s1 =	simm.s32 $0x1100;
	v3 =	vadd.s32 v1, v3  }
0x91: {  	[tilespmem:s1], [sflag:$0x1] =	stream.indirect_vreg.gather [hbm4b:s5+s2], $0x80, v4, vm0, $0xb8;
	[tilespmem:$0x10100] =	vst v63  }
0x92: {  	s9 =	simm.s32 $0x1900  }
0x93: {  	[tilespmem:s9], [sflag:$0x1] =	stream.indirect_vreg.gather [hbm4b:s6+s2], $0x80, v4, vm0, $0xb8;
	[tilespmem:$0x10100] =	vst v63  }
0x94: {  	s29 =	simm.s32 $0x2100  }
0x95: {  	[tilespmem:s29], [sflag:$0x1] =	stream.indirect_vreg.gather [hbm4b:s3+s2], $0x80, v3, vm0, $0xb8;
	[tilespmem:$0x10100] =	vst v63  }
0x96: {  	s10 =	simm.s32 $0x2900  }
0x97: {  	[tilespmem:s10], [sflag:$0x1] =	stream.indirect_vreg.gather [hbm4b:s4+s2], $0x80, v3, vm0, $0xb8;
	[tilespmem:$0x10100] =	vst v63  }
0x98: {  	s11 =	simm.s32 $0x3100  }
0x99: {  	[tilespmem:s11], [sflag:$0x1] =	stream.indirect_vreg.gather [hbm4b:s5+s2], $0x80, v3, vm0, $0xb8;
	[tilespmem:$0x10100] =	vst v63  }
0x9a: {  	s13 =	simm.s32 $0x3900  }
0x9b: {  	[tilespmem:s13], [sflag:$0x1] =	stream.indirect_vreg.gather [hbm4b:s6+s2], $0x80, v3, vm0, $0xb8;
	[tilespmem:$0x10100] =	vst v63  }
0x9c: {  	v3 =	vld [tilespmem:$0x10];
	_ =	sdelay $0x4  }
0x9d: {  	v53 =	vshll.u32 v3, $0x3  }
0x9e: {  	v3 =	vand.u32 $0x7, v3;
	v4 =	vand.u32 $0xFFFFFFC0, v53  }
0x9f: {  	v3 =	vor.u32 v3, v4  }
0xa0: {  	v4 =	vperm.xlane v3, v0;
	_ =	sdelay $0x1  }
0xa1: {  	v4 =	vadd.s32 v1, v4;
	_ =	sdelay $0x3  }
0xa2: {  	s14 =	simm.s32 $0x4100  }
0xa3: {  	[tilespmem:s14], [sflag:$0x1] =	stream.indirect_vreg.gather [hbm4b:s3+s2], $0x80, v4, vm0, $0xb8;
	[tilespmem:$0x10100] =	vst v63  }
0xa4: {  	s12 =	simm.s32 $0x4900;
	v3 =	vperm.xlane v3, v2  }
0xa5: {  	[tilespmem:s12], [sflag:$0x1] =	stream.indirect_vreg.gather [hbm4b:s4+s2], $0x80, v4, vm0, $0xb8;
	[tilespmem:$0x10100] =	vst v63  }
0xa6: {  	v3 =	vadd.s32 v1, v3;
	s12 =	simm.s32 $0x5100  }
0xa7: {  	[tilespmem:s12], [sflag:$0x1] =	stream.indirect_vreg.gather [hbm4b:s5+s2], $0x80, v4, vm0, $0xb8;
	[tilespmem:$0x10100] =	vst v63  }
0xa8: {  	s13 =	simm.s32 $0x5900  }
0xa9: {  	[tilespmem:s13], [sflag:$0x1] =	stream.indirect_vreg.gather [hbm4b:s6+s2], $0x80, v4, vm0, $0xb8;
	[tilespmem:$0x10100] =	vst v63  }
0xaa: {  	s14 =	simm.s32 $0x6100  }
0xab: {  	[tilespmem:s14], [sflag:$0x1] =	stream.indirect_vreg.gather [hbm4b:s3+s2], $0x80, v3, vm0, $0xb8;
	[tilespmem:$0x10100] =	vst v63  }
0xac: {  	s15 =	simm.s32 $0x6900  }
0xad: {  	[tilespmem:s15], [sflag:$0x1] =	stream.indirect_vreg.gather [hbm4b:s4+s2], $0x80, v3, vm0, $0xb8;
	[tilespmem:$0x10100] =	vst v63  }
0xae: {  	s16 =	simm.s32 $0x7100  }
0xaf: {  	[tilespmem:s16], [sflag:$0x1] =	stream.indirect_vreg.gather [hbm4b:s5+s2], $0x80, v3, vm0, $0xb8;
	[tilespmem:$0x10100] =	vst v63  }
0xb0: {  	s17 =	simm.s32 $0x7900  }
0xb1: {  	[tilespmem:s17], [sflag:$0x1] =	stream.indirect_vreg.gather [hbm4b:s6+s2], $0x80, v3, vm0, $0xb8;
	[tilespmem:$0x10100] =	vst v63  }
0xb2: {  	_ =	swait.ge [sflag:s20], $0x8000  }
0xb3: {  	[sflag:s20] =	ssyncset.done $0x0  }
0xb4: {  	s1 =	rddreg [dreg:$0x6];
	[sflag:s20] =	ssyncadd.s32 $0xFFFF8000  }
0xb5: {  	[hbm4b:s1+s2] =	stream.linear.scatter [tilespmem:s26], [sflag:$0x3], $0x8000, $0x38;
	[tilespmem:$0x10100] =	vst v63  }
0xb6: {  	_ =	swait.ge [sflag:s8], $0x8000  }
0xb7: {  	[sflag:s8] =	ssyncset.done $0x0  }
0xb8: {  	s1 =	simm.s32 $0x80;
	s9 =	rddreg [dreg:$0x7];
	[sflag:s8] =	ssyncadd.s32 $0xFFFF8000  }
0xb9: {  	[tilespmem:s1], [sflag:$0x3] =	stream.linear.gather [hbm4b:s9+s2], $0x20, $0x38;
	[tilespmem:$0x10100] =	vst v63  }
0xba: {  	_ =	swait.ge [sflag:s8], $0x20  }
0xbb: {  	[sflag:s8] =	ssyncset.done $0x0  }
0xbc: {  	[sflag:s8] =	ssyncadd.s32 $0xFFFFFFE0  }
0xbd: {  	v3 =	vld [tilespmem:$0x80];
	_ =	sdelay $0x4  }
0xbe: {  	v54 =	vshll.u32 v3, $0x3  }
0xbf: {  	v3 =	vand.u32 $0x7, v3;
	v4 =	vand.u32 $0xFFFFFFC0, v54  }
0xc0: {  	v3 =	vor.u32 v3, v4  }
0xc1: {  	v4 =	vperm.xlane v3, v0;
	_ =	sdelay $0x1  }
0xc2: {  	v4 =	vadd.s32 v1, v4;
	_ =	sdelay $0x4  }
0xc3: {  	[tilespmem:s26], [sflag:$0x2] =	stream.indirect_vreg.gather [hbm4b:s3+s2], $0x80, v4, vm0, $0xb8;
	[tilespmem:$0x10100] =	vst v63  }
0xc4: {  	s9 =	simm.s32 $0x8900;
	v3 =	vperm.xlane v3, v2  }
0xc5: {  	[tilespmem:s9], [sflag:$0x2] =	stream.indirect_vreg.gather [hbm4b:s4+s2], $0x80, v4, vm0, $0xb8;
	[tilespmem:$0x10100] =	vst v63  }
0xc6: {  	s0 =	simm.s32 $0x9100;
	v3 =	vadd.s32 v1, v3  }
0xc7: {  	[tilespmem:s0], [sflag:$0x2] =	stream.indirect_vreg.gather [hbm4b:s5+s2], $0x80, v4, vm0, $0xb8;
	[tilespmem:$0x10100] =	vst v63  }
0xc8: {  	s21 =	simm.s32 $0x9900  }
0xc9: {  	[tilespmem:s21], [sflag:$0x2] =	stream.indirect_vreg.gather [hbm4b:s6+s2], $0x80, v4, vm0, $0xb8;
	[tilespmem:$0x10100] =	vst v63  }
0xca: {  	s25 =	simm.s32 $0xA100  }
0xcb: {  	[tilespmem:s25], [sflag:$0x2] =	stream.indirect_vreg.gather [hbm4b:s3+s2], $0x80, v3, vm0, $0xb8;
	[tilespmem:$0x10100] =	vst v63  }
0xcc: {  	s28 =	simm.s32 $0xA900  }
0xcd: {  	[tilespmem:s28], [sflag:$0x2] =	stream.indirect_vreg.gather [hbm4b:s4+s2], $0x80, v3, vm0, $0xb8;
	[tilespmem:$0x10100] =	vst v63  }
0xce: {  	s31 =	simm.s32 $0xB100  }
0xcf: {  	[tilespmem:s31], [sflag:$0x2] =	stream.indirect_vreg.gather [hbm4b:s5+s2], $0x80, v3, vm0, $0xb8;
	[tilespmem:$0x10100] =	vst v63  }
0xd0: {  	s24 =	simm.s32 $0xB900  }
0xd1: {  	[tilespmem:s24], [sflag:$0x2] =	stream.indirect_vreg.gather [hbm4b:s6+s2], $0x80, v3, vm0, $0xb8;
	[tilespmem:$0x10100] =	vst v63  }
0xd2: {  	v3 =	vld [tilespmem:$0x90];
	_ =	sdelay $0x4  }
0xd3: {  	v55 =	vshll.u32 v3, $0x3  }
0xd4: {  	v3 =	vand.u32 $0x7, v3;
	v4 =	vand.u32 $0xFFFFFFC0, v55  }
0xd5: {  	v3 =	vor.u32 v3, v4  }
0xd6: {  	v4 =	vperm.xlane v3, v0;
	_ =	sdelay $0x1  }
0xd7: {  	v4 =	vadd.s32 v1, v4;
	_ =	sdelay $0x3  }
0xd8: {  	s18 =	simm.s32 $0xC100  }
0xd9: {  	[tilespmem:s18], [sflag:$0x2] =	stream.indirect_vreg.gather [hbm4b:s3+s2], $0x80, v4, vm0, $0xb8;
	[tilespmem:$0x10100] =	vst v63  }
0xda: {  	s22 =	simm.s32 $0xC900;
	v3 =	vperm.xlane v3, v2  }
0xdb: {  	[tilespmem:s22], [sflag:$0x2] =	stream.indirect_vreg.gather [hbm4b:s4+s2], $0x80, v4, vm0, $0xb8;
	[tilespmem:$0x10100] =	vst v63  }
0xdc: {  	s21 =	simm.s32 $0xD100;
	v3 =	vadd.s32 v1, v3  }
0xdd: {  	[tilespmem:s21], [sflag:$0x2] =	stream.indirect_vreg.gather [hbm4b:s5+s2], $0x80, v4, vm0, $0xb8;
	[tilespmem:$0x10100] =	vst v63  }
0xde: {  	s22 =	simm.s32 $0xD900  }
0xdf: {  	[tilespmem:s22], [sflag:$0x2] =	stream.indirect_vreg.gather [hbm4b:s6+s2], $0x80, v4, vm0, $0xb8;
	[tilespmem:$0x10100] =	vst v63  }
0xe0: {  	s24 =	simm.s32 $0xE100  }
0xe1: {  	[tilespmem:s24], [sflag:$0x2] =	stream.indirect_vreg.gather [hbm4b:s3+s2], $0x80, v3, vm0, $0xb8;
	[tilespmem:$0x10100] =	vst v63  }
0xe2: {  	s22 =	simm.s32 $0xE900  }
0xe3: {  	[tilespmem:s22], [sflag:$0x2] =	stream.indirect_vreg.gather [hbm4b:s4+s2], $0x80, v3, vm0, $0xb8;
	[tilespmem:$0x10100] =	vst v63  }
0xe4: {  	s21 =	simm.s32 $0xF100  }
0xe5: {  	[tilespmem:s21], [sflag:$0x2] =	stream.indirect_vreg.gather [hbm4b:s5+s2], $0x80, v3, vm0, $0xb8;
	[tilespmem:$0x10100] =	vst v63  }
0xe6: {  	s23 =	simm.s32 $0xF900  }
0xe7: {  	[tilespmem:s23], [sflag:$0x2] =	stream.indirect_vreg.gather [hbm4b:s6+s2], $0x80, v3, vm0, $0xb8;
	[tilespmem:$0x10100] =	vst v63  }
0xe8: {  	_ =	swait.ge [sflag:s19], $0x8000  }
0xe9: {  	[sflag:s19] =	ssyncset.done $0x0  }
0xea: {  	s23 =	rddreg [dreg:$0x8];
	[sflag:s19] =	ssyncadd.s32 $0xFFFF8000  }
0xeb: {  	[hbm4b:s23+s2] =	stream.linear.scatter [tilespmem:s30], [sflag:$0x3], $0x8000, $0x38;
	[tilespmem:$0x10100] =	vst v63  }
0xec: {  	_ =	swait.ge [sflag:s8], $0x8000  }
0xed: {  	[sflag:s8] =	ssyncset.done $0x0  }
0xee: {  	s23 =	rddreg [dreg:$0x9];
	[sflag:s8] =	ssyncadd.s32 $0xFFFF8000  }
0xef: {  	[tilespmem:s2], [sflag:$0x3] =	stream.linear.gather [hbm4b:s23+s2], $0x20, $0x38;
	[tilespmem:$0x10100] =	vst v63  }
0xf0: {  	_ =	swait.ge [sflag:s8], $0x20  }
0xf1: {  	[sflag:s8] =	ssyncset.done $0x0  }
0xf2: {  	[sflag:s8] =	ssyncadd.s32 $0xFFFFFFE0  }
0xf3: {  	v3 =	vld [tilespmem:$0x0];
	_ =	sdelay $0x4  }
0xf4: {  	v56 =	vshll.u32 v3, $0x3  }
0xf5: {  	v3 =	vand.u32 $0x7, v3;
	v4 =	vand.u32 $0xFFFFFFC0, v56  }
0xf6: {  	v3 =	vor.u32 v3, v4  }
0xf7: {  	v4 =	vperm.xlane v3, v0;
	_ =	sdelay $0x1  }
0xf8: {  	v4 =	vadd.s32 v1, v4;
	_ =	sdelay $0x4  }
0xf9: {  	[tilespmem:s30], [sflag:$0x1] =	stream.indirect_vreg.gather [hbm4b:s3+s2], $0x80, v4, vm0, $0xb8;
	[tilespmem:$0x10100] =	vst v63  }
0xfa: {  	s23 =	simm.s32 $0x900;
	v3 =	vperm.xlane v3, v2  }
0xfb: {  	[tilespmem:s23], [sflag:$0x1] =	stream.indirect_vreg.gather [hbm4b:s4+s2], $0x80, v4, vm0, $0xb8;
	[tilespmem:$0x10100] =	vst v63  }
0xfc: {  	v3 =	vadd.s32 v1, v3;
	s23 =	simm.s32 $0x1100  }
0xfd: {  	[tilespmem:s23], [sflag:$0x1] =	stream.indirect_vreg.gather [hbm4b:s5+s2], $0x80, v4, vm0, $0xb8;
	[tilespmem:$0x10100] =	vst v63  }
0xfe: {  	s23 =	simm.s32 $0x1900  }
0xff: {  	[tilespmem:s23], [sflag:$0x1] =	stream.indirect_vreg.gather [hbm4b:s6+s2], $0x80, v4, vm0, $0xb8;
	[tilespmem:$0x10100] =	vst v63  }
0x100: {  	_ = 	snop  }
0x101: {  	[tilespmem:s29], [sflag:$0x1] =	stream.indirect_vreg.gather [hbm4b:s3+s2], $0x80, v3, vm0, $0xb8;
	[tilespmem:$0x10100] =	vst v63  }
0x102: {  	_ = 	snop  }
0x103: {  	[tilespmem:s10], [sflag:$0x1] =	stream.indirect_vreg.gather [hbm4b:s4+s2], $0x80, v3, vm0, $0xb8;
	[tilespmem:$0x10100] =	vst v63  }
0x104: {  	_ = 	snop  }
0x105: {  	[tilespmem:s11], [sflag:$0x1] =	stream.indirect_vreg.gather [hbm4b:s5+s2], $0x80, v3, vm0, $0xb8;
	[tilespmem:$0x10100] =	vst v63  }
0x106: {  	s29 =	simm.s32 $0x3900  }
0x107: {  	[tilespmem:s29], [sflag:$0x1] =	stream.indirect_vreg.gather [hbm4b:s6+s2], $0x80, v3, vm0, $0xb8;
	[tilespmem:$0x10100] =	vst v63  }
0x108: {  	v3 =	vld [tilespmem:$0x10];
	_ =	sdelay $0x4  }
0x109: {  	v57 =	vshll.u32 v3, $0x3  }
0x10a: {  	v3 =	vand.u32 $0x7, v3;
	v4 =	vand.u32 $0xFFFFFFC0, v57  }
0x10b: {  	v3 =	vor.u32 v3, v4  }
0x10c: {  	v4 =	vperm.xlane v3, v0;
	_ =	sdelay $0x1  }
0x10d: {  	v4 =	vadd.s32 v1, v4;
	_ =	sdelay $0x3  }
0x10e: {  	s29 =	simm.s32 $0x4100  }
0x10f: {  	[tilespmem:s29], [sflag:$0x1] =	stream.indirect_vreg.gather [hbm4b:s3+s2], $0x80, v4, vm0, $0xb8;
	[tilespmem:$0x10100] =	vst v63  }
0x110: {  	v3 =	vperm.xlane v3, v2;
	s29 =	simm.s32 $0x4900  }
0x111: {  	[tilespmem:s29], [sflag:$0x1] =	stream.indirect_vreg.gather [hbm4b:s4+s2], $0x80, v4, vm0, $0xb8;
	[tilespmem:$0x10100] =	vst v63  }
0x112: {  	v3 =	vadd.s32 v1, v3  }
0x113: {  	[tilespmem:s12], [sflag:$0x1] =	stream.indirect_vreg.gather [hbm4b:s5+s2], $0x80, v4, vm0, $0xb8;
	[tilespmem:$0x10100] =	vst v63  }
0x114: {  	_ = 	snop  }
0x115: {  	[tilespmem:s13], [sflag:$0x1] =	stream.indirect_vreg.gather [hbm4b:s6+s2], $0x80, v4, vm0, $0xb8;
	[tilespmem:$0x10100] =	vst v63  }
0x116: {  	_ = 	snop  }
0x117: {  	[tilespmem:s14], [sflag:$0x1] =	stream.indirect_vreg.gather [hbm4b:s3+s2], $0x80, v3, vm0, $0xb8;
	[tilespmem:$0x10100] =	vst v63  }
0x118: {  	_ = 	snop  }
0x119: {  	[tilespmem:s15], [sflag:$0x1] =	stream.indirect_vreg.gather [hbm4b:s4+s2], $0x80, v3, vm0, $0xb8;
	[tilespmem:$0x10100] =	vst v63  }
0x11a: {  	_ = 	snop  }
0x11b: {  	[tilespmem:s16], [sflag:$0x1] =	stream.indirect_vreg.gather [hbm4b:s5+s2], $0x80, v3, vm0, $0xb8;
	[tilespmem:$0x10100] =	vst v63  }
0x11c: {  	_ = 	snop  }
0x11d: {  	[tilespmem:s17], [sflag:$0x1] =	stream.indirect_vreg.gather [hbm4b:s6+s2], $0x80, v3, vm0, $0xb8;
	[tilespmem:$0x10100] =	vst v63  }
0x11e: {  	_ =	swait.ge [sflag:s20], $0x8000  }
0x11f: {  	[sflag:s20] =	ssyncset.done $0x0  }
0x120: {  	s29 =	rddreg [dreg:$0xa];
	[sflag:s20] =	ssyncadd.s32 $0xFFFF8000  }
0x121: {  	[hbm4b:s29+s2] =	stream.linear.scatter [tilespmem:s26], [sflag:$0x3], $0x8000, $0x38;
	[tilespmem:$0x10100] =	vst v63  }
0x122: {  	_ =	swait.ge [sflag:s8], $0x8000  }
0x123: {  	[sflag:s8] =	ssyncset.done $0x0  }
0x124: {  	s29 =	rddreg [dreg:$0xb];
	[sflag:s8] =	ssyncadd.s32 $0xFFFF8000  }
0x125: {  	[tilespmem:s1], [sflag:$0x3] =	stream.linear.gather [hbm4b:s29+s2], $0x20, $0x38;
	[tilespmem:$0x10100] =	vst v63  }
0x126: {  	_ =	swait.ge [sflag:s8], $0x20  }
0x127: {  	[sflag:s8] =	ssyncset.done $0x0  }
0x128: {  	[sflag:s8] =	ssyncadd.s32 $0xFFFFFFE0  }
0x129: {  	v3 =	vld [tilespmem:$0x80];
	_ =	sdelay $0x4  }
0x12a: {  	v58 =	vshll.u32 v3, $0x3  }
0x12b: {  	v3 =	vand.u32 $0x7, v3;
	v4 =	vand.u32 $0xFFFFFFC0, v58  }
0x12c: {  	v3 =	vor.u32 v3, v4  }
0x12d: {  	v4 =	vperm.xlane v3, v0;
	_ =	sdelay $0x1  }
0x12e: {  	v4 =	vadd.s32 v1, v4;
	_ =	sdelay $0x4  }
0x12f: {  	[tilespmem:s26], [sflag:$0x2] =	stream.indirect_vreg.gather [hbm4b:s3+s2], $0x80, v4, vm0, $0xb8;
	[tilespmem:$0x10100] =	vst v63  }
0x130: {  	v3 =	vperm.xlane v3, v2  }
0x131: {  	[tilespmem:s9], [sflag:$0x2] =	stream.indirect_vreg.gather [hbm4b:s4+s2], $0x80, v4, vm0, $0xb8;
	[tilespmem:$0x10100] =	vst v63  }
0x132: {  	v3 =	vadd.s32 v1, v3  }
0x133: {  	[tilespmem:s0], [sflag:$0x2] =	stream.indirect_vreg.gather [hbm4b:s5+s2], $0x80, v4, vm0, $0xb8;
	[tilespmem:$0x10100] =	vst v63  }
0x134: {  	s29 =	simm.s32 $0x9900  }
0x135: {  	[tilespmem:s29], [sflag:$0x2] =	stream.indirect_vreg.gather [hbm4b:s6+s2], $0x80, v4, vm0, $0xb8;
	[tilespmem:$0x10100] =	vst v63  }
0x136: {  	s25 =	simm.s32 $0xA100  }
0x137: {  	[tilespmem:s25], [sflag:$0x2] =	stream.indirect_vreg.gather [hbm4b:s3+s2], $0x80, v3, vm0, $0xb8;
	[tilespmem:$0x10100] =	vst v63  }
0x138: {  	s28 =	simm.s32 $0xA900  }
0x139: {  	[tilespmem:s28], [sflag:$0x2] =	stream.indirect_vreg.gather [hbm4b:s4+s2], $0x80, v3, vm0, $0xb8;
	[tilespmem:$0x10100] =	vst v63  }
0x13a: {  	s31 =	simm.s32 $0xB100  }
0x13b: {  	[tilespmem:s31], [sflag:$0x2] =	stream.indirect_vreg.gather [hbm4b:s5+s2], $0x80, v3, vm0, $0xb8;
	[tilespmem:$0x10100] =	vst v63  }
0x13c: {  	s31 =	simm.s32 $0xB900  }
0x13d: {  	[tilespmem:s31], [sflag:$0x2] =	stream.indirect_vreg.gather [hbm4b:s6+s2], $0x80, v3, vm0, $0xb8;
	[tilespmem:$0x10100] =	vst v63  }
0x13e: {  	v3 =	vld [tilespmem:$0x90];
	_ =	sdelay $0x4  }
0x13f: {  	v59 =	vshll.u32 v3, $0x3  }
0x140: {  	v3 =	vand.u32 $0x7, v3;
	v4 =	vand.u32 $0xFFFFFFC0, v59  }
0x141: {  	v3 =	vor.u32 v3, v4  }
0x142: {  	v4 =	vperm.xlane v3, v0;
	_ =	sdelay $0x1  }
0x143: {  	v4 =	vadd.s32 v1, v4;
	_ =	sdelay $0x3  }
0x144: {  	s31 =	simm.s32 $0xC100  }
0x145: {  	[tilespmem:s31], [sflag:$0x2] =	stream.indirect_vreg.gather [hbm4b:s3+s2], $0x80, v4, vm0, $0xb8;
	[tilespmem:$0x10100] =	vst v63  }
0x146: {  	v3 =	vperm.xlane v3, v2;
	s31 =	simm.s32 $0xC900  }
0x147: {  	[tilespmem:s31], [sflag:$0x2] =	stream.indirect_vreg.gather [hbm4b:s4+s2], $0x80, v4, vm0, $0xb8;
	[tilespmem:$0x10100] =	vst v63  }
0x148: {  	s18 =	simm.s32 $0xD100;
	v3 =	vadd.s32 v1, v3  }
0x149: {  	[tilespmem:s18], [sflag:$0x2] =	stream.indirect_vreg.gather [hbm4b:s5+s2], $0x80, v4, vm0, $0xb8;
	[tilespmem:$0x10100] =	vst v63  }
0x14a: {  	s21 =	simm.s32 $0xD900  }
0x14b: {  	[tilespmem:s21], [sflag:$0x2] =	stream.indirect_vreg.gather [hbm4b:s6+s2], $0x80, v4, vm0, $0xb8;
	[tilespmem:$0x10100] =	vst v63  }
0x14c: {  	s24 =	simm.s32 $0xE100  }
0x14d: {  	[tilespmem:s24], [sflag:$0x2] =	stream.indirect_vreg.gather [hbm4b:s3+s2], $0x80, v3, vm0, $0xb8;
	[tilespmem:$0x10100] =	vst v63  }
0x14e: {  	s22 =	simm.s32 $0xE900  }
0x14f: {  	[tilespmem:s22], [sflag:$0x2] =	stream.indirect_vreg.gather [hbm4b:s4+s2], $0x80, v3, vm0, $0xb8;
	[tilespmem:$0x10100] =	vst v63  }
0x150: {  	s22 =	simm.s32 $0xF100  }
0x151: {  	[tilespmem:s22], [sflag:$0x2] =	stream.indirect_vreg.gather [hbm4b:s5+s2], $0x80, v3, vm0, $0xb8;
	[tilespmem:$0x10100] =	vst v63  }
0x152: {  	s21 =	simm.s32 $0xF900  }
0x153: {  	[tilespmem:s21], [sflag:$0x2] =	stream.indirect_vreg.gather [hbm4b:s6+s2], $0x80, v3, vm0, $0xb8;
	[tilespmem:$0x10100] =	vst v63  }
0x154: {  	_ =	swait.ge [sflag:s19], $0x8000  }
0x155: {  	[sflag:s19] =	ssyncset.done $0x0  }
0x156: {  	s21 =	rddreg [dreg:$0xc];
	[sflag:s19] =	ssyncadd.s32 $0xFFFF8000  }
0x157: {  	[hbm4b:s21+s2] =	stream.linear.scatter [tilespmem:s30], [sflag:$0x3], $0x8000, $0x38;
	[tilespmem:$0x10100] =	vst v63  }
0x158: {  	_ =	swait.ge [sflag:s8], $0x8000  }
0x159: {  	[sflag:s8] =	ssyncset.done $0x0  }
0x15a: {  	s21 =	rddreg [dreg:$0xd];
	[sflag:s8] =	ssyncadd.s32 $0xFFFF8000  }
0x15b: {  	[tilespmem:s2], [sflag:$0x3] =	stream.linear.gather [hbm4b:s21+s2], $0x20, $0x38;
	[tilespmem:$0x10100] =	vst v63  }
0x15c: {  	_ =	swait.ge [sflag:s8], $0x20  }
0x15d: {  	[sflag:s8] =	ssyncset.done $0x0  }
0x15e: {  	[sflag:s8] =	ssyncadd.s32 $0xFFFFFFE0  }
0x15f: {  	v3 =	vld [tilespmem:$0x0];
	_ =	sdelay $0x4  }
0x160: {  	v60 =	vshll.u32 v3, $0x3  }
0x161: {  	v3 =	vand.u32 $0x7, v3;
	v4 =	vand.u32 $0xFFFFFFC0, v60  }
0x162: {  	v3 =	vor.u32 v3, v4  }
0x163: {  	v4 =	vperm.xlane v3, v0;
	_ =	sdelay $0x1  }
0x164: {  	v4 =	vadd.s32 v1, v4;
	_ =	sdelay $0x4  }
0x165: {  	[tilespmem:s30], [sflag:$0x1] =	stream.indirect_vreg.gather [hbm4b:s3+s2], $0x80, v4, vm0, $0xb8;
	[tilespmem:$0x10100] =	vst v63  }
0x166: {  	s21 =	simm.s32 $0x900;
	v3 =	vperm.xlane v3, v2  }
0x167: {  	[tilespmem:s21], [sflag:$0x1] =	stream.indirect_vreg.gather [hbm4b:s4+s2], $0x80, v4, vm0, $0xb8;
	[tilespmem:$0x10100] =	vst v63  }
0x168: {  	v3 =	vadd.s32 v1, v3;
	s21 =	simm.s32 $0x1100  }
0x169: {  	[tilespmem:s21], [sflag:$0x1] =	stream.indirect_vreg.gather [hbm4b:s5+s2], $0x80, v4, vm0, $0xb8;
	[tilespmem:$0x10100] =	vst v63  }
0x16a: {  	s21 =	simm.s32 $0x1900  }
0x16b: {  	[tilespmem:s21], [sflag:$0x1] =	stream.indirect_vreg.gather [hbm4b:s6+s2], $0x80, v4, vm0, $0xb8;
	[tilespmem:$0x10100] =	vst v63  }
0x16c: {  	s23 =	simm.s32 $0x2100  }
0x16d: {  	[tilespmem:s23], [sflag:$0x1] =	stream.indirect_vreg.gather [hbm4b:s3+s2], $0x80, v3, vm0, $0xb8;
	[tilespmem:$0x10100] =	vst v63  }
0x16e: {  	s10 =	simm.s32 $0x2900  }
0x16f: {  	[tilespmem:s10], [sflag:$0x1] =	stream.indirect_vreg.gather [hbm4b:s4+s2], $0x80, v3, vm0, $0xb8;
	[tilespmem:$0x10100] =	vst v63  }
0x170: {  	s11 =	simm.s32 $0x3100  }
0x171: {  	[tilespmem:s11], [sflag:$0x1] =	stream.indirect_vreg.gather [hbm4b:s5+s2], $0x80, v3, vm0, $0xb8;
	[tilespmem:$0x10100] =	vst v63  }
0x172: {  	s21 =	simm.s32 $0x3900  }
0x173: {  	[tilespmem:s21], [sflag:$0x1] =	stream.indirect_vreg.gather [hbm4b:s6+s2], $0x80, v3, vm0, $0xb8;
	[tilespmem:$0x10100] =	vst v63  }
0x174: {  	v3 =	vld [tilespmem:$0x10];
	_ =	sdelay $0x4  }
0x175: {  	v61 =	vshll.u32 v3, $0x3  }
0x176: {  	v3 =	vand.u32 $0x7, v3;
	v4 =	vand.u32 $0xFFFFFFC0, v61  }
0x177: {  	v3 =	vor.u32 v3, v4  }
0x178: {  	v4 =	vperm.xlane v3, v0;
	_ =	sdelay $0x1  }
0x179: {  	v4 =	vadd.s32 v1, v4;
	_ =	sdelay $0x3  }
0x17a: {  	s23 =	simm.s32 $0x4100  }
0x17b: {  	[tilespmem:s23], [sflag:$0x1] =	stream.indirect_vreg.gather [hbm4b:s3+s2], $0x80, v4, vm0, $0xb8;
	[tilespmem:$0x10100] =	vst v63  }
0x17c: {  	s11 =	simm.s32 $0x4900;
	v3 =	vperm.xlane v3, v2  }
0x17d: {  	[tilespmem:s11], [sflag:$0x1] =	stream.indirect_vreg.gather [hbm4b:s4+s2], $0x80, v4, vm0, $0xb8;
	[tilespmem:$0x10100] =	vst v63  }
0x17e: {  	s12 =	simm.s32 $0x5100;
	v3 =	vadd.s32 v1, v3  }
0x17f: {  	[tilespmem:s12], [sflag:$0x1] =	stream.indirect_vreg.gather [hbm4b:s5+s2], $0x80, v4, vm0, $0xb8;
	[tilespmem:$0x10100] =	vst v63  }
0x180: {  	s13 =	simm.s32 $0x5900  }
0x181: {  	[tilespmem:s13], [sflag:$0x1] =	stream.indirect_vreg.gather [hbm4b:s6+s2], $0x80, v4, vm0, $0xb8;
	[tilespmem:$0x10100] =	vst v63  }
0x182: {  	s14 =	simm.s32 $0x6100  }
0x183: {  	[tilespmem:s14], [sflag:$0x1] =	stream.indirect_vreg.gather [hbm4b:s3+s2], $0x80, v3, vm0, $0xb8;
	[tilespmem:$0x10100] =	vst v63  }
0x184: {  	s15 =	simm.s32 $0x6900  }
0x185: {  	[tilespmem:s15], [sflag:$0x1] =	stream.indirect_vreg.gather [hbm4b:s4+s2], $0x80, v3, vm0, $0xb8;
	[tilespmem:$0x10100] =	vst v63  }
0x186: {  	s16 =	simm.s32 $0x7100  }
0x187: {  	[tilespmem:s16], [sflag:$0x1] =	stream.indirect_vreg.gather [hbm4b:s5+s2], $0x80, v3, vm0, $0xb8;
	[tilespmem:$0x10100] =	vst v63  }
0x188: {  	s17 =	simm.s32 $0x7900  }
0x189: {  	[tilespmem:s17], [sflag:$0x1] =	stream.indirect_vreg.gather [hbm4b:s6+s2], $0x80, v3, vm0, $0xb8;
	[tilespmem:$0x10100] =	vst v63  }
0x18a: {  	_ =	swait.ge [sflag:s20], $0x8000  }
0x18b: {  	[sflag:s20] =	ssyncset.done $0x0  }
0x18c: {  	s14 =	rddreg [dreg:$0xe];
	[sflag:s20] =	ssyncadd.s32 $0xFFFF8000  }
0x18d: {  	[hbm4b:s14+s2] =	stream.linear.scatter [tilespmem:s26], [sflag:$0x3], $0x8000, $0x38;
	[tilespmem:$0x10100] =	vst v63  }
0x18e: {  	_ =	swait.ge [sflag:s8], $0x8000  }
0x18f: {  	[sflag:s8] =	ssyncset.done $0x0  }
0x190: {  	s1 =	simm.s32 $0x80;
	s15 =	rddreg [dreg:$0xf];
	[sflag:s8] =	ssyncadd.s32 $0xFFFF8000  }
0x191: {  	[tilespmem:s1], [sflag:$0x3] =	stream.linear.gather [hbm4b:s15+s2], $0x20, $0x38;
	[tilespmem:$0x10100] =	vst v63  }
0x192: {  	_ =	swait.ge [sflag:s8], $0x20  }
0x193: {  	[sflag:s8] =	ssyncset.done $0x0  }
0x194: {  	[sflag:s8] =	ssyncadd.s32 $0xFFFFFFE0  }
0x195: {  	v3 =	vld [tilespmem:$0x80];
	_ =	sdelay $0x4  }
0x196: {  	v62 =	vshll.u32 v3, $0x3  }
0x197: {  	v3 =	vand.u32 $0x7, v3;
	v4 =	vand.u32 $0xFFFFFFC0, v62  }
0x198: {  	v3 =	vor.u32 v3, v4  }
0x199: {  	v4 =	vperm.xlane v3, v0;
	_ =	sdelay $0x1  }
0x19a: {  	v4 =	vadd.s32 v1, v4;
	_ =	sdelay $0x4  }
0x19b: {  	[tilespmem:s26], [sflag:$0x2] =	stream.indirect_vreg.gather [hbm4b:s3+s2], $0x80, v4, vm0, $0xb8;
	[tilespmem:$0x10100] =	vst v63  }
0x19c: {  	s9 =	simm.s32 $0x8900;
	v3 =	vperm.xlane v3, v2  }
0x19d: {  	[tilespmem:s9], [sflag:$0x2] =	stream.indirect_vreg.gather [hbm4b:s4+s2], $0x80, v4, vm0, $0xb8;
	[tilespmem:$0x10100] =	vst v63  }
0x19e: {  	s0 =	simm.s32 $0x9100;
	v3 =	vadd.s32 v1, v3  }
0x19f: {  	[tilespmem:s0], [sflag:$0x2] =	stream.indirect_vreg.gather [hbm4b:s5+s2], $0x80, v4, vm0, $0xb8;
	[tilespmem:$0x10100] =	vst v63  }
0x1a0: {  	s16 =	simm.s32 $0x9900  }
0x1a1: {  	[tilespmem:s16], [sflag:$0x2] =	stream.indirect_vreg.gather [hbm4b:s6+s2], $0x80, v4, vm0, $0xb8;
	[tilespmem:$0x10100] =	vst v63  }
0x1a2: {  	s29 =	simm.s32 $0xA100  }
0x1a3: {  	[tilespmem:s29], [sflag:$0x2] =	stream.indirect_vreg.gather [hbm4b:s3+s2], $0x80, v3, vm0, $0xb8;
	[tilespmem:$0x10100] =	vst v63  }
0x1a4: {  	s25 =	simm.s32 $0xA900  }
0x1a5: {  	[tilespmem:s25], [sflag:$0x2] =	stream.indirect_vreg.gather [hbm4b:s4+s2], $0x80, v3, vm0, $0xb8;
	[tilespmem:$0x10100] =	vst v63  }
0x1a6: {  	s28 =	simm.s32 $0xB100  }
0x1a7: {  	[tilespmem:s28], [sflag:$0x2] =	stream.indirect_vreg.gather [hbm4b:s5+s2], $0x80, v3, vm0, $0xb8;
	[tilespmem:$0x10100] =	vst v63  }
0x1a8: {  	s17 =	simm.s32 $0xB900  }
0x1a9: {  	[tilespmem:s17], [sflag:$0x2] =	stream.indirect_vreg.gather [hbm4b:s6+s2], $0x80, v3, vm0, $0xb8;
	[tilespmem:$0x10100] =	vst v63  }
0x1aa: {  	v3 =	vld [tilespmem:$0x90];
	_ =	sdelay $0x4  }
0x1ab: {  	v63 =	vshll.u32 v3, $0x3  }
0x1ac: {  	v3 =	vand.u32 $0x7, v3;
	v4 =	vand.u32 $0xFFFFFFC0, v63  }
0x1ad: {  	v3 =	vor.u32 v3, v4  }
0x1ae: {  	v4 =	vperm.xlane v3, v0;
	_ =	sdelay $0x1  }
0x1af: {  	v4 =	vadd.s32 v1, v4;
	_ =	sdelay $0x3  }
0x1b0: {  	s21 =	simm.s32 $0xC100  }
0x1b1: {  	[tilespmem:s21], [sflag:$0x2] =	stream.indirect_vreg.gather [hbm4b:s3+s2], $0x80, v4, vm0, $0xb8;
	[tilespmem:$0x10100] =	vst v63  }
0x1b2: {  	s23 =	simm.s32 $0xC900;
	v3 =	vperm.xlane v3, v2  }
0x1b3: {  	[tilespmem:s23], [sflag:$0x2] =	stream.indirect_vreg.gather [hbm4b:s4+s2], $0x80, v4, vm0, $0xb8;
	[tilespmem:$0x10100] =	vst v63  }
0x1b4: {  	s31 =	simm.s32 $0xD100;
	v3 =	vadd.s32 v1, v3  }
0x1b5: {  	[tilespmem:s31], [sflag:$0x2] =	stream.indirect_vreg.gather [hbm4b:s5+s2], $0x80, v4, vm0, $0xb8;
	[tilespmem:$0x10100] =	vst v63  }
0x1b6: {  	s25 =	simm.s32 $0xD900  }
0x1b7: {  	[tilespmem:s25], [sflag:$0x2] =	stream.indirect_vreg.gather [hbm4b:s6+s2], $0x80, v4, vm0, $0xb8;
	[tilespmem:$0x10100] =	vst v63  }
0x1b8: {  	s24 =	simm.s32 $0xE100  }
0x1b9: {  	[tilespmem:s24], [sflag:$0x2] =	stream.indirect_vreg.gather [hbm4b:s3+s2], $0x80, v3, vm0, $0xb8;
	[tilespmem:$0x10100] =	vst v63  }
0x1ba: {  	s18 =	simm.s32 $0xE900  }
0x1bb: {  	[tilespmem:s18], [sflag:$0x2] =	stream.indirect_vreg.gather [hbm4b:s4+s2], $0x80, v3, vm0, $0xb8;
	[tilespmem:$0x10100] =	vst v63  }
0x1bc: {  	s22 =	simm.s32 $0xF100  }
0x1bd: {  	[tilespmem:s22], [sflag:$0x2] =	stream.indirect_vreg.gather [hbm4b:s5+s2], $0x80, v3, vm0, $0xb8;
	[tilespmem:$0x10100] =	vst v63  }
0x1be: {  	s28 =	simm.s32 $0xF900  }
0x1bf: {  	[tilespmem:s28], [sflag:$0x2] =	stream.indirect_vreg.gather [hbm4b:s6+s2], $0x80, v3, vm0, $0xb8;
	[tilespmem:$0x10100] =	vst v63  }
0x1c0: {  	_ =	swait.ge [sflag:s19], $0x8000  }
0x1c1: {  	[sflag:s19] =	ssyncset.done $0x0  }
0x1c2: {  	s29 =	rddreg [dreg:$0x10];
	[sflag:s19] =	ssyncadd.s32 $0xFFFF8000  }
0x1c3: {  	[hbm4b:s29+s2] =	stream.linear.scatter [tilespmem:s30], [sflag:$0x3], $0x8000, $0x38;
	[tilespmem:$0x10100] =	vst v63  }
0x1c4: {  	_ =	swait.ge [sflag:s8], $0x8000  }
0x1c5: {  	[sflag:s8] =	ssyncset.done $0x0  }
0x1c6: {  	[sflag:s8] =	ssyncadd.s32 $0xFFFF8000  }
0x1c7: {  	_ =	swait.ge [sflag:s20], $0x8000  }
0x1c8: {  	p0 =	sne.s32 s7, $0x1;
	[sflag:s20] =	ssyncset.done $0x0  }
.Ltmp0:
0x1c9: {  	s31 =	rddreg [dreg:$0x11];
	[sflag:s20] =	ssyncadd.s32 $0xFFFF8000;
	(pc) =	sbr.rel @p0 .LBB2_1-.Ltmp0, $4  }
0x1ca: {  	[hbm4b:s31+s2] =	stream.linear.scatter [tilespmem:s26], [sflag:$0x3], $0x8000, $0x38;
	[tilespmem:$0x10100] =	vst v63  }
0x1cb: {  	_ =	swait.ge [sflag:s8], $0x8000  }
0x1cc: {  	[sflag:s8] =	ssyncset.done $0x0  }
0x1cd: {  	s7 =	sadd.s32 $0xFFFFFFFF, s7;
	[sflag:s8] =	ssyncadd.s32 $0xFFFF8000  }
0x1ce: {  	_ =	sfence.sel $0x180000  }
0x1cf: {  	[bflag:$0x0] =	sbarrier.arrive $0xFFFF  }
0x1d0: {  	_ =	strace $0x9000004A  }
0x1d1: {  	s0 =	stileid.u32;
	[bflag:$0x2] =	sbarrier.arrive $0xFFFF  }
0x1d2: {  	p0 =	sne.s32 s0, $0x0;
	s0 =	rddreg [dreg:$0x1]  }
0x1d3: {  	s0 =	sadd.s32 @!p0 $0x100000, s0  }
0x1d4: {  	[sflag:s0] =	ssyncadd.tile.s32 @!p0 $0x1;
	_ =	shalt  }
.Lfunc_end2:
_tile_overlayer_lowered:
.L_overlay_start_2:
0x1d5: {  	(tag) =	ssettag $0x2  }
0x1d6: {  	s0 =	rddreg [dreg:$0x0];
	s2 =	stileid.u32  }
0x1d7: {  	s1 =	rddreg [dreg:$0x1];
	p0 =	sne.s32 s2, $0x0  }
0x1d8: {  	s3 =	rddreg [dreg:$0x2];
	[bflag:$0x3] =	sbarrier.arrive $0xFFFF;
	s2 =	simm.s32 @!p0 $0x1C03  }
0x1d9: {  	[timem:s3], [sflag:s2] =	dma.local @!p0 [hbm:s0], s1  }
0x1da: {  	s0 =	simm.s32 @!p0 $0x3  }
0x1db: {  	_ =	swait.ge @!p0 [sflag:s0], s1  }
0x1dc: {  	s1 =	ssub.s32 @!p0 $0x0, s1;
	[sflag:s0] =	ssyncset.done @!p0 $0x0  }
0x1dd: {  	[sflag:s0] =	ssyncadd.s32 @!p0 s1  }
0x1de: {  	[bflag:$0x3] =	sbarrier.arrive $0xFFFF  }
0x1df: {  	_ =	shalt  }

// kernel: kernel.7.cloned.1.call-start
scs
__scs_entry_jumppad:
0x0: {  	(pc) =	sbr.rel $0x88, $3  }
0x1: {  	(tag) =	ssettag $0x0;
	lr =	simm.s32 $0x1  }
0x2: {  	[smem:$0x3F9C] =	sst lr;
	_ =	strace $0xD0000000  }
0x3: {  	_ = 	snop  }
0x4: {  	_ = 	snop  }
0x5: {  	_ = 	snop  }
0x6: {  	_ = 	snop  }
0x7: {  	_ = 	snop  }
__scs_overlays_trampoline_lowered:
0x8: {  	[smem:$0x3FAB] =	sst s0  }
0x9: {  	[smem:$0x3FAC] =	sst s1  }
0xa: {  	[smem:$0x3FAD] =	sst s2  }
0xb: {  	[smem:$0x3FAE] =	sst s3  }
0xc: {  	[smem:$0x3FAF] =	sst s4  }
0xd: {  	[smem:$0x3FB0] =	sst s5  }
0xe: {  	[smem:$0x3FB1] =	sst s6  }
0xf: {  	[smem:$0x3FB2] =	sst s7  }
0x10: {  	[smem:$0x3FB3] =	sst s8  }
0x11: {  	[smem:$0x3FB4] =	sst s9;
	s0 =	simm.s32 @!p0 $0x0  }
0x12: {  	s1 =	sld [smem:$0x3F9A];
	s0 =	simm.s32 @p0 $0x1  }
0x13: {  	[smem:$0x3FB5] =	sst s0;
	s0 =	simm.s32 @!p1 $0x0  }
0x14: {  	s2 =	sld [smem:$0x3F99];
	s0 =	simm.s32 @p1 $0x1  }
0x15: {  	[smem:$0x3FB6] =	sst s0;
	s0 =	simm.s32 @!p2 $0x0  }
0x16: {  	s3 =	sld [smem:$0x3FDB];
	s0 =	simm.s32 @p2 $0x1  }
0x17: {  	s4 =	simm.s32 $0x1BF5;
	[smem:$0x3FB8] =	sst s0  }
0x18: {  	s0 =	sld [smem:$0x3F9B];
	_ =	swait.ge [sflag:s4], $0x0  }
0x19: {  	s7 =	sld [smem:$0x3F9C]  }
0x1a: {  	s8 =	sadd.s32 $0xFFFFE003, lr  }
0x1b: {  	s9 =	sadd.s32 $0xFFFFFEF7, lr;
	s5 =	simm.s32 $0xFFFFFFFF;
	p2 =	slt.u32 s8, $0xFFFFF086  }
0x1c: {  	p1 =	slt.u32 s9, $0xF7A;
	s5 =	simm.s32 @!p2 $0x0  }
0x1d: {  	s5 =	simm.s32 @p1 $0x1;
	p0 =	seq.s32 s7, s2  }
0x1e: {  	s7 =	smul.u32 @!p0 $0xF7A, s2;
	p2 =	seq.s32 @!p0 s5, $0x0  }
0x1f: {  	s9 =	smul.u32 $0xF7A, s1;
	s8 =	simm.s32 @!p0 $0x1BF5;
	p2 =	por !p2, p0  }
0x20: {  	[sflag:s8] =	ssyncset.s32 @!p0 $0xFFFFF086;
	s6 =	sadd.s32 @!p0 s3, s7;
	s7 =	simm.s32 @!p0 $0x108  }
0x21: {  	s3 =	sadd.s32 s3, s9;
	s6 =	sadd.s32 @!p0 $0x88, s6;
	s7 =	simm.s32 @p2 $0x1082  }
0x22: {  	[simem:s7], [sflag:s8] =	dma.local @!p0 [hbm:s6], $0xF7A  }
0x23: {  	s9 =	sor.u32 $0xD0000000, s2;
	s6 =	simm.s32 $0x108;
	_ =	swait.ge @!p0 [sflag:s8], $0x0  }
0x24: {  	s3 =	sadd.s32 $0x88, s3;
	s6 =	simm.s32 @!p1 $0x1082;
	[sflag:s4] =	ssyncset.s32 $0xFFFFF086  }
0x25: {  	[simem:s6], [sflag:s4] =	dma.local [hbm:s3], $0xF7A  }
0x26: {  	[smem:$0x3F9C] =	sst s1;
	(tag) =	ssettag s2;
	_ =	strace s9  }
0x27: {  	s1 =	sld [smem:$0x3FAC]  }
0x28: {  	s2 =	sld [smem:$0x3FAD]  }
0x29: {  	s4 =	sld [smem:$0x3FAF]  }
0x2a: {  	p0 =	seq.s32 s5, $0x0;
	s5 =	sld [smem:$0x3FB0]  }
0x2b: {  	s6 =	sld [smem:$0x3FB1]  }
0x2c: {  	s7 =	sld [smem:$0x3FB2]  }
0x2d: {  	s3 =	simm.s32 $0x108;
	s8 =	sld [smem:$0x3FB3]  }
0x2e: {  	s3 =	simm.s32 @!p0 $0x1082;
	s9 =	sld [smem:$0x3FB4]  }
0x2f: {  	lr =	sadd.s32 s0, s3;
	s0 =	sld [smem:$0x3FAB]  }
0x30: {  	s3 =	sld [smem:$0x3FAE]  }
0x31: {  	[smem:$0x3FB7] =	sst s10  }
0x32: {  	s10 =	sld [smem:$0x3FB5];
	_ =	sdelay $0x3  }
0x33: {  	p0 =	seq.s32 s10, $0x1;
	s10 =	sld [smem:$0x3FB7];
	_ =	sdelay $0x3  }
0x34: {  	[smem:$0x3FB7] =	sst s10  }
0x35: {  	s10 =	sld [smem:$0x3FB6];
	_ =	sdelay $0x3  }
0x36: {  	p1 =	seq.s32 s10, $0x1;
	s10 =	sld [smem:$0x3FB7];
	_ =	sdelay $0x3  }
0x37: {  	[smem:$0x3FB7] =	sst s10  }
0x38: {  	s10 =	sld [smem:$0x3FB8]  }
0x39: {  	_ = 	snop;
	(pc) =	sbr.ind lr, $3  }
0x3a: {  	_ = 	snop  }
0x3b: {  	_ = 	snop  }
0x3c: {  	p2 =	seq.s32 s10, $0x1;
	s10 =	sld [smem:$0x3FB7]  }
0x3d: {  	_ =	shalt  }
0x3e: {  	_ =	shalt  }
0x3f: {  	_ =	shalt  }
0x40: {  	_ =	shalt  }
0x41: {  	_ =	shalt  }
0x42: {  	_ =	shalt  }
0x43: {  	_ =	shalt  }
0x44: {  	_ =	shalt  }
0x45: {  	_ =	shalt  }
0x46: {  	_ =	shalt  }
0x47: {  	_ =	shalt  }
0x48: {  	_ =	shalt  }
0x49: {  	_ =	shalt  }
0x4a: {  	_ =	shalt  }
0x4b: {  	_ =	shalt  }
0x4c: {  	_ =	shalt  }
0x4d: {  	_ =	shalt  }
0x4e: {  	_ =	shalt  }
0x4f: {  	_ =	shalt  }
0x50: {  	_ =	shalt  }
0x51: {  	_ =	shalt  }
0x52: {  	_ =	shalt  }
0x53: {  	_ =	shalt  }
0x54: {  	_ =	shalt  }
0x55: {  	_ =	shalt  }
0x56: {  	_ =	shalt  }
0x57: {  	_ =	shalt  }
0x58: {  	_ =	shalt  }
0x59: {  	_ =	shalt  }
0x5a: {  	_ =	shalt  }
0x5b: {  	_ =	shalt  }
0x5c: {  	_ =	shalt  }
0x5d: {  	_ =	shalt  }
0x5e: {  	_ =	shalt  }
0x5f: {  	_ =	shalt  }
0x60: {  	_ =	shalt  }
0x61: {  	_ =	shalt  }
0x62: {  	_ =	shalt  }
0x63: {  	_ =	shalt  }
0x64: {  	_ =	shalt  }
0x65: {  	_ =	shalt  }
0x66: {  	_ =	shalt  }
0x67: {  	_ =	shalt  }
0x68: {  	_ =	shalt  }
0x69: {  	_ =	shalt  }
0x6a: {  	_ =	shalt  }
0x6b: {  	_ =	shalt  }
0x6c: {  	_ =	shalt  }
0x6d: {  	_ =	shalt  }
0x6e: {  	_ =	shalt  }
0x6f: {  	_ =	shalt  }
0x70: {  	_ =	shalt  }
0x71: {  	_ =	shalt  }
0x72: {  	_ =	shalt  }
0x73: {  	_ =	shalt  }
0x74: {  	_ =	shalt  }
0x75: {  	_ =	shalt  }
0x76: {  	_ =	shalt  }
0x77: {  	_ =	shalt  }
0x78: {  	_ =	shalt  }
0x79: {  	_ =	shalt  }
0x7a: {  	_ =	shalt  }
0x7b: {  	_ =	shalt  }
0x7c: {  	_ =	shalt  }
0x7d: {  	_ =	shalt  }
0x7e: {  	_ =	shalt  }
0x7f: {  	_ =	shalt  }
0x80: {  	_ =	shalt  }
0x81: {  	_ =	shalt  }
0x82: {  	_ =	shalt  }
0x83: {  	_ =	shalt  }
0x84: {  	_ =	shalt  }
0x85: {  	_ =	shalt  }
0x86: {  	_ =	shalt  }
0x87: {  	_ =	shalt  }
.Lfunc_end0:
.L_simem_size_0:
called_computation_lowered:
.L_overlay_start_0:
0x88: {  	s2 =	sld [smem:$0x3FD9]  }
0x89: {  	s3 =	sld [smem:$0x3FFE];
	_ =	sdelay $0x1  }
0x8a: {  	s1 =	srdreg.scid  }
0x8b: {  	s0 =	sand.u32 $0x1, s1  }
0x8c: {  	s17 =	sshll.u32 s0, $0xA;
	s2 =	sadd.s32 s3, s2  }
0x8d: {  	s2 =	sadd.s32 s2, s17  }
0x8e: {  	[smem:$0x3FC3] =	sst s2  }
0x8f: {  	_ = 	snop  }
0x90: {  	s2 =	sld [smem:$0x3FD0];
	(tm) =	ssettm $0x1  }
0x91: {  	s18 =	sld [smem:$0x3FFB];
	_ =	sdelay $0x3  }
0x92: {  	_ =	strace s18  }
0x93: {  	s3 =	sld [smem:$0x3FFC];
	_ =	sdelay $0x3  }
0x94: {  	_ =	strace s3  }
0x95: {  	s3 =	sld [smem:$0x3FFD];
	_ =	sdelay $0x3  }
0x96: {  	_ =	strace s3  }
0x97: {  	_ =	strace $0x8FFFFFFF  }
0x98: {  	s19 =	sld [smem:$0x3FDB];
	_ =	sdelay $0x1  }
0x99: {  	s4 =	simm.s32 $_scs_section_size  }
0x9a: {  	s5 =	simm.s32 $_size__tile_overlayer_lowered;
	s6 =	simm.s32 $_tile_overlayer_lowered  }
0x9b: {  	s22 =	simm.s32 $0x1BFF;
	s21 =	sshll.u32 s6, $0x1;
	s3 =	sadd.s32 s4, s19  }
0x9c: {  	s7 =	simm.s32 $0x0;
	s20 =	sshll.u32 s5, $0x1;
	s5 =	sadd.s32 s21, s3  }
0x9d: {  	[timem:s7], [sflag:s22] =	dma.local [hbm:s5], s20  }
0x9e: {  	_ =	swait.ge [sflag:s22], s20  }
0x9f: {  	s4 =	ssub.s32 $0x0, s20;
	[sflag:s22] =	ssyncset.done $0x0  }
0xa0: {  	[sflag:s22] =	ssyncadd.s32 s4;
	_ =	sdelay $0x1  }
0xa1: {  	s23 =	simm.s32 $0x1B8B  }
0xa2: {  	_ =	swait.ge [sflag:s23], $0x1  }
0xa3: {  	[sflag:s23] =	ssyncset.done $0x0  }
0xa4: {  	s25 =	simm.s32 $0x1B8E;
	s24 =	sld [smem:$0x3FFE];
	[sflag:s23] =	ssyncadd.s32 $0xFFFFFFFF  }
0xa5: {  	s26 =	simm.s32 $execute0_lowered;
	[smem:$0x3FD2] =	sst s25  }
0xa6: {  	s5 =	sshll.u32 s26, $0x1;
	_ =	strace $0x80000046;
	[dreg:$0x1] =	wrdreg $0xFFFFFFFF  }
0xa7: {  	s28 =	simm.s32 $_size_execute0_lowered;
	s3 =	sadd.s32 s3, s5;
	[dreg:$0x0] =	wrdreg $0x0  }
0xa8: {  	s5 =	sshll.u32 s28, $0x1;
	[dreg:$0x2] =	wrdreg s3  }
0xa9: {  	[dreg:$0x3] =	wrdreg s5  }
0xaa: {  	[dreg:$0x4] =	wrdreg $0xC0  }
0xab: {  	_ =	task [dreg:s7], $0x5FFFF  }
0xac: {  	[dreg:$0x1] =	wrdreg $0xFFFFFFFF  }
0xad: {  	[dreg:$0x0] =	wrdreg $0x60  }
0xae: {  	[dreg:$0x2] =	wrdreg s2  }
0xaf: {  	[dreg:$0x3] =	wrdreg s24  }
0xb0: {  	[dreg:$0x4] =	wrdreg $0x9  }
0xb1: {  	_ =	task.clear_ibuf [dreg:s7], $0x5FFFF;
	_ =	strace $0x90000046  }
0xb2: {  	s29 =	simm.s32 $0x9;
	_ =	strace $0x80000048  }
0xb3: {  	_ =	swait.ge [sflag:s29], $0x1  }
0xb4: {  	[sflag:s29] =	ssyncadd.s32 $0xFFFFFFFF  }
0xb5: {  	_ =	strace $0x90000048  }
0xb6: {  	_ =	sfence  }
0xb7: {  	s30 =	sld [smem:$0x0];
	_ =	sdelay $0x2  }
0xb8: {  	s31 =	sshll.u32 s1, $0xD;
	s1 =	sshrl.u32 s1, $0x2  }
0xb9: {  	s3 =	sand.u32 $0x4000, s31;
	s1 =	sadd.s32 s1, s30  }
0xba: {  	s0 =	sor.u32 s3, s0;
	s1 =	sshll.u32 s1, $0x11  }
0xbb: {  	s0 =	sor.u32 s1, s0  }
0xbc: {  	s0 =	sadd.s32 $0x8F2B, s0  }
0xbd: {  	[sflag:s0] =	ssyncadd.remote.s32 $0x1  }
0xbe: {  	_ =	sfence.sel $0xFFFF  }
0xbf: {  	[dreg:$0x0] =	wrdreg $0xFFFFFFFF;
	(pc) =	sbr.abs _section_cstart, $3  }
0xc0: {  	[dreg:$0x1] =	wrdreg $0xFFFFFFFF  }
0xc1: {  	_ =	task.clear_ibuf [dreg:s7], $0x2FFFF;
	_ =	strace $0x9FFFFFFF  }
0xc2: {  	(tm) =	ssettm $0x7FFFFFFF  }
0xc3: {  	_ =	shalt  }
tec
execute0_lowered:
.L_overlay_start_1:
0x0: {  	(tag) =	ssettag $0x1  }
0x1: {  	s1 =	rddreg [dreg:$0x0]  }
0x2: {  	s0 =	rddreg [dreg:$0x1]  }
0x3: {  	s2 =	srdreg.scid;
	s3 =	simm.s32 $0x0;
	s4 =	stileid.u32  }
0x4: {  	s30 =	simm.s32 $0x100;
	s2 =	sand.u32 $0x1, s2;
	[smem:$0x7FF] =	sst s3  }
0x5: {  	s4 =	sshll.u32 s4, $0x9;
	s6 =	sadd.s32 $0x10000, s0;
	s5 =	sshll.u32 s2, $0x8  }
0x6: {  	s0 =	sadd.s32 $0x10400, s0;
	s2 =	ssub.s32 $0x2, s2;
	s5 =	sor.u32 s5, s4  }
0x7: {  	_ =	strace $0x80000047;
	s9 =	sshrl.u32 s2, $0x1;
	s4 =	sshrl.u32 s5, $0x3  }
0x8: {  	s7 =	sor.u32 $0x20, s5;
	s28 =	sshll.u32 s5, $0x7;
	s31 =	sor.u32 $0x40, s5  }
0x9: {  	s16 =	sor.u32 $0x80, s5;
	s2 =	ssub.s32 s2, s9;
	s19 =	sor.u32 $0xA0, s5  }
0xa: {  	s23 =	sor.u32 $0xC0, s5;
	s4 =	sadd.s32 s6, s4;
	s8 =	sshrl.u32 s7, $0x3  }
0xb: {  	s29 =	sadd.s32 s0, s28;
	s10 =	sshrl.u32 s31, $0x3;
	s7 =	sshll.u32 s7, $0x7  }
0xc: {  	s14 =	sshll.u32 s31, $0x7;
	s17 =	sshrl.u32 s16, $0x3;
	s21 =	sshrl.u32 s19, $0x3  }
0xd: {  	s24 =	sshrl.u32 s23, $0x3;
	s9 =	sshll.u32 s19, $0x7;
	[dreg:$0x3] =	wrdreg s4  }
0xe: {  	s28 =	sshll.u32 s23, $0x7;
	s26 =	sadd.s32 s6, s8;
	[dreg:$0x5] =	wrdreg s29  }
0xf: {  	s19 =	simm.s32 $0x1;
	s4 =	sadd.s32 s6, s10;
	[dreg:$0x4] =	wrdreg s26  }
0x10: {  	s10 =	sor.u32 $0x60, s5;
	s11 =	sadd.s32 s0, s7;
	[dreg:$0x6] =	wrdreg s4  }
0x11: {  	s15 =	sadd.s32 s0, s14;
	s22 =	sadd.s32 s6, s21;
	[dreg:$0x7] =	wrdreg s11  }
0x12: {  	s7 =	sshll.u32 s16, $0x7;
	s5 =	sor.u32 $0xE0, s5;
	[dreg:$0x9] =	wrdreg s15  }
0x13: {  	s25 =	sadd.s32 s0, s9;
	s29 =	sadd.s32 s0, s28;
	[dreg:$0xc] =	wrdreg s22  }
0x14: {  	s8 =	simm.s32 $0x3;
	s12 =	sshrl.u32 s10, $0x3;
	[dreg:$0xf] =	wrdreg s25  }
0x15: {  	s4 =	sadd.s32 s6, s17;
	s18 =	sshll.u32 s10, $0x7;
	[dreg:$0x11] =	wrdreg s29  }
0x16: {  	s7 =	sadd.s32 s0, s7;
	s26 =	sshrl.u32 s5, $0x3;
	[dreg:$0xa] =	wrdreg s4  }
0x17: {  	s31 =	sshll.u32 s5, $0x7;
	s13 =	sadd.s32 s6, s12;
	[dreg:$0xd] =	wrdreg s7  }
0x18: {  	s5 =	sadd.s32 $0x200, s1;
	s20 =	sadd.s32 s0, s18;
	[dreg:$0x8] =	wrdreg s13  }
0x19: {  	s4 =	sadd.s32 $0x100, s1;
	s7 =	sadd.s32 s6, s24;
	[dreg:$0xb] =	wrdreg s20  }
0x1a: {  	v2 =	vlaneseq.u32;
	s6 =	sadd.s32 s6, s26;
	s0 =	sadd.s32 s0, s31;
	[dreg:$0xe] =	wrdreg s7  }
0x1b: {  	vm0 =	vmmov $0xffff;
	v1 =	vshrl.u32 v2, $0x3;
	s26 =	simm.s32 $0x8100;
	[dreg:$0x10] =	wrdreg s6;
	s6 =	sadd.s32 $0x300, s1  }
0x1c: {  	v0 =	vand.u32 $0x7, v2;
	v2 =	vor.u32 $0x8, v2;
	v1 =	vmul.u32 $0x8, v1;
	[dreg:$0x12] =	wrdreg s0;
	s7 =	smax.u32 s2, $0x1;
	s20 =	simm.s32 $0x2  }
.LBB2_1:
0x1d: {  	s21 =	rddreg [dreg:$0x3]  }
0x1e: {  	[tilespmem:s3], [sflag:$0x3] =	stream.linear.gather [hbm4b:s21+s3], $0x20, $0x38;
	[tilespmem:$0x10100] =	vst v63  }
0x1f: {  	_ =	swait.ge [sflag:s8], $0x20  }
0x20: {  	[sflag:s8] =	ssyncset.done $0x0  }
0x21: {  	[sflag:s8] =	ssyncadd.s32 $0xFFFFFFE0  }
0x22: {  	v3 =	vld [tilespmem:$0x0];
	_ =	sdelay $0x4  }
0x23: {  	v4 =	vshll.u32 v3, $0x3  }
0x24: {  	v3 =	vand.u32 $0x7, v3;
	v4 =	vand.u32 $0xFFFFFFC0, v4  }
0x25: {  	v3 =	vor.u32 v3, v4  }
0x26: {  	v4 =	vperm.xlane v3, v0;
	_ =	sdelay $0x1  }
0x27: {  	v4 =	vadd.s32 v1, v4;
	_ =	sdelay $0x4  }
0x28: {  	[tilespmem:s30], [sflag:$0x1] =	stream.indirect_vreg.gather [hbm4b:s1+s3], $0x80, v4, vm0, $0xb8;
	[tilespmem:$0x10100] =	vst v63  }
0x29: {  	s0 =	simm.s32 $0x900;
	v3 =	vperm.xlane v3, v2  }
0x2a: {  	[tilespmem:s0], [sflag:$0x1] =	stream.indirect_vreg.gather [hbm4b:s4+s3], $0x80, v4, vm0, $0xb8;
	[tilespmem:$0x10100] =	vst v63  }
0x2b: {  	s9 =	simm.s32 $0x1100;
	v3 =	vadd.s32 v1, v3  }
0x2c: {  	[tilespmem:s9], [sflag:$0x1] =	stream.indirect_vreg.gather [hbm4b:s5+s3], $0x80, v4, vm0, $0xb8;
	[tilespmem:$0x10100] =	vst v63  }
0x2d: {  	s11 =	simm.s32 $0x1900  }
0x2e: {  	[tilespmem:s11], [sflag:$0x1] =	stream.indirect_vreg.gather [hbm4b:s6+s3], $0x80, v4, vm0, $0xb8;
	[tilespmem:$0x10100] =	vst v63  }
0x2f: {  	s12 =	simm.s32 $0x2100  }
0x30: {  	[tilespmem:s12], [sflag:$0x1] =	stream.indirect_vreg.gather [hbm4b:s1+s3], $0x80, v3, vm0, $0xb8;
	[tilespmem:$0x10100] =	vst v63  }
0x31: {  	s13 =	simm.s32 $0x2900  }
0x32: {  	[tilespmem:s13], [sflag:$0x1] =	stream.indirect_vreg.gather [hbm4b:s4+s3], $0x80, v3, vm0, $0xb8;
	[tilespmem:$0x10100] =	vst v63  }
0x33: {  	s14 =	simm.s32 $0x3100  }
0x34: {  	[tilespmem:s14], [sflag:$0x1] =	stream.indirect_vreg.gather [hbm4b:s5+s3], $0x80, v3, vm0, $0xb8;
	[tilespmem:$0x10100] =	vst v63  }
0x35: {  	s15 =	simm.s32 $0x3900  }
0x36: {  	[tilespmem:s15], [sflag:$0x1] =	stream.indirect_vreg.gather [hbm4b:s6+s3], $0x80, v3, vm0, $0xb8;
	[tilespmem:$0x10100] =	vst v63  }
0x37: {  	v3 =	vld [tilespmem:$0x10];
	_ =	sdelay $0x4  }
0x38: {  	v49 =	vshll.u32 v3, $0x3  }
0x39: {  	v3 =	vand.u32 $0x7, v3;
	v4 =	vand.u32 $0xFFFFFFC0, v49  }
0x3a: {  	v3 =	vor.u32 v3, v4  }
0x3b: {  	v4 =	vperm.xlane v3, v0;
	_ =	sdelay $0x1  }
0x3c: {  	v4 =	vadd.s32 v1, v4;
	_ =	sdelay $0x3  }
0x3d: {  	s16 =	simm.s32 $0x4100  }
0x3e: {  	[tilespmem:s16], [sflag:$0x1] =	stream.indirect_vreg.gather [hbm4b:s1+s3], $0x80, v4, vm0, $0xb8;
	[tilespmem:$0x10100] =	vst v63  }
0x3f: {  	s17 =	simm.s32 $0x4900;
	v3 =	vperm.xlane v3, v2  }
0x40: {  	[tilespmem:s17], [sflag:$0x1] =	stream.indirect_vreg.gather [hbm4b:s4+s3], $0x80, v4, vm0, $0xb8;
	[tilespmem:$0x10100] =	vst v63  }
0x41: {  	s18 =	simm.s32 $0x5100;
	v3 =	vadd.s32 v1, v3  }
0x42: {  	[tilespmem:s18], [sflag:$0x1] =	stream.indirect_vreg.gather [hbm4b:s5+s3], $0x80, v4, vm0, $0xb8;
	[tilespmem:$0x10100] =	vst v63  }
0x43: {  	s21 =	simm.s32 $0x5900  }
0x44: {  	[tilespmem:s21], [sflag:$0x1] =	stream.indirect_vreg.gather [hbm4b:s6+s3], $0x80, v4, vm0, $0xb8;
	[tilespmem:$0x10100] =	vst v63  }
0x45: {  	s22 =	simm.s32 $0x6100  }
0x46: {  	[tilespmem:s22], [sflag:$0x1] =	stream.indirect_vreg.gather [hbm4b:s1+s3], $0x80, v3, vm0, $0xb8;
	[tilespmem:$0x10100] =	vst v63  }
0x47: {  	s23 =	simm.s32 $0x6900  }
0x48: {  	[tilespmem:s23], [sflag:$0x1] =	stream.indirect_vreg.gather [hbm4b:s4+s3], $0x80, v3, vm0, $0xb8;
	[tilespmem:$0x10100] =	vst v63  }
0x49: {  	s24 =	simm.s32 $0x7100  }
0x4a: {  	[tilespmem:s24], [sflag:$0x1] =	stream.indirect_vreg.gather [hbm4b:s5+s3], $0x80, v3, vm0, $0xb8;
	[tilespmem:$0x10100] =	vst v63  }
0x4b: {  	s28 =	simm.s32 $0x7900  }
0x4c: {  	[tilespmem:s28], [sflag:$0x1] =	stream.indirect_vreg.gather [hbm4b:s6+s3], $0x80, v3, vm0, $0xb8;
	[tilespmem:$0x10100] =	vst v63  }
0x4d: {  	s29 =	simm.s32 $0x80;
	s25 =	rddreg [dreg:$0x4]  }
0x4e: {  	[tilespmem:s29], [sflag:$0x3] =	stream.linear.gather [hbm4b:s25+s3], $0x20, $0x38;
	[tilespmem:$0x10100] =	vst v63  }
0x4f: {  	_ =	swait.ge [sflag:s8], $0x20  }
0x50: {  	[sflag:s8] =	ssyncset.done $0x0  }
0x51: {  	[sflag:s8] =	ssyncadd.s32 $0xFFFFFFE0  }
0x52: {  	v3 =	vld [tilespmem:$0x80];
	_ =	sdelay $0x4  }
0x53: {  	v50 =	vshll.u32 v3, $0x3  }
0x54: {  	v3 =	vand.u32 $0x7, v3;
	v4 =	vand.u32 $0xFFFFFFC0, v50  }
0x55: {  	v3 =	vor.u32 v3, v4  }
0x56: {  	v4 =	vperm.xlane v3, v0;
	_ =	sdelay $0x1  }
0x57: {  	v4 =	vadd.s32 v1, v4;
	_ =	sdelay $0x4  }
0x58: {  	[tilespmem:s26], [sflag:$0x2] =	stream.indirect_vreg.gather [hbm4b:s1+s3], $0x80, v4, vm0, $0xb8;
	[tilespmem:$0x10100] =	vst v63  }
0x59: {  	s31 =	simm.s32 $0x8900;
	v3 =	vperm.xlane v3, v2  }
0x5a: {  	[tilespmem:s31], [sflag:$0x2] =	stream.indirect_vreg.gather [hbm4b:s4+s3], $0x80, v4, vm0, $0xb8;
	[tilespmem:$0x10100] =	vst v63  }
0x5b: {  	s11 =	simm.s32 $0x9100;
	v3 =	vadd.s32 v1, v3  }
0x5c: {  	[tilespmem:s11], [sflag:$0x2] =	stream.indirect_vreg.gather [hbm4b:s5+s3], $0x80, v4, vm0, $0xb8;
	[tilespmem:$0x10100] =	vst v63  }
0x5d: {  	s15 =	simm.s32 $0x9900  }
0x5e: {  	[tilespmem:s15], [sflag:$0x2] =	stream.indirect_vreg.gather [hbm4b:s6+s3], $0x80, v4, vm0, $0xb8;
	[tilespmem:$0x10100] =	vst v63  }
0x5f: {  	s16 =	simm.s32 $0xA100  }
0x60: {  	[tilespmem:s16], [sflag:$0x2] =	stream.indirect_vreg.gather [hbm4b:s1+s3], $0x80, v3, vm0, $0xb8;
	[tilespmem:$0x10100] =	vst v63  }
0x61: {  	s17 =	simm.s32 $0xA900  }
0x62: {  	[tilespmem:s17], [sflag:$0x2] =	stream.indirect_vreg.gather [hbm4b:s4+s3], $0x80, v3, vm0, $0xb8;
	[tilespmem:$0x10100] =	vst v63  }
0x63: {  	s18 =	simm.s32 $0xB100  }
0x64: {  	[tilespmem:s18], [sflag:$0x2] =	stream.indirect_vreg.gather [hbm4b:s5+s3], $0x80, v3, vm0, $0xb8;
	[tilespmem:$0x10100] =	vst v63  }
0x65: {  	s22 =	simm.s32 $0xB900  }
0x66: {  	[tilespmem:s22], [sflag:$0x2] =	stream.indirect_vreg.gather [hbm4b:s6+s3], $0x80, v3, vm0, $0xb8;
	[tilespmem:$0x10100] =	vst v63  }
0x67: {  	v3 =	vld [tilespmem:$0x90];
	_ =	sdelay $0x4  }
0x68: {  	v51 =	vshll.u32 v3, $0x3  }
0x69: {  	v3 =	vand.u32 $0x7, v3;
	v4 =	vand.u32 $0xFFFFFFC0, v51  }
0x6a: {  	v3 =	vor.u32 v3, v4  }
0x6b: {  	v4 =	vperm.xlane v3, v0;
	_ =	sdelay $0x1  }
0x6c: {  	v4 =	vadd.s32 v1, v4;
	_ =	sdelay $0x3  }
0x6d: {  	s23 =	simm.s32 $0xC100  }
0x6e: {  	[tilespmem:s23], [sflag:$0x2] =	stream.indirect_vreg.gather [hbm4b:s1+s3], $0x80, v4, vm0, $0xb8;
	[tilespmem:$0x10100] =	vst v63  }
0x6f: {  	s29 =	simm.s32 $0xC900;
	v3 =	vperm.xlane v3, v2  }
0x70: {  	[tilespmem:s29], [sflag:$0x2] =	stream.indirect_vreg.gather [hbm4b:s4+s3], $0x80, v4, vm0, $0xb8;
	[tilespmem:$0x10100] =	vst v63  }
0x71: {  	s0 =	simm.s32 $0xD100;
	v3 =	vadd.s32 v1, v3  }
0x72: {  	[tilespmem:s0], [sflag:$0x2] =	stream.indirect_vreg.gather [hbm4b:s5+s3], $0x80, v4, vm0, $0xb8;
	[tilespmem:$0x10100] =	vst v63  }
0x73: {  	s11 =	simm.s32 $0xD900  }
0x74: {  	[tilespmem:s11], [sflag:$0x2] =	stream.indirect_vreg.gather [hbm4b:s6+s3], $0x80, v4, vm0, $0xb8;
	[tilespmem:$0x10100] =	vst v63  }
0x75: {  	s15 =	simm.s32 $0xE100  }
0x76: {  	[tilespmem:s15], [sflag:$0x2] =	stream.indirect_vreg.gather [hbm4b:s1+s3], $0x80, v3, vm0, $0xb8;
	[tilespmem:$0x10100] =	vst v63  }
0x77: {  	s16 =	simm.s32 $0xE900  }
0x78: {  	[tilespmem:s16], [sflag:$0x2] =	stream.indirect_vreg.gather [hbm4b:s4+s3], $0x80, v3, vm0, $0xb8;
	[tilespmem:$0x10100] =	vst v63  }
0x79: {  	s17 =	simm.s32 $0xF100  }
0x7a: {  	[tilespmem:s17], [sflag:$0x2] =	stream.indirect_vreg.gather [hbm4b:s5+s3], $0x80, v3, vm0, $0xb8;
	[tilespmem:$0x10100] =	vst v63  }
0x7b: {  	s23 =	simm.s32 $0xF900  }
0x7c: {  	[tilespmem:s23], [sflag:$0x2] =	stream.indirect_vreg.gather [hbm4b:s6+s3], $0x80, v3, vm0, $0xb8;
	[tilespmem:$0x10100] =	vst v63  }
0x7d: {  	_ =	swait.ge [sflag:s19], $0x8000  }
0x7e: {  	[sflag:s19] =	ssyncset.done $0x0  }
0x7f: {  	s29 =	rddreg [dreg:$0x5];
	[sflag:s19] =	ssyncadd.s32 $0xFFFF8000  }
0x80: {  	[hbm4b:s29+s3] =	stream.linear.scatter [tilespmem:s30], [sflag:$0x3], $0x8000, $0x38;
	[tilespmem:$0x10100] =	vst v63  }
0x81: {  	_ =	swait.ge [sflag:s8], $0x8000  }
0x82: {  	[sflag:s8] =	ssyncset.done $0x0  }
0x83: {  	s0 =	rddreg [dreg:$0x6];
	[sflag:s8] =	ssyncadd.s32 $0xFFFF8000  }
0x84: {  	[tilespmem:s3], [sflag:$0x3] =	stream.linear.gather [hbm4b:s0+s3], $0x20, $0x38;
	[tilespmem:$0x10100] =	vst v63  }
0x85: {  	_ =	swait.ge [sflag:s8], $0x20  }
0x86: {  	[sflag:s8] =	ssyncset.done $0x0  }
0x87: {  	[sflag:s8] =	ssyncadd.s32 $0xFFFFFFE0  }
0x88: {  	v3 =	vld [tilespmem:$0x0];
	_ =	sdelay $0x4  }
0x89: {  	v52 =	vshll.u32 v3, $0x3  }
0x8a: {  	v3 =	vand.u32 $0x7, v3;
	v4 =	vand.u32 $0xFFFFFFC0, v52  }
0x8b: {  	v3 =	vor.u32 v3, v4  }
0x8c: {  	v4 =	vperm.xlane v3, v0;
	_ =	sdelay $0x1  }
0x8d: {  	v4 =	vadd.s32 v1, v4;
	_ =	sdelay $0x4  }
0x8e: {  	[tilespmem:s30], [sflag:$0x1] =	stream.indirect_vreg.gather [hbm4b:s1+s3], $0x80, v4, vm0, $0xb8;
	[tilespmem:$0x10100] =	vst v63  }
0x8f: {  	s10 =	simm.s32 $0x900;
	v3 =	vperm.xlane v3, v2  }
0x90: {  	[tilespmem:s10], [sflag:$0x1] =	stream.indirect_vreg.gather [hbm4b:s4+s3], $0x80, v4, vm0, $0xb8;
	[tilespmem:$0x10100] =	vst v63  }
0x91: {  	s2 =	simm.s32 $0x1100;
	v3 =	vadd.s32 v1, v3  }
0x92: {  	[tilespmem:s2], [sflag:$0x1] =	stream.indirect_vreg.gather [hbm4b:s5+s3], $0x80, v4, vm0, $0xb8;
	[tilespmem:$0x10100] =	vst v63  }
0x93: {  	s9 =	simm.s32 $0x1900  }
0x94: {  	[tilespmem:s9], [sflag:$0x1] =	stream.indirect_vreg.gather [hbm4b:s6+s3], $0x80, v4, vm0, $0xb8;
	[tilespmem:$0x10100] =	vst v63  }
0x95: {  	s29 =	simm.s32 $0x2100  }
0x96: {  	[tilespmem:s29], [sflag:$0x1] =	stream.indirect_vreg.gather [hbm4b:s1+s3], $0x80, v3, vm0, $0xb8;
	[tilespmem:$0x10100] =	vst v63  }
0x97: {  	s10 =	simm.s32 $0x2900  }
0x98: {  	[tilespmem:s10], [sflag:$0x1] =	stream.indirect_vreg.gather [hbm4b:s4+s3], $0x80, v3, vm0, $0xb8;
	[tilespmem:$0x10100] =	vst v63  }
0x99: {  	s11 =	simm.s32 $0x3100  }
0x9a: {  	[tilespmem:s11], [sflag:$0x1] =	stream.indirect_vreg.gather [hbm4b:s5+s3], $0x80, v3, vm0, $0xb8;
	[tilespmem:$0x10100] =	vst v63  }
0x9b: {  	s13 =	simm.s32 $0x3900  }
0x9c: {  	[tilespmem:s13], [sflag:$0x1] =	stream.indirect_vreg.gather [hbm4b:s6+s3], $0x80, v3, vm0, $0xb8;
	[tilespmem:$0x10100] =	vst v63  }
0x9d: {  	v3 =	vld [tilespmem:$0x10];
	_ =	sdelay $0x4  }
0x9e: {  	v53 =	vshll.u32 v3, $0x3  }
0x9f: {  	v3 =	vand.u32 $0x7, v3;
	v4 =	vand.u32 $0xFFFFFFC0, v53  }
0xa0: {  	v3 =	vor.u32 v3, v4  }
0xa1: {  	v4 =	vperm.xlane v3, v0;
	_ =	sdelay $0x1  }
0xa2: {  	v4 =	vadd.s32 v1, v4;
	_ =	sdelay $0x3  }
0xa3: {  	s14 =	simm.s32 $0x4100  }
0xa4: {  	[tilespmem:s14], [sflag:$0x1] =	stream.indirect_vreg.gather [hbm4b:s1+s3], $0x80, v4, vm0, $0xb8;
	[tilespmem:$0x10100] =	vst v63  }
0xa5: {  	s12 =	simm.s32 $0x4900;
	v3 =	vperm.xlane v3, v2  }
0xa6: {  	[tilespmem:s12], [sflag:$0x1] =	stream.indirect_vreg.gather [hbm4b:s4+s3], $0x80, v4, vm0, $0xb8;
	[tilespmem:$0x10100] =	vst v63  }
0xa7: {  	v3 =	vadd.s32 v1, v3;
	s12 =	simm.s32 $0x5100  }
0xa8: {  	[tilespmem:s12], [sflag:$0x1] =	stream.indirect_vreg.gather [hbm4b:s5+s3], $0x80, v4, vm0, $0xb8;
	[tilespmem:$0x10100] =	vst v63  }
0xa9: {  	s13 =	simm.s32 $0x5900  }
0xaa: {  	[tilespmem:s13], [sflag:$0x1] =	stream.indirect_vreg.gather [hbm4b:s6+s3], $0x80, v4, vm0, $0xb8;
	[tilespmem:$0x10100] =	vst v63  }
0xab: {  	s14 =	simm.s32 $0x6100  }
0xac: {  	[tilespmem:s14], [sflag:$0x1] =	stream.indirect_vreg.gather [hbm4b:s1+s3], $0x80, v3, vm0, $0xb8;
	[tilespmem:$0x10100] =	vst v63  }
0xad: {  	s15 =	simm.s32 $0x6900  }
0xae: {  	[tilespmem:s15], [sflag:$0x1] =	stream.indirect_vreg.gather [hbm4b:s4+s3], $0x80, v3, vm0, $0xb8;
	[tilespmem:$0x10100] =	vst v63  }
0xaf: {  	s16 =	simm.s32 $0x7100  }
0xb0: {  	[tilespmem:s16], [sflag:$0x1] =	stream.indirect_vreg.gather [hbm4b:s5+s3], $0x80, v3, vm0, $0xb8;
	[tilespmem:$0x10100] =	vst v63  }
0xb1: {  	s17 =	simm.s32 $0x7900  }
0xb2: {  	[tilespmem:s17], [sflag:$0x1] =	stream.indirect_vreg.gather [hbm4b:s6+s3], $0x80, v3, vm0, $0xb8;
	[tilespmem:$0x10100] =	vst v63  }
0xb3: {  	_ =	swait.ge [sflag:s20], $0x8000  }
0xb4: {  	[sflag:s20] =	ssyncset.done $0x0  }
0xb5: {  	s2 =	rddreg [dreg:$0x7];
	[sflag:s20] =	ssyncadd.s32 $0xFFFF8000  }
0xb6: {  	[hbm4b:s2+s3] =	stream.linear.scatter [tilespmem:s26], [sflag:$0x3], $0x8000, $0x38;
	[tilespmem:$0x10100] =	vst v63  }
0xb7: {  	_ =	swait.ge [sflag:s8], $0x8000  }
0xb8: {  	[sflag:s8] =	ssyncset.done $0x0  }
0xb9: {  	s2 =	simm.s32 $0x80;
	s9 =	rddreg [dreg:$0x8];
	[sflag:s8] =	ssyncadd.s32 $0xFFFF8000  }
0xba: {  	[tilespmem:s2], [sflag:$0x3] =	stream.linear.gather [hbm4b:s9+s3], $0x20, $0x38;
	[tilespmem:$0x10100] =	vst v63  }
0xbb: {  	_ =	swait.ge [sflag:s8], $0x20  }
0xbc: {  	[sflag:s8] =	ssyncset.done $0x0  }
0xbd: {  	[sflag:s8] =	ssyncadd.s32 $0xFFFFFFE0  }
0xbe: {  	v3 =	vld [tilespmem:$0x80];
	_ =	sdelay $0x4  }
0xbf: {  	v54 =	vshll.u32 v3, $0x3  }
0xc0: {  	v3 =	vand.u32 $0x7, v3;
	v4 =	vand.u32 $0xFFFFFFC0, v54  }
0xc1: {  	v3 =	vor.u32 v3, v4  }
0xc2: {  	v4 =	vperm.xlane v3, v0;
	_ =	sdelay $0x1  }
0xc3: {  	v4 =	vadd.s32 v1, v4;
	_ =	sdelay $0x4  }
0xc4: {  	[tilespmem:s26], [sflag:$0x2] =	stream.indirect_vreg.gather [hbm4b:s1+s3], $0x80, v4, vm0, $0xb8;
	[tilespmem:$0x10100] =	vst v63  }
0xc5: {  	s9 =	simm.s32 $0x8900;
	v3 =	vperm.xlane v3, v2  }
0xc6: {  	[tilespmem:s9], [sflag:$0x2] =	stream.indirect_vreg.gather [hbm4b:s4+s3], $0x80, v4, vm0, $0xb8;
	[tilespmem:$0x10100] =	vst v63  }
0xc7: {  	s0 =	simm.s32 $0x9100;
	v3 =	vadd.s32 v1, v3  }
0xc8: {  	[tilespmem:s0], [sflag:$0x2] =	stream.indirect_vreg.gather [hbm4b:s5+s3], $0x80, v4, vm0, $0xb8;
	[tilespmem:$0x10100] =	vst v63  }
0xc9: {  	s21 =	simm.s32 $0x9900  }
0xca: {  	[tilespmem:s21], [sflag:$0x2] =	stream.indirect_vreg.gather [hbm4b:s6+s3], $0x80, v4, vm0, $0xb8;
	[tilespmem:$0x10100] =	vst v63  }
0xcb: {  	s25 =	simm.s32 $0xA100  }
0xcc: {  	[tilespmem:s25], [sflag:$0x2] =	stream.indirect_vreg.gather [hbm4b:s1+s3], $0x80, v3, vm0, $0xb8;
	[tilespmem:$0x10100] =	vst v63  }
0xcd: {  	s28 =	simm.s32 $0xA900  }
0xce: {  	[tilespmem:s28], [sflag:$0x2] =	stream.indirect_vreg.gather [hbm4b:s4+s3], $0x80, v3, vm0, $0xb8;
	[tilespmem:$0x10100] =	vst v63  }
0xcf: {  	s31 =	simm.s32 $0xB100  }
0xd0: {  	[tilespmem:s31], [sflag:$0x2] =	stream.indirect_vreg.gather [hbm4b:s5+s3], $0x80, v3, vm0, $0xb8;
	[tilespmem:$0x10100] =	vst v63  }
0xd1: {  	s24 =	simm.s32 $0xB900  }
0xd2: {  	[tilespmem:s24], [sflag:$0x2] =	stream.indirect_vreg.gather [hbm4b:s6+s3], $0x80, v3, vm0, $0xb8;
	[tilespmem:$0x10100] =	vst v63  }
0xd3: {  	v3 =	vld [tilespmem:$0x90];
	_ =	sdelay $0x4  }
0xd4: {  	v55 =	vshll.u32 v3, $0x3  }
0xd5: {  	v3 =	vand.u32 $0x7, v3;
	v4 =	vand.u32 $0xFFFFFFC0, v55  }
0xd6: {  	v3 =	vor.u32 v3, v4  }
0xd7: {  	v4 =	vperm.xlane v3, v0;
	_ =	sdelay $0x1  }
0xd8: {  	v4 =	vadd.s32 v1, v4;
	_ =	sdelay $0x3  }
0xd9: {  	s18 =	simm.s32 $0xC100  }
0xda: {  	[tilespmem:s18], [sflag:$0x2] =	stream.indirect_vreg.gather [hbm4b:s1+s3], $0x80, v4, vm0, $0xb8;
	[tilespmem:$0x10100] =	vst v63  }
0xdb: {  	s22 =	simm.s32 $0xC900;
	v3 =	vperm.xlane v3, v2  }
0xdc: {  	[tilespmem:s22], [sflag:$0x2] =	stream.indirect_vreg.gather [hbm4b:s4+s3], $0x80, v4, vm0, $0xb8;
	[tilespmem:$0x10100] =	vst v63  }
0xdd: {  	s21 =	simm.s32 $0xD100;
	v3 =	vadd.s32 v1, v3  }
0xde: {  	[tilespmem:s21], [sflag:$0x2] =	stream.indirect_vreg.gather [hbm4b:s5+s3], $0x80, v4, vm0, $0xb8;
	[tilespmem:$0x10100] =	vst v63  }
0xdf: {  	s22 =	simm.s32 $0xD900  }
0xe0: {  	[tilespmem:s22], [sflag:$0x2] =	stream.indirect_vreg.gather [hbm4b:s6+s3], $0x80, v4, vm0, $0xb8;
	[tilespmem:$0x10100] =	vst v63  }
0xe1: {  	s24 =	simm.s32 $0xE100  }
0xe2: {  	[tilespmem:s24], [sflag:$0x2] =	stream.indirect_vreg.gather [hbm4b:s1+s3], $0x80, v3, vm0, $0xb8;
	[tilespmem:$0x10100] =	vst v63  }
0xe3: {  	s22 =	simm.s32 $0xE900  }
0xe4: {  	[tilespmem:s22], [sflag:$0x2] =	stream.indirect_vreg.gather [hbm4b:s4+s3], $0x80, v3, vm0, $0xb8;
	[tilespmem:$0x10100] =	vst v63  }
0xe5: {  	s21 =	simm.s32 $0xF100  }
0xe6: {  	[tilespmem:s21], [sflag:$0x2] =	stream.indirect_vreg.gather [hbm4b:s5+s3], $0x80, v3, vm0, $0xb8;
	[tilespmem:$0x10100] =	vst v63  }
0xe7: {  	s23 =	simm.s32 $0xF900  }
0xe8: {  	[tilespmem:s23], [sflag:$0x2] =	stream.indirect_vreg.gather [hbm4b:s6+s3], $0x80, v3, vm0, $0xb8;
	[tilespmem:$0x10100] =	vst v63  }
0xe9: {  	_ =	swait.ge [sflag:s19], $0x8000  }
0xea: {  	[sflag:s19] =	ssyncset.done $0x0  }
0xeb: {  	s23 =	rddreg [dreg:$0x9];
	[sflag:s19] =	ssyncadd.s32 $0xFFFF8000  }
0xec: {  	[hbm4b:s23+s3] =	stream.linear.scatter [tilespmem:s30], [sflag:$0x3], $0x8000, $0x38;
	[tilespmem:$0x10100] =	vst v63  }
0xed: {  	_ =	swait.ge [sflag:s8], $0x8000  }
0xee: {  	[sflag:s8] =	ssyncset.done $0x0  }
0xef: {  	s23 =	rddreg [dreg:$0xa];
	[sflag:s8] =	ssyncadd.s32 $0xFFFF8000  }
0xf0: {  	[tilespmem:s3], [sflag:$0x3] =	stream.linear.gather [hbm4b:s23+s3], $0x20, $0x38;
	[tilespmem:$0x10100] =	vst v63  }
0xf1: {  	_ =	swait.ge [sflag:s8], $0x20  }
0xf2: {  	[sflag:s8] =	ssyncset.done $0x0  }
0xf3: {  	[sflag:s8] =	ssyncadd.s32 $0xFFFFFFE0  }
0xf4: {  	v3 =	vld [tilespmem:$0x0];
	_ =	sdelay $0x4  }
0xf5: {  	v56 =	vshll.u32 v3, $0x3  }
0xf6: {  	v3 =	vand.u32 $0x7, v3;
	v4 =	vand.u32 $0xFFFFFFC0, v56  }
0xf7: {  	v3 =	vor.u32 v3, v4  }
0xf8: {  	v4 =	vperm.xlane v3, v0;
	_ =	sdelay $0x1  }
0xf9: {  	v4 =	vadd.s32 v1, v4;
	_ =	sdelay $0x4  }
0xfa: {  	[tilespmem:s30], [sflag:$0x1] =	stream.indirect_vreg.gather [hbm4b:s1+s3], $0x80, v4, vm0, $0xb8;
	[tilespmem:$0x10100] =	vst v63  }
0xfb: {  	s23 =	simm.s32 $0x900;
	v3 =	vperm.xlane v3, v2  }
0xfc: {  	[tilespmem:s23], [sflag:$0x1] =	stream.indirect_vreg.gather [hbm4b:s4+s3], $0x80, v4, vm0, $0xb8;
	[tilespmem:$0x10100] =	vst v63  }
0xfd: {  	v3 =	vadd.s32 v1, v3;
	s23 =	simm.s32 $0x1100  }
0xfe: {  	[tilespmem:s23], [sflag:$0x1] =	stream.indirect_vreg.gather [hbm4b:s5+s3], $0x80, v4, vm0, $0xb8;
	[tilespmem:$0x10100] =	vst v63  }
0xff: {  	s23 =	simm.s32 $0x1900  }
0x100: {  	[tilespmem:s23], [sflag:$0x1] =	stream.indirect_vreg.gather [hbm4b:s6+s3], $0x80, v4, vm0, $0xb8;
	[tilespmem:$0x10100] =	vst v63  }
0x101: {  	_ = 	snop  }
0x102: {  	[tilespmem:s29], [sflag:$0x1] =	stream.indirect_vreg.gather [hbm4b:s1+s3], $0x80, v3, vm0, $0xb8;
	[tilespmem:$0x10100] =	vst v63  }
0x103: {  	_ = 	snop  }
0x104: {  	[tilespmem:s10], [sflag:$0x1] =	stream.indirect_vreg.gather [hbm4b:s4+s3], $0x80, v3, vm0, $0xb8;
	[tilespmem:$0x10100] =	vst v63  }
0x105: {  	_ = 	snop  }
0x106: {  	[tilespmem:s11], [sflag:$0x1] =	stream.indirect_vreg.gather [hbm4b:s5+s3], $0x80, v3, vm0, $0xb8;
	[tilespmem:$0x10100] =	vst v63  }
0x107: {  	s29 =	simm.s32 $0x3900  }
0x108: {  	[tilespmem:s29], [sflag:$0x1] =	stream.indirect_vreg.gather [hbm4b:s6+s3], $0x80, v3, vm0, $0xb8;
	[tilespmem:$0x10100] =	vst v63  }
0x109: {  	v3 =	vld [tilespmem:$0x10];
	_ =	sdelay $0x4  }
0x10a: {  	v57 =	vshll.u32 v3, $0x3  }
0x10b: {  	v3 =	vand.u32 $0x7, v3;
	v4 =	vand.u32 $0xFFFFFFC0, v57  }
0x10c: {  	v3 =	vor.u32 v3, v4  }
0x10d: {  	v4 =	vperm.xlane v3, v0;
	_ =	sdelay $0x1  }
0x10e: {  	v4 =	vadd.s32 v1, v4;
	_ =	sdelay $0x3  }
0x10f: {  	s29 =	simm.s32 $0x4100  }
0x110: {  	[tilespmem:s29], [sflag:$0x1] =	stream.indirect_vreg.gather [hbm4b:s1+s3], $0x80, v4, vm0, $0xb8;
	[tilespmem:$0x10100] =	vst v63  }
0x111: {  	v3 =	vperm.xlane v3, v2;
	s29 =	simm.s32 $0x4900  }
0x112: {  	[tilespmem:s29], [sflag:$0x1] =	stream.indirect_vreg.gather [hbm4b:s4+s3], $0x80, v4, vm0, $0xb8;
	[tilespmem:$0x10100] =	vst v63  }
0x113: {  	v3 =	vadd.s32 v1, v3  }
0x114: {  	[tilespmem:s12], [sflag:$0x1] =	stream.indirect_vreg.gather [hbm4b:s5+s3], $0x80, v4, vm0, $0xb8;
	[tilespmem:$0x10100] =	vst v63  }
0x115: {  	_ = 	snop  }
0x116: {  	[tilespmem:s13], [sflag:$0x1] =	stream.indirect_vreg.gather [hbm4b:s6+s3], $0x80, v4, vm0, $0xb8;
	[tilespmem:$0x10100] =	vst v63  }
0x117: {  	_ = 	snop  }
0x118: {  	[tilespmem:s14], [sflag:$0x1] =	stream.indirect_vreg.gather [hbm4b:s1+s3], $0x80, v3, vm0, $0xb8;
	[tilespmem:$0x10100] =	vst v63  }
0x119: {  	_ = 	snop  }
0x11a: {  	[tilespmem:s15], [sflag:$0x1] =	stream.indirect_vreg.gather [hbm4b:s4+s3], $0x80, v3, vm0, $0xb8;
	[tilespmem:$0x10100] =	vst v63  }
0x11b: {  	_ = 	snop  }
0x11c: {  	[tilespmem:s16], [sflag:$0x1] =	stream.indirect_vreg.gather [hbm4b:s5+s3], $0x80, v3, vm0, $0xb8;
	[tilespmem:$0x10100] =	vst v63  }
0x11d: {  	_ = 	snop  }
0x11e: {  	[tilespmem:s17], [sflag:$0x1] =	stream.indirect_vreg.gather [hbm4b:s6+s3], $0x80, v3, vm0, $0xb8;
	[tilespmem:$0x10100] =	vst v63  }
0x11f: {  	_ =	swait.ge [sflag:s20], $0x8000  }
0x120: {  	[sflag:s20] =	ssyncset.done $0x0  }
0x121: {  	s29 =	rddreg [dreg:$0xb];
	[sflag:s20] =	ssyncadd.s32 $0xFFFF8000  }
0x122: {  	[hbm4b:s29+s3] =	stream.linear.scatter [tilespmem:s26], [sflag:$0x3], $0x8000, $0x38;
	[tilespmem:$0x10100] =	vst v63  }
0x123: {  	_ =	swait.ge [sflag:s8], $0x8000  }
0x124: {  	[sflag:s8] =	ssyncset.done $0x0  }
0x125: {  	s29 =	rddreg [dreg:$0xc];
	[sflag:s8] =	ssyncadd.s32 $0xFFFF8000  }
0x126: {  	[tilespmem:s2], [sflag:$0x3] =	stream.linear.gather [hbm4b:s29+s3], $0x20, $0x38;
	[tilespmem:$0x10100] =	vst v63  }
0x127: {  	_ =	swait.ge [sflag:s8], $0x20  }
0x128: {  	[sflag:s8] =	ssyncset.done $0x0  }
0x129: {  	[sflag:s8] =	ssyncadd.s32 $0xFFFFFFE0  }
0x12a: {  	v3 =	vld [tilespmem:$0x80];
	_ =	sdelay $0x4  }
0x12b: {  	v58 =	vshll.u32 v3, $0x3  }
0x12c: {  	v3 =	vand.u32 $0x7, v3;
	v4 =	vand.u32 $0xFFFFFFC0, v58  }
0x12d: {  	v3 =	vor.u32 v3, v4  }
0x12e: {  	v4 =	vperm.xlane v3, v0;
	_ =	sdelay $0x1  }
0x12f: {  	v4 =	vadd.s32 v1, v4;
	_ =	sdelay $0x4  }
0x130: {  	[tilespmem:s26], [sflag:$0x2] =	stream.indirect_vreg.gather [hbm4b:s1+s3], $0x80, v4, vm0, $0xb8;
	[tilespmem:$0x10100] =	vst v63  }
0x131: {  	v3 =	vperm.xlane v3, v2  }
0x132: {  	[tilespmem:s9], [sflag:$0x2] =	stream.indirect_vreg.gather [hbm4b:s4+s3], $0x80, v4, vm0, $0xb8;
	[tilespmem:$0x10100] =	vst v63  }
0x133: {  	v3 =	vadd.s32 v1, v3  }
0x134: {  	[tilespmem:s0], [sflag:$0x2] =	stream.indirect_vreg.gather [hbm4b:s5+s3], $0x80, v4, vm0, $0xb8;
	[tilespmem:$0x10100] =	vst v63  }
0x135: {  	s29 =	simm.s32 $0x9900  }
0x136: {  	[tilespmem:s29], [sflag:$0x2] =	stream.indirect_vreg.gather [hbm4b:s6+s3], $0x80, v4, vm0, $0xb8;
	[tilespmem:$0x10100] =	vst v63  }
0x137: {  	s25 =	simm.s32 $0xA100  }
0x138: {  	[tilespmem:s25], [sflag:$0x2] =	stream.indirect_vreg.gather [hbm4b:s1+s3], $0x80, v3, vm0, $0xb8;
	[tilespmem:$0x10100] =	vst v63  }
0x139: {  	s28 =	simm.s32 $0xA900  }
0x13a: {  	[tilespmem:s28], [sflag:$0x2] =	stream.indirect_vreg.gather [hbm4b:s4+s3], $0x80, v3, vm0, $0xb8;
	[tilespmem:$0x10100] =	vst v63  }
0x13b: {  	s31 =	simm.s32 $0xB100  }
0x13c: {  	[tilespmem:s31], [sflag:$0x2] =	stream.indirect_vreg.gather [hbm4b:s5+s3], $0x80, v3, vm0, $0xb8;
	[tilespmem:$0x10100] =	vst v63  }
0x13d: {  	s31 =	simm.s32 $0xB900  }
0x13e: {  	[tilespmem:s31], [sflag:$0x2] =	stream.indirect_vreg.gather [hbm4b:s6+s3], $0x80, v3, vm0, $0xb8;
	[tilespmem:$0x10100] =	vst v63  }
0x13f: {  	v3 =	vld [tilespmem:$0x90];
	_ =	sdelay $0x4  }
0x140: {  	v59 =	vshll.u32 v3, $0x3  }
0x141: {  	v3 =	vand.u32 $0x7, v3;
	v4 =	vand.u32 $0xFFFFFFC0, v59  }
0x142: {  	v3 =	vor.u32 v3, v4  }
0x143: {  	v4 =	vperm.xlane v3, v0;
	_ =	sdelay $0x1  }
0x144: {  	v4 =	vadd.s32 v1, v4;
	_ =	sdelay $0x3  }
0x145: {  	s31 =	simm.s32 $0xC100  }
0x146: {  	[tilespmem:s31], [sflag:$0x2] =	stream.indirect_vreg.gather [hbm4b:s1+s3], $0x80, v4, vm0, $0xb8;
	[tilespmem:$0x10100] =	vst v63  }
0x147: {  	v3 =	vperm.xlane v3, v2;
	s31 =	simm.s32 $0xC900  }
0x148: {  	[tilespmem:s31], [sflag:$0x2] =	stream.indirect_vreg.gather [hbm4b:s4+s3], $0x80, v4, vm0, $0xb8;
	[tilespmem:$0x10100] =	vst v63  }
0x149: {  	s18 =	simm.s32 $0xD100;
	v3 =	vadd.s32 v1, v3  }
0x14a: {  	[tilespmem:s18], [sflag:$0x2] =	stream.indirect_vreg.gather [hbm4b:s5+s3], $0x80, v4, vm0, $0xb8;
	[tilespmem:$0x10100] =	vst v63  }
0x14b: {  	s21 =	simm.s32 $0xD900  }
0x14c: {  	[tilespmem:s21], [sflag:$0x2] =	stream.indirect_vreg.gather [hbm4b:s6+s3], $0x80, v4, vm0, $0xb8;
	[tilespmem:$0x10100] =	vst v63  }
0x14d: {  	s24 =	simm.s32 $0xE100  }
0x14e: {  	[tilespmem:s24], [sflag:$0x2] =	stream.indirect_vreg.gather [hbm4b:s1+s3], $0x80, v3, vm0, $0xb8;
	[tilespmem:$0x10100] =	vst v63  }
0x14f: {  	s22 =	simm.s32 $0xE900  }
0x150: {  	[tilespmem:s22], [sflag:$0x2] =	stream.indirect_vreg.gather [hbm4b:s4+s3], $0x80, v3, vm0, $0xb8;
	[tilespmem:$0x10100] =	vst v63  }
0x151: {  	s22 =	simm.s32 $0xF100  }
0x152: {  	[tilespmem:s22], [sflag:$0x2] =	stream.indirect_vreg.gather [hbm4b:s5+s3], $0x80, v3, vm0, $0xb8;
	[tilespmem:$0x10100] =	vst v63  }
0x153: {  	s21 =	simm.s32 $0xF900  }
0x154: {  	[tilespmem:s21], [sflag:$0x2] =	stream.indirect_vreg.gather [hbm4b:s6+s3], $0x80, v3, vm0, $0xb8;
	[tilespmem:$0x10100] =	vst v63  }
0x155: {  	_ =	swait.ge [sflag:s19], $0x8000  }
0x156: {  	[sflag:s19] =	ssyncset.done $0x0  }
0x157: {  	s21 =	rddreg [dreg:$0xd];
	[sflag:s19] =	ssyncadd.s32 $0xFFFF8000  }
0x158: {  	[hbm4b:s21+s3] =	stream.linear.scatter [tilespmem:s30], [sflag:$0x3], $0x8000, $0x38;
	[tilespmem:$0x10100] =	vst v63  }
0x159: {  	_ =	swait.ge [sflag:s8], $0x8000  }
0x15a: {  	[sflag:s8] =	ssyncset.done $0x0  }
0x15b: {  	s21 =	rddreg [dreg:$0xe];
	[sflag:s8] =	ssyncadd.s32 $0xFFFF8000  }
0x15c: {  	[tilespmem:s3], [sflag:$0x3] =	stream.linear.gather [hbm4b:s21+s3], $0x20, $0x38;
	[tilespmem:$0x10100] =	vst v63  }
0x15d: {  	_ =	swait.ge [sflag:s8], $0x20  }
0x15e: {  	[sflag:s8] =	ssyncset.done $0x0  }
0x15f: {  	[sflag:s8] =	ssyncadd.s32 $0xFFFFFFE0  }
0x160: {  	v3 =	vld [tilespmem:$0x0];
	_ =	sdelay $0x4  }
0x161: {  	v60 =	vshll.u32 v3, $0x3  }
0x162: {  	v3 =	vand.u32 $0x7, v3;
	v4 =	vand.u32 $0xFFFFFFC0, v60  }
0x163: {  	v3 =	vor.u32 v3, v4  }
0x164: {  	v4 =	vperm.xlane v3, v0;
	_ =	sdelay $0x1  }
0x165: {  	v4 =	vadd.s32 v1, v4;
	_ =	sdelay $0x4  }
0x166: {  	[tilespmem:s30], [sflag:$0x1] =	stream.indirect_vreg.gather [hbm4b:s1+s3], $0x80, v4, vm0, $0xb8;
	[tilespmem:$0x10100] =	vst v63  }
0x167: {  	s21 =	simm.s32 $0x900;
	v3 =	vperm.xlane v3, v2  }
0x168: {  	[tilespmem:s21], [sflag:$0x1] =	stream.indirect_vreg.gather [hbm4b:s4+s3], $0x80, v4, vm0, $0xb8;
	[tilespmem:$0x10100] =	vst v63  }
0x169: {  	v3 =	vadd.s32 v1, v3;
	s21 =	simm.s32 $0x1100  }
0x16a: {  	[tilespmem:s21], [sflag:$0x1] =	stream.indirect_vreg.gather [hbm4b:s5+s3], $0x80, v4, vm0, $0xb8;
	[tilespmem:$0x10100] =	vst v63  }
0x16b: {  	s21 =	simm.s32 $0x1900  }
0x16c: {  	[tilespmem:s21], [sflag:$0x1] =	stream.indirect_vreg.gather [hbm4b:s6+s3], $0x80, v4, vm0, $0xb8;
	[tilespmem:$0x10100] =	vst v63  }
0x16d: {  	s23 =	simm.s32 $0x2100  }
0x16e: {  	[tilespmem:s23], [sflag:$0x1] =	stream.indirect_vreg.gather [hbm4b:s1+s3], $0x80, v3, vm0, $0xb8;
	[tilespmem:$0x10100] =	vst v63  }
0x16f: {  	s10 =	simm.s32 $0x2900  }
0x170: {  	[tilespmem:s10], [sflag:$0x1] =	stream.indirect_vreg.gather [hbm4b:s4+s3], $0x80, v3, vm0, $0xb8;
	[tilespmem:$0x10100] =	vst v63  }
0x171: {  	s11 =	simm.s32 $0x3100  }
0x172: {  	[tilespmem:s11], [sflag:$0x1] =	stream.indirect_vreg.gather [hbm4b:s5+s3], $0x80, v3, vm0, $0xb8;
	[tilespmem:$0x10100] =	vst v63  }
0x173: {  	s21 =	simm.s32 $0x3900  }
0x174: {  	[tilespmem:s21], [sflag:$0x1] =	stream.indirect_vreg.gather [hbm4b:s6+s3], $0x80, v3, vm0, $0xb8;
	[tilespmem:$0x10100] =	vst v63  }
0x175: {  	v3 =	vld [tilespmem:$0x10];
	_ =	sdelay $0x4  }
0x176: {  	v61 =	vshll.u32 v3, $0x3  }
0x177: {  	v3 =	vand.u32 $0x7, v3;
	v4 =	vand.u32 $0xFFFFFFC0, v61  }
0x178: {  	v3 =	vor.u32 v3, v4  }
0x179: {  	v4 =	vperm.xlane v3, v0;
	_ =	sdelay $0x1  }
0x17a: {  	v4 =	vadd.s32 v1, v4;
	_ =	sdelay $0x3  }
0x17b: {  	s23 =	simm.s32 $0x4100  }
0x17c: {  	[tilespmem:s23], [sflag:$0x1] =	stream.indirect_vreg.gather [hbm4b:s1+s3], $0x80, v4, vm0, $0xb8;
	[tilespmem:$0x10100] =	vst v63  }
0x17d: {  	s11 =	simm.s32 $0x4900;
	v3 =	vperm.xlane v3, v2  }
0x17e: {  	[tilespmem:s11], [sflag:$0x1] =	stream.indirect_vreg.gather [hbm4b:s4+s3], $0x80, v4, vm0, $0xb8;
	[tilespmem:$0x10100] =	vst v63  }
0x17f: {  	s12 =	simm.s32 $0x5100;
	v3 =	vadd.s32 v1, v3  }
0x180: {  	[tilespmem:s12], [sflag:$0x1] =	stream.indirect_vreg.gather [hbm4b:s5+s3], $0x80, v4, vm0, $0xb8;
	[tilespmem:$0x10100] =	vst v63  }
0x181: {  	s13 =	simm.s32 $0x5900  }
0x182: {  	[tilespmem:s13], [sflag:$0x1] =	stream.indirect_vreg.gather [hbm4b:s6+s3], $0x80, v4, vm0, $0xb8;
	[tilespmem:$0x10100] =	vst v63  }
0x183: {  	s14 =	simm.s32 $0x6100  }
0x184: {  	[tilespmem:s14], [sflag:$0x1] =	stream.indirect_vreg.gather [hbm4b:s1+s3], $0x80, v3, vm0, $0xb8;
	[tilespmem:$0x10100] =	vst v63  }
0x185: {  	s15 =	simm.s32 $0x6900  }
0x186: {  	[tilespmem:s15], [sflag:$0x1] =	stream.indirect_vreg.gather [hbm4b:s4+s3], $0x80, v3, vm0, $0xb8;
	[tilespmem:$0x10100] =	vst v63  }
0x187: {  	s16 =	simm.s32 $0x7100  }
0x188: {  	[tilespmem:s16], [sflag:$0x1] =	stream.indirect_vreg.gather [hbm4b:s5+s3], $0x80, v3, vm0, $0xb8;
	[tilespmem:$0x10100] =	vst v63  }
0x189: {  	s17 =	simm.s32 $0x7900  }
0x18a: {  	[tilespmem:s17], [sflag:$0x1] =	stream.indirect_vreg.gather [hbm4b:s6+s3], $0x80, v3, vm0, $0xb8;
	[tilespmem:$0x10100] =	vst v63  }
0x18b: {  	_ =	swait.ge [sflag:s20], $0x8000  }
0x18c: {  	[sflag:s20] =	ssyncset.done $0x0  }
0x18d: {  	s14 =	rddreg [dreg:$0xf];
	[sflag:s20] =	ssyncadd.s32 $0xFFFF8000  }
0x18e: {  	[hbm4b:s14+s3] =	stream.linear.scatter [tilespmem:s26], [sflag:$0x3], $0x8000, $0x38;
	[tilespmem:$0x10100] =	vst v63  }
0x18f: {  	_ =	swait.ge [sflag:s8], $0x8000  }
0x190: {  	[sflag:s8] =	ssyncset.done $0x0  }
0x191: {  	s2 =	simm.s32 $0x80;
	s15 =	rddreg [dreg:$0x10];
	[sflag:s8] =	ssyncadd.s32 $0xFFFF8000  }
0x192: {  	[tilespmem:s2], [sflag:$0x3] =	stream.linear.gather [hbm4b:s15+s3], $0x20, $0x38;
	[tilespmem:$0x10100] =	vst v63  }
0x193: {  	_ =	swait.ge [sflag:s8], $0x20  }
0x194: {  	[sflag:s8] =	ssyncset.done $0x0  }
0x195: {  	[sflag:s8] =	ssyncadd.s32 $0xFFFFFFE0  }
0x196: {  	v3 =	vld [tilespmem:$0x80];
	_ =	sdelay $0x4  }
0x197: {  	v62 =	vshll.u32 v3, $0x3  }
0x198: {  	v3 =	vand.u32 $0x7, v3;
	v4 =	vand.u32 $0xFFFFFFC0, v62  }
0x199: {  	v3 =	vor.u32 v3, v4  }
0x19a: {  	v4 =	vperm.xlane v3, v0;
	_ =	sdelay $0x1  }
0x19b: {  	v4 =	vadd.s32 v1, v4;
	_ =	sdelay $0x4  }
0x19c: {  	[tilespmem:s26], [sflag:$0x2] =	stream.indirect_vreg.gather [hbm4b:s1+s3], $0x80, v4, vm0, $0xb8;
	[tilespmem:$0x10100] =	vst v63  }
0x19d: {  	s9 =	simm.s32 $0x8900;
	v3 =	vperm.xlane v3, v2  }
0x19e: {  	[tilespmem:s9], [sflag:$0x2] =	stream.indirect_vreg.gather [hbm4b:s4+s3], $0x80, v4, vm0, $0xb8;
	[tilespmem:$0x10100] =	vst v63  }
0x19f: {  	s0 =	simm.s32 $0x9100;
	v3 =	vadd.s32 v1, v3  }
0x1a0: {  	[tilespmem:s0], [sflag:$0x2] =	stream.indirect_vreg.gather [hbm4b:s5+s3], $0x80, v4, vm0, $0xb8;
	[tilespmem:$0x10100] =	vst v63  }
0x1a1: {  	s16 =	simm.s32 $0x9900  }
0x1a2: {  	[tilespmem:s16], [sflag:$0x2] =	stream.indirect_vreg.gather [hbm4b:s6+s3], $0x80, v4, vm0, $0xb8;
	[tilespmem:$0x10100] =	vst v63  }
0x1a3: {  	s29 =	simm.s32 $0xA100  }
0x1a4: {  	[tilespmem:s29], [sflag:$0x2] =	stream.indirect_vreg.gather [hbm4b:s1+s3], $0x80, v3, vm0, $0xb8;
	[tilespmem:$0x10100] =	vst v63  }
0x1a5: {  	s25 =	simm.s32 $0xA900  }
0x1a6: {  	[tilespmem:s25], [sflag:$0x2] =	stream.indirect_vreg.gather [hbm4b:s4+s3], $0x80, v3, vm0, $0xb8;
	[tilespmem:$0x10100] =	vst v63  }
0x1a7: {  	s28 =	simm.s32 $0xB100  }
0x1a8: {  	[tilespmem:s28], [sflag:$0x2] =	stream.indirect_vreg.gather [hbm4b:s5+s3], $0x80, v3, vm0, $0xb8;
	[tilespmem:$0x10100] =	vst v63  }
0x1a9: {  	s17 =	simm.s32 $0xB900  }
0x1aa: {  	[tilespmem:s17], [sflag:$0x2] =	stream.indirect_vreg.gather [hbm4b:s6+s3], $0x80, v3, vm0, $0xb8;
	[tilespmem:$0x10100] =	vst v63  }
0x1ab: {  	v3 =	vld [tilespmem:$0x90];
	_ =	sdelay $0x4  }
0x1ac: {  	v63 =	vshll.u32 v3, $0x3  }
0x1ad: {  	v3 =	vand.u32 $0x7, v3;
	v4 =	vand.u32 $0xFFFFFFC0, v63  }
0x1ae: {  	v3 =	vor.u32 v3, v4  }
0x1af: {  	v4 =	vperm.xlane v3, v0;
	_ =	sdelay $0x1  }
0x1b0: {  	v4 =	vadd.s32 v1, v4;
	_ =	sdelay $0x3  }
0x1b1: {  	s21 =	simm.s32 $0xC100  }
0x1b2: {  	[tilespmem:s21], [sflag:$0x2] =	stream.indirect_vreg.gather [hbm4b:s1+s3], $0x80, v4, vm0, $0xb8;
	[tilespmem:$0x10100] =	vst v63  }
0x1b3: {  	s23 =	simm.s32 $0xC900;
	v3 =	vperm.xlane v3, v2  }
0x1b4: {  	[tilespmem:s23], [sflag:$0x2] =	stream.indirect_vreg.gather [hbm4b:s4+s3], $0x80, v4, vm0, $0xb8;
	[tilespmem:$0x10100] =	vst v63  }
0x1b5: {  	s31 =	simm.s32 $0xD100;
	v3 =	vadd.s32 v1, v3  }
0x1b6: {  	[tilespmem:s31], [sflag:$0x2] =	stream.indirect_vreg.gather [hbm4b:s5+s3], $0x80, v4, vm0, $0xb8;
	[tilespmem:$0x10100] =	vst v63  }
0x1b7: {  	s25 =	simm.s32 $0xD900  }
0x1b8: {  	[tilespmem:s25], [sflag:$0x2] =	stream.indirect_vreg.gather [hbm4b:s6+s3], $0x80, v4, vm0, $0xb8;
	[tilespmem:$0x10100] =	vst v63  }
0x1b9: {  	s24 =	simm.s32 $0xE100  }
0x1ba: {  	[tilespmem:s24], [sflag:$0x2] =	stream.indirect_vreg.gather [hbm4b:s1+s3], $0x80, v3, vm0, $0xb8;
	[tilespmem:$0x10100] =	vst v63  }
0x1bb: {  	s18 =	simm.s32 $0xE900  }
0x1bc: {  	[tilespmem:s18], [sflag:$0x2] =	stream.indirect_vreg.gather [hbm4b:s4+s3], $0x80, v3, vm0, $0xb8;
	[tilespmem:$0x10100] =	vst v63  }
0x1bd: {  	s22 =	simm.s32 $0xF100  }
0x1be: {  	[tilespmem:s22], [sflag:$0x2] =	stream.indirect_vreg.gather [hbm4b:s5+s3], $0x80, v3, vm0, $0xb8;
	[tilespmem:$0x10100] =	vst v63  }
0x1bf: {  	s28 =	simm.s32 $0xF900  }
0x1c0: {  	[tilespmem:s28], [sflag:$0x2] =	stream.indirect_vreg.gather [hbm4b:s6+s3], $0x80, v3, vm0, $0xb8;
	[tilespmem:$0x10100] =	vst v63  }
0x1c1: {  	_ =	swait.ge [sflag:s19], $0x8000  }
0x1c2: {  	[sflag:s19] =	ssyncset.done $0x0  }
0x1c3: {  	s29 =	rddreg [dreg:$0x11];
	[sflag:s19] =	ssyncadd.s32 $0xFFFF8000  }
0x1c4: {  	[hbm4b:s29+s3] =	stream.linear.scatter [tilespmem:s30], [sflag:$0x3], $0x8000, $0x38;
	[tilespmem:$0x10100] =	vst v63  }
0x1c5: {  	_ =	swait.ge [sflag:s8], $0x8000  }
0x1c6: {  	[sflag:s8] =	ssyncset.done $0x0  }
0x1c7: {  	[sflag:s8] =	ssyncadd.s32 $0xFFFF8000  }
0x1c8: {  	_ =	swait.ge [sflag:s20], $0x8000  }
0x1c9: {  	p0 =	sne.s32 s7, $0x1;
	[sflag:s20] =	ssyncset.done $0x0  }
.Ltmp0:
0x1ca: {  	s31 =	rddreg [dreg:$0x12];
	[sflag:s20] =	ssyncadd.s32 $0xFFFF8000;
	(pc) =	sbr.rel @p0 .LBB2_1-.Ltmp0, $4  }
0x1cb: {  	[hbm4b:s31+s3] =	stream.linear.scatter [tilespmem:s26], [sflag:$0x3], $0x8000, $0x38;
	[tilespmem:$0x10100] =	vst v63  }
0x1cc: {  	_ =	swait.ge [sflag:s8], $0x8000  }
0x1cd: {  	[sflag:s8] =	ssyncset.done $0x0  }
0x1ce: {  	s7 =	sadd.s32 $0xFFFFFFFF, s7;
	[sflag:s8] =	ssyncadd.s32 $0xFFFF8000  }
0x1cf: {  	_ =	sfence.sel $0x180000  }
0x1d0: {  	[bflag:$0x0] =	sbarrier.arrive $0xFFFF  }
0x1d1: {  	_ =	strace $0x90000047  }
0x1d2: {  	s0 =	stileid.u32;
	[bflag:$0x2] =	sbarrier.arrive $0xFFFF  }
0x1d3: {  	p0 =	sne.s32 s0, $0x0;
	s0 =	rddreg [dreg:$0x2]  }
0x1d4: {  	s0 =	sadd.s32 @!p0 $0x100000, s0  }
0x1d5: {  	[sflag:s0] =	ssyncadd.tile.s32 @!p0 $0x1;
	_ =	shalt  }
.Lfunc_end2:
_tile_overlayer_lowered:
.L_overlay_start_2:
0x1d6: {  	(tag) =	ssettag $0x2  }
0x1d7: {  	s0 =	rddreg [dreg:$0x0];
	s2 =	stileid.u32  }
0x1d8: {  	s1 =	rddreg [dreg:$0x1];
	p0 =	sne.s32 s2, $0x0  }
0x1d9: {  	s3 =	rddreg [dreg:$0x2];
	[bflag:$0x3] =	sbarrier.arrive $0xFFFF;
	s2 =	simm.s32 @!p0 $0x1C03  }
0x1da: {  	[timem:s3], [sflag:s2] =	dma.local @!p0 [hbm:s0], s1  }
0x1db: {  	s0 =	simm.s32 @!p0 $0x3  }
0x1dc: {  	_ =	swait.ge @!p0 [sflag:s0], s1  }
0x1dd: {  	s1 =	ssub.s32 @!p0 $0x0, s1;
	[sflag:s0] =	ssyncset.done @!p0 $0x0  }
0x1de: {  	[sflag:s0] =	ssyncadd.s32 @!p0 s1  }
0x1df: {  	[bflag:$0x3] =	sbarrier.arrive $0xFFFF  }
0x1e0: {  	_ =	shalt  }

</sc_bundles>
